<compile_context>
chip_gen: v7x
topology: tpu7x:2x2x1
jax: 0.10.2.dev20260603
libtpu: 0.0.44.dev20260713+nightly
codegen_flags: <defaults>
</compile_context>

<pallas_src>
import functools

import jax
import jax.numpy as jnp
from jax import lax
from jax.experimental import pallas as pl
from jax.experimental.pallas import tpu as pltpu
from jax.experimental.pallas import tpu_sc as plsc

N = 10000
E = 320000
D = 128
NC = 2
NS = 16
NW = NC * NS
EPW = E // NW
C = 80
NCHUNK = EPW // C
G = 25
NG = NCHUNK // G
CP = 80
EPWP = 10000
NCP = EPWP // CP
NBUF = 3
HC = 63
NPAD = N + NW
RPT = 624
RREM = N - RPT * NS

ROWBLK = 1000
GRID = N // ROWBLK



def _hist_body(dstr, zrow, out, dst_v, ones_v, hist, sem):
    cid = lax.axis_index("c")
    sid = lax.axis_index("s")
    wid = cid * NS + sid
    pltpu.sync_copy(dstr.at[wid], dst_v)

    @pl.loop(0, C, step=16)
    def _(k):
        ones_v[pl.ds(k, 16)] = jnp.full((16,), 1.0, jnp.float32)

    @pl.when(sid == 0)
    def _():
        pltpu.async_copy(zrow, hist, sem).wait()

    plsc.subcore_barrier()

    @pl.loop(0, NG)
    def _(gi):
        @pl.loop(0, G)
        def _(j):
            pltpu.sync_copy(ones_v, hist.at[dst_v.at[gi, j]], add=True)

    plsc.subcore_barrier()

    @pl.when(sid == 0)
    def _():
        pltpu.sync_copy(hist, out.at[cid])


def _scatter_body(g, srcr, dstr, zblk, out, src_v, dst_v, bufs, acc,
                  semg, sems):
    cid = lax.axis_index("c")
    sid = lax.axis_index("s")
    wid = cid * NS + sid
    r0 = sid * RPT
    pltpu.sync_copy(srcr.at[wid], src_v)
    pltpu.sync_copy(dstr.at[wid * 2], dst_v)
    pltpu.sync_copy(zblk.at[pl.ds(r0, RPT)], acc.at[pl.ds(r0, RPT)])

    @pl.when(sid == NS - 1)
    def _():
        pltpu.sync_copy(zblk.at[pl.ds(RPT * NS, NPAD - RPT * NS)],
                        acc.at[pl.ds(RPT * NS, NPAD - RPT * NS)])

    plsc.subcore_barrier()

    def gidx(j):
        return g.at[src_v.at[pl.ds(j * CP, CP)]]

    for b in range(NBUF):
        pltpu.async_copy(gidx(b), bufs[b], semg[b])

    def triple(j, dj):
        for b in range(NBUF):
            pltpu.make_async_copy(gidx(j + b), bufs[b], semg[b]).wait()
            pltpu.async_copy(bufs[b], acc.at[dst_v.at[dj + b]], sems[b],
                             add=True)
        for b in range(NBUF):
            pltpu.make_async_copy(bufs[b], acc.at[dst_v.at[dj + b]],
                                  sems[b]).wait()

            @pl.when(j + NBUF + b < NCP)
            def _():
                pltpu.async_copy(gidx(j + NBUF + b), bufs[b], semg[b])

    @pl.loop(0, HC, step=NBUF)
    def _(j):
        triple(j, j)

    pltpu.sync_copy(dstr.at[wid * 2 + 1], dst_v)

    @pl.loop(HC, HC + 60, step=NBUF)
    def _(j):
        triple(j, j - HC)

    pltpu.make_async_copy(gidx(NCP - 2), bufs[0], semg[0]).wait()
    pltpu.sync_copy(bufs[0], acc.at[dst_v.at[60]], add=True)
    pltpu.make_async_copy(gidx(NCP - 1), bufs[1], semg[1]).wait()
    pltpu.sync_copy(bufs[1], acc.at[dst_v.at[61]], add=True)

    plsc.subcore_barrier()
    pltpu.sync_copy(acc.at[pl.ds(r0, RPT)], out.at[cid, pl.ds(r0, RPT)])

    @pl.when(sid == NS - 1)
    def _():
        pltpu.sync_copy(acc.at[pl.ds(RPT * NS, RREM)],
                        out.at[cid, pl.ds(RPT * NS, RREM)])


def _sc_hist(dstr, zrow):
    mesh = plsc.VectorSubcoreMesh(core_axis_name="c", subcore_axis_name="s")
    f = functools.partial(
        pl.kernel,
        out_type=jax.ShapeDtypeStruct((NC, N), jnp.float32),
        mesh=mesh,
        scratch_types=[
            pltpu.VMEM((NG, G, C), jnp.int32),
            pltpu.VMEM((C,), jnp.float32),
            pltpu.VMEM_SHARED((N,), jnp.float32),
            pltpu.SemaphoreType.DMA,
        ],
    )(_hist_body)
    return f(dstr, zrow)


def _sc_scatter(g, srcr, dstr, zblk):
    mesh = plsc.VectorSubcoreMesh(core_axis_name="c", subcore_axis_name="s")
    def body(g_, srcr_, dstr_, zblk_, out_, src_v, dst_v, *rest):
        bufs = list(rest[:NBUF])
        acc = rest[NBUF]
        semg = list(rest[NBUF + 1:2 * NBUF + 1])
        sems = list(rest[2 * NBUF + 1:])
        _scatter_body(g_, srcr_, dstr_, zblk_, out_, src_v, dst_v,
                      bufs, acc, semg, sems)

    f = functools.partial(
        pl.kernel,
        out_type=jax.ShapeDtypeStruct((NC, N, D), jnp.float32),
        mesh=mesh,
        scratch_types=(
            [pltpu.VMEM((EPWP,), jnp.int32),
             pltpu.VMEM((HC, CP), jnp.int32)]
            + [pltpu.VMEM((CP, D), jnp.float32) for _ in range(NBUF)]
            + [pltpu.VMEM_SHARED((NPAD, D), jnp.float32)]
            + [pltpu.SemaphoreType.DMA for _ in range(2 * NBUF)]
        ),
    )(body)
    return f(g, srcr, dstr, zblk)



def _mm1_body(x_ref, w_ref, deg_ref, g_ref, dinv_ref):
    dinv = lax.rsqrt(deg_ref[...])
    h = lax.dot_general(x_ref[...], w_ref[...], (((1,), (0,)), ((), ())),
                        precision=lax.Precision.HIGHEST)
    g_ref[...] = dinv * h
    dinv_ref[...] = dinv


def _mm2_body(s_ref, g_ref, dinv_ref, b_ref, w_ref, g2_ref):
    dinv = dinv_ref[...]
    pre = dinv * (s_ref[0] + s_ref[1] + g_ref[...]) + b_ref[...]
    h = jnp.maximum(pre, 0.0)
    h2 = lax.dot_general(h, w_ref[...], (((1,), (0,)), ((), ())),
                         precision=lax.Precision.HIGHEST)
    g2_ref[...] = dinv * h2


def _out_body(s_ref, g_ref, dinv_ref, b_ref, o_ref):
    z = dinv_ref[...] * (s_ref[0] + s_ref[1] + g_ref[...]) + b_ref[...]
    m = jnp.max(z, axis=1, keepdims=True)
    lse = jnp.log(jnp.sum(jnp.exp(z - m), axis=1, keepdims=True)) + m
    o_ref[...] = z - lse


_ROW = pl.BlockSpec((ROWBLK, D), lambda i: (i, 0))
_ROW1 = pl.BlockSpec((ROWBLK, 1), lambda i: (i, 0))
_FULL = pl.BlockSpec((D, D), lambda i: (0, 0))
_BIAS = pl.BlockSpec((1, D), lambda i: (0, 0))
_PAIR = pl.BlockSpec((NC, ROWBLK, D), lambda i: (0, i, 0))


def _tc_mm1(x, w, deg):
    return pl.pallas_call(
        _mm1_body,
        grid=(GRID,),
        in_specs=[_ROW, _FULL, _ROW1],
        out_specs=[_ROW, _ROW1],
        out_shape=[jax.ShapeDtypeStruct((N, D), jnp.float32),
                   jax.ShapeDtypeStruct((N, 1), jnp.float32)],
    )(x, w, deg)


def _tc_mm2(s, g, dinv, b, w):
    return pl.pallas_call(
        _mm2_body,
        grid=(GRID,),
        in_specs=[_PAIR, _ROW, _ROW1, _BIAS, _FULL],
        out_specs=_ROW,
        out_shape=jax.ShapeDtypeStruct((N, D), jnp.float32),
    )(s, g, dinv, b, w)


def _tc_out(s, g, dinv, b):
    return pl.pallas_call(
        _out_body,
        grid=(GRID,),
        in_specs=[_PAIR, _ROW, _ROW1, _BIAS],
        out_specs=_ROW,
        out_shape=jax.ShapeDtypeStruct((N, D), jnp.float32),
    )(s, g, dinv, b)



def kernel(x, edge_index, W1, b1, W2, b2):
    src = edge_index[0].reshape(NW, EPW)
    dst_r = edge_index[1].reshape(NW, NCP, CP)
    dst2 = jnp.concatenate(
        [dst_r[:, None, :HC],
         jnp.concatenate([dst_r[:, None, HC:],
                          jnp.zeros((NW, 1, 1, CP), jnp.int32)], axis=2)],
        axis=1).reshape(NW * 2, HC, CP)
    dst = edge_index[1].reshape(NW, NG, G, C)
    zrow = jnp.zeros((N,), jnp.float32)
    zblk = jnp.zeros((NPAD, D), jnp.float32)

    hist = _sc_hist(dst, zrow)
    deg = (hist[0] + hist[1] + 1.0).reshape(N, 1)

    g1, dinv = _tc_mm1(x, W1, deg)
    s1 = _sc_scatter(g1, src, dst2, zblk)
    g2 = _tc_mm2(s1, g1, dinv, b1.reshape(1, D), W2)
    s2 = _sc_scatter(g2, src, dst2, zblk)
    return _tc_out(s2, g2, dinv, b2.reshape(1, D))

# --- scband reference (transcript-rebuilt; emitter-appended) ---
"""Pipeline reference for scband-my-gcn-33277406609480 (READ-ONLY COPY).

The authoritative reference and input builder live on the scoring server;
editing this copy changes nothing except your own understanding.
"""

import jax, jax.numpy as jnp
import numpy as np

N = 10000
E = 320000
D_IN = 128
D_HID = 128
D_OUT = 128


def setup_inputs(seed: int = 0) -> dict:
    key = jax.random.key(seed)
    k1, k2, k3, k4 = jax.random.split(key, 4)
    x = jax.random.normal(k1, (N, D_IN), dtype=jnp.float32)
    edge_index = jax.random.randint(k2, (2, E), 0, N, dtype=jnp.int32)
    W1 = jax.random.normal(k3, (D_IN, D_HID), dtype=jnp.float32) * (1.0 / np.sqrt(D_IN))
    b1 = jnp.zeros((D_HID,), dtype=jnp.float32)
    W2 = jax.random.normal(k4, (D_HID, D_OUT), dtype=jnp.float32) * (1.0 / np.sqrt(D_HID))
    b2 = jnp.zeros((D_OUT,), dtype=jnp.float32)
    return {"x": x, "edge_index": edge_index, "W1": W1, "b1": b1, "W2": W2, "b2": b2}


def gcn_conv(x, edge_index, W, b):
    # PyG GCNConv: add self-loops, symmetric normalization D^-1/2 (A+I) D^-1/2 X W + b
    n = x.shape[0]
    h = x @ W
    loop = jnp.arange(n, dtype=edge_index.dtype)
    src = jnp.concatenate([edge_index[0], loop])
    dst = jnp.concatenate([edge_index[1], loop])
    ones = jnp.ones(src.shape[0], dtype=h.dtype)
    deg = jax.ops.segment_sum(ones, dst, num_segments=n)
    dinv = jnp.where(deg > 0, jax.lax.rsqrt(jnp.maximum(deg, 1e-12)), 0.0)
    norm = dinv[src] * dinv[dst]
    msg = h[src] * norm[:, None]
    out = jax.ops.segment_sum(msg, dst, num_segments=n)
    return out + b


def reference(x, edge_index, W1, b1, W2, b2):
    h = jax.nn.relu(gcn_conv(x, edge_index, W1, b1))
    # dropout is identity in eval mode
    h = gcn_conv(h, edge_index, W2, b2)
    return jax.nn.log_softmax(h, axis=1)

if __name__ == "__main__":
    import jax
    _d = setup_inputs()
    print(jax.jit(kernel)(*tuple(_d.values())))

</pallas_src>

<mosaic_0001>
#map = affine_map<(d0, d1) -> (0, 0, 0, 0)>
#map1 = affine_map<(d0, d1) -> (0)>
#map2 = affine_map<(d0, d1) -> (0, 0)>
module attributes {stable_mosaic.version = 14 : i64} {
  func.func @_hist_body(%arg0: i32, %arg1: i32, %arg2: memref<32x5x25x80xi32, #tpu.memory_space<hbm>>, %arg3: memref<10000xf32, #tpu.memory_space<hbm>>, %arg4: memref<2x10000xf32, #tpu.memory_space<hbm>>, %arg5: memref<5x25x80xi32, #tpu.memory_space<vmem>>, %arg6: memref<80xf32, #tpu.memory_space<vmem>>, %arg7: memref<10000xf32, #tpu.memory_space<vmem_shared>>, %arg8: memref<!tpu.dma_semaphore, #tpu.memory_space<semaphore_mem>>) attributes {dimension_semantics = [#tpu.dimension_semantics<core_parallel>, #tpu.dimension_semantics<subcore_parallel>], iteration_bounds = array<i64: 2, 16>, scalar_prefetch = 0 : i64, scratch_operands = 4 : i64, tpu.core_type = #tpu.core_type<sc_vector_subcore>, window_params = [{transform_indices = #map}, {transform_indices = #map1}, {transform_indices = #map2}]} {
    %mul3A = arith.constant 16 : i32
    %mul3A_0 = arith.muli %arg0, %mul3A : i32
    %add3A = arith.addi %mul3A_0, %arg1 : i32
    "tpu.region"() ({
      %run_scoped3A = tpu.sem_alloc : memref<!tpu.dma_semaphore, #tpu.memory_space<semaphore_mem>>
      %dma_start3A = arith.constant 0 : i32
      %dma_start3A_18 = arith.constant 0 : i32
      %dma_start3A_19 = arith.constant 0 : i32
      %dma_start3A_20 = tpu.memref_slice %arg2[%add3A, %dma_start3A, %dma_start3A_18, %dma_start3A_19] : memref<32x5x25x80xi32, #tpu.memory_space<hbm>> -> memref<1x5x25x80xi32, #tpu.memory_space<hbm>>
      %dma_start3A_21 = tpu.memref_squeeze %dma_start3A_20 : memref<1x5x25x80xi32, #tpu.memory_space<hbm>> -> memref<5x25x80xi32, #tpu.memory_space<hbm>>
      %dma_start3A_22 = arith.constant 0 : i32
      %dma_start3A_23 = arith.constant 0 : i32
      %dma_start3A_24 = arith.constant 0 : i32
      %dma_start3A_25 = tpu.memref_slice %arg2[%add3A, %dma_start3A_22, %dma_start3A_23, %dma_start3A_24] : memref<32x5x25x80xi32, #tpu.memory_space<hbm>> -> memref<1x5x25x80xi32, #tpu.memory_space<hbm>>
      %dma_start3A_26 = tpu.memref_squeeze %dma_start3A_25 : memref<1x5x25x80xi32, #tpu.memory_space<hbm>> -> memref<5x25x80xi32, #tpu.memory_space<hbm>>
      tpu.enqueue_dma source(%dma_start3A_26 : memref<5x25x80xi32, #tpu.memory_space<hbm>>) target(%arg5 : memref<5x25x80xi32, #tpu.memory_space<vmem>>) target_semaphore(%run_scoped3A : memref<!tpu.dma_semaphore, #tpu.memory_space<semaphore_mem>>)
      %dma_wait3A = arith.constant 0 : i32
      %dma_wait3A_27 = arith.constant 0 : i32
      %dma_wait3A_28 = arith.constant 0 : i32
      %dma_wait3A_29 = tpu.memref_slice %arg2[%add3A, %dma_wait3A, %dma_wait3A_27, %dma_wait3A_28] : memref<32x5x25x80xi32, #tpu.memory_space<hbm>> -> memref<1x5x25x80xi32, #tpu.memory_space<hbm>>
      %dma_wait3A_30 = tpu.memref_squeeze %dma_wait3A_29 : memref<1x5x25x80xi32, #tpu.memory_space<hbm>> -> memref<5x25x80xi32, #tpu.memory_space<hbm>>
      %dma_wait3A_31 = arith.constant 0 : i32
      %dma_wait3A_32 = arith.constant 0 : i32
      %dma_wait3A_33 = arith.constant 0 : i32
      %dma_wait3A_34 = tpu.memref_slice %arg2[%add3A, %dma_wait3A_31, %dma_wait3A_32, %dma_wait3A_33] : memref<32x5x25x80xi32, #tpu.memory_space<hbm>> -> memref<1x5x25x80xi32, #tpu.memory_space<hbm>>
      %dma_wait3A_35 = tpu.memref_squeeze %dma_wait3A_34 : memref<1x5x25x80xi32, #tpu.memory_space<hbm>> -> memref<5x25x80xi32, #tpu.memory_space<hbm>>
      tpu.wait_dma2 semaphore(%run_scoped3A : memref<!tpu.dma_semaphore, #tpu.memory_space<semaphore_mem>>) src(%dma_wait3A_35 : memref<5x25x80xi32, #tpu.memory_space<hbm>>) dst(%arg5 : memref<5x25x80xi32, #tpu.memory_space<vmem>>)
      tpu.yield
    }) : () -> ()
    %scan3A = arith.constant 0 : i32
    %scan3A_1 = arith.constant 5 : i32
    %scan3A_2 = arith.addi %scan3A, %scan3A_1 : i32
    %scan3A_3 = arith.constant 1 : i32
    scf.for %scan3A_18 = %scan3A to %scan3A_2 step %scan3A_3  : i32 {
      %mul3A_19 = arith.constant 16 : i32
      %mul3A_20 = arith.muli %scan3A_18, %mul3A_19 : i32
      %add3A_21 = arith.constant 0 : i32
      %add3A_22 = arith.addi %add3A_21, %mul3A_20 : i32
      %broadcast_in_dim3A = arith.constant 1.000000e+00 : f32
      %broadcast_in_dim3A_23 = vector.broadcast %broadcast_in_dim3A : f32 to vector<16xf32>
      %swap3A = arith.index_cast %add3A_22 : i32 to index
      %swap3A_24 = tpu.vector_load %arg6[%swap3A] {strides = array<i32>} : memref<80xf32, #tpu.memory_space<vmem>>, vector<16xf32>,
      %swap3A_25 = vector.shape_cast %swap3A_24 : vector<16xf32> to vector<16xf32>
      %swap3A_26 = vector.shape_cast %broadcast_in_dim3A_23 : vector<16xf32> to vector<16xf32>
      tpu.vector_store %arg6[%swap3A], %swap3A_26 {strides = array<i32>} : memref<80xf32, #tpu.memory_space<vmem>>, vector<16xf32>,
    }
    %scan3A_4 = arith.constant 5 : i32
    %eq3A = arith.constant 0 : i32
    %eq3A_5 = arith.cmpi eq, %arg1, %eq3A : i32
    %convert_element_type3A = arith.extui %eq3A_5 : i1 to i32
    %cond3A = arith.constant 0 : i32
    %cond3A_6 = arith.cmpi ne, %convert_element_type3A, %cond3A : i32
    scf.if %cond3A_6 {
      tpu.enqueue_dma source(%arg3 : memref<10000xf32, #tpu.memory_space<hbm>>) target(%arg7 : memref<10000xf32, #tpu.memory_space<vmem_shared>>) target_semaphore(%arg8 : memref<!tpu.dma_semaphore, #tpu.memory_space<semaphore_mem>>)
      tpu.wait_dma2 semaphore(%arg8 : memref<!tpu.dma_semaphore, #tpu.memory_space<semaphore_mem>>) src(%arg3 : memref<10000xf32, #tpu.memory_space<hbm>>) dst(%arg7 : memref<10000xf32, #tpu.memory_space<vmem_shared>>)
    } else {
    }
    %barrier3A = arith.constant 0 : index
    tpu.barrier barrier_id(%barrier3A)
    %scan3A_7 = arith.constant 0 : i32
    %scan3A_8 = arith.constant 5 : i32
    %scan3A_9 = arith.addi %scan3A_7, %scan3A_8 : i32
    %scan3A_10 = arith.constant 1 : i32
    scf.for %scan3A_18 = %scan3A_7 to %scan3A_9 step %scan3A_10  : i32 {
      %mul3A_19 = arith.constant 1 : i32
      %mul3A_20 = arith.muli %scan3A_18, %mul3A_19 : i32
      %add3A_21 = arith.constant 0 : i32
      %add3A_22 = arith.addi %add3A_21, %mul3A_20 : i32
      %scan3A_23 = arith.constant 0 : i32
      %scan3A_24 = arith.constant 25 : i32
      %scan3A_25 = arith.addi %scan3A_23, %scan3A_24 : i32
      %scan3A_26 = arith.constant 1 : i32
      scf.for %scan3A_28 = %scan3A_23 to %scan3A_25 step %scan3A_26  : i32 {
        %mul3A_29 = arith.constant 1 : i32
        %mul3A_30 = arith.muli %scan3A_28, %mul3A_29 : i32
        %add3A_31 = arith.constant 0 : i32
        %add3A_32 = arith.addi %add3A_31, %mul3A_30 : i32
        "tpu.region"() ({
          %run_scoped3A = tpu.sem_alloc : memref<!tpu.dma_semaphore, #tpu.memory_space<semaphore_mem>>
          %dma_start3A = arith.constant 0 : i32
          %dma_start3A_33 = tpu.memref_slice %arg5[%add3A_22, %add3A_32, %dma_start3A] : memref<5x25x80xi32, #tpu.memory_space<vmem>> -> memref<1x1x80xi32, #tpu.memory_space<vmem>>
          %dma_start3A_34 = tpu.memref_squeeze %dma_start3A_33 : memref<1x1x80xi32, #tpu.memory_space<vmem>> -> memref<80xi32, #tpu.memory_space<vmem>>
          %dma_start3A_35 = arith.constant 0 : i32
          %dma_start3A_36 = tpu.memref_slice %arg7[%dma_start3A_35] : memref<10000xf32, #tpu.memory_space<vmem_shared>> -> memref<10000xf32, #tpu.memory_space<vmem_shared>>
          tpu.enqueue_indirect_dma source(%arg6 : memref<80xf32, #tpu.memory_space<vmem>>) target(%dma_start3A_36 : memref<10000xf32, #tpu.memory_space<vmem_shared>>) offsets(%dma_start3A_34 : memref<80xi32, #tpu.memory_space<vmem>>) semaphore(%run_scoped3A : memref<!tpu.dma_semaphore, #tpu.memory_space<semaphore_mem>>) {add = true}
          %dma_wait3A = arith.constant 0 : i32
          %dma_wait3A_37 = tpu.memref_slice %arg5[%add3A_22, %add3A_32, %dma_wait3A] : memref<5x25x80xi32, #tpu.memory_space<vmem>> -> memref<1x1x80xi32, #tpu.memory_space<vmem>>
          %dma_wait3A_38 = tpu.memref_squeeze %dma_wait3A_37 : memref<1x1x80xi32, #tpu.memory_space<vmem>> -> memref<80xi32, #tpu.memory_space<vmem>>
          %dma_wait3A_39 = arith.constant 0 : i32
          %dma_wait3A_40 = tpu.memref_slice %arg7[%dma_wait3A_39] : memref<10000xf32, #tpu.memory_space<vmem_shared>> -> memref<10000xf32, #tpu.memory_space<vmem_shared>>
          tpu.wait_indirect_dma semaphore(%run_scoped3A : memref<!tpu.dma_semaphore, #tpu.memory_space<semaphore_mem>>) src(%arg6 : memref<80xf32, #tpu.memory_space<vmem>>) dst(%dma_wait3A_40 : memref<10000xf32, #tpu.memory_space<vmem_shared>>)
          tpu.yield
        }) : () -> ()
      }
      %scan3A_27 = arith.constant 25 : i32
    }
    %scan3A_11 = arith.constant 5 : i32
    %barrier3A_12 = arith.constant 0 : index
    tpu.barrier barrier_id(%barrier3A_12)
    %eq3A_13 = arith.constant 0 : i32
    %eq3A_14 = arith.cmpi eq, %arg1, %eq3A_13 : i32
    %convert_element_type3A_15 = arith.extui %eq3A_14 : i1 to i32
    %cond3A_16 = arith.constant 0 : i32
    %cond3A_17 = arith.cmpi ne, %convert_element_type3A_15, %cond3A_16 : i32
    scf.if %cond3A_17 {
      "tpu.region"() ({
        %run_scoped3A = tpu.sem_alloc : memref<!tpu.dma_semaphore, #tpu.memory_space<semaphore_mem>>
        %dma_start3A = arith.constant 0 : i32
        %dma_start3A_18 = tpu.memref_slice %arg4[%arg0, %dma_start3A] : memref<2x10000xf32, #tpu.memory_space<hbm>> -> memref<1x10000xf32, #tpu.memory_space<hbm>>
        %dma_start3A_19 = tpu.memref_squeeze %dma_start3A_18 : memref<1x10000xf32, #tpu.memory_space<hbm>> -> memref<10000xf32, #tpu.memory_space<hbm>>
        tpu.enqueue_dma source(%arg7 : memref<10000xf32, #tpu.memory_space<vmem_shared>>) target(%dma_start3A_19 : memref<10000xf32, #tpu.memory_space<hbm>>) target_semaphore(%run_scoped3A : memref<!tpu.dma_semaphore, #tpu.memory_space<semaphore_mem>>)
        %dma_wait3A = arith.constant 0 : i32
        %dma_wait3A_20 = tpu.memref_slice %arg4[%arg0, %dma_wait3A] : memref<2x10000xf32, #tpu.memory_space<hbm>> -> memref<1x10000xf32, #tpu.memory_space<hbm>>
        %dma_wait3A_21 = tpu.memref_squeeze %dma_wait3A_20 : memref<1x10000xf32, #tpu.memory_space<hbm>> -> memref<10000xf32, #tpu.memory_space<hbm>>
        tpu.wait_dma2 semaphore(%run_scoped3A : memref<!tpu.dma_semaphore, #tpu.memory_space<semaphore_mem>>) src(%arg7 : memref<10000xf32, #tpu.memory_space<vmem_shared>>) dst(%dma_wait3A_21 : memref<10000xf32, #tpu.memory_space<hbm>>)
        tpu.yield
      }) : () -> ()
    } else {
    }
    return
  }
}

#map = affine_map<(d0, d1) -> (0, 0)>
#map1 = affine_map<(d0, d1) -> (0, 0, 0)>
module attributes {stable_mosaic.version = 14 : i64} {
  func.func @body(%arg0: i32, %arg1: i32, %arg2: memref<10000x128xf32, #tpu.memory_space<hbm>>, %arg3: memref<32x10000xi32, #tpu.memory_space<hbm>>, %arg4: memref<64x63x80xi32, #tpu.memory_space<hbm>>, %arg5: memref<10032x128xf32, #tpu.memory_space<hbm>>, %arg6: memref<2x10000x128xf32, #tpu.memory_space<hbm>>, %arg7: memref<10000xi32, #tpu.memory_space<vmem>>, %arg8: memref<63x80xi32, #tpu.memory_space<vmem>>, %arg9: memref<80x128xf32, #tpu.memory_space<vmem>>, %arg10: memref<80x128xf32, #tpu.memory_space<vmem>>, %arg11: memref<80x128xf32, #tpu.memory_space<vmem>>, %arg12: memref<10032x128xf32, #tpu.memory_space<vmem_shared>>, %arg13: memref<!tpu.dma_semaphore, #tpu.memory_space<semaphore_mem>>, %arg14: memref<!tpu.dma_semaphore, #tpu.memory_space<semaphore_mem>>, %arg15: memref<!tpu.dma_semaphore, #tpu.memory_space<semaphore_mem>>, %arg16: memref<!tpu.dma_semaphore, #tpu.memory_space<semaphore_mem>>, %arg17: memref<!tpu.dma_semaphore, #tpu.memory_space<semaphore_mem>>, %arg18: memref<!tpu.dma_semaphore, #tpu.memory_space<semaphore_mem>>) attributes {dimension_semantics = [#tpu.dimension_semantics<core_parallel>, #tpu.dimension_semantics<subcore_parallel>], iteration_bounds = array<i64: 2, 16>, scalar_prefetch = 0 : i64, scratch_operands = 12 : i64, tpu.core_type = #tpu.core_type<sc_vector_subcore>, window_params = [{transform_indices = #map}, {transform_indices = #map}, {transform_indices = #map1}, {transform_indices = #map}, {transform_indices = #map1}]} {
    %mul3A = arith.constant 16 : i32
    %mul3A_0 = arith.muli %arg0, %mul3A : i32
    %add3A = arith.addi %mul3A_0, %arg1 : i32
    %mul3A_1 = arith.constant 624 : i32
    %mul3A_2 = arith.muli %arg1, %mul3A_1 : i32
    "tpu.region"() ({
      %run_scoped3A_50 = tpu.sem_alloc : memref<!tpu.dma_semaphore, #tpu.memory_space<semaphore_mem>>
      %dma_start3A_51 = arith.constant 0 : i32
      %dma_start3A_52 = tpu.memref_slice %arg3[%add3A, %dma_start3A_51] : memref<32x10000xi32, #tpu.memory_space<hbm>> -> memref<1x10000xi32, #tpu.memory_space<hbm>>
      %dma_start3A_53 = tpu.memref_squeeze %dma_start3A_52 : memref<1x10000xi32, #tpu.memory_space<hbm>> -> memref<10000xi32, #tpu.memory_space<hbm>>
      %dma_start3A_54 = arith.constant 0 : i32
      %dma_start3A_55 = tpu.memref_slice %arg3[%add3A, %dma_start3A_54] : memref<32x10000xi32, #tpu.memory_space<hbm>> -> memref<1x10000xi32, #tpu.memory_space<hbm>>
      %dma_start3A_56 = tpu.memref_squeeze %dma_start3A_55 : memref<1x10000xi32, #tpu.memory_space<hbm>> -> memref<10000xi32, #tpu.memory_space<hbm>>
      tpu.enqueue_dma source(%dma_start3A_56 : memref<10000xi32, #tpu.memory_space<hbm>>) target(%arg7 : memref<10000xi32, #tpu.memory_space<vmem>>) target_semaphore(%run_scoped3A_50 : memref<!tpu.dma_semaphore, #tpu.memory_space<semaphore_mem>>)
      %dma_wait3A_57 = arith.constant 0 : i32
      %dma_wait3A_58 = tpu.memref_slice %arg3[%add3A, %dma_wait3A_57] : memref<32x10000xi32, #tpu.memory_space<hbm>> -> memref<1x10000xi32, #tpu.memory_space<hbm>>
      %dma_wait3A_59 = tpu.memref_squeeze %dma_wait3A_58 : memref<1x10000xi32, #tpu.memory_space<hbm>> -> memref<10000xi32, #tpu.memory_space<hbm>>
      %dma_wait3A_60 = arith.constant 0 : i32
      %dma_wait3A_61 = tpu.memref_slice %arg3[%add3A, %dma_wait3A_60] : memref<32x10000xi32, #tpu.memory_space<hbm>> -> memref<1x10000xi32, #tpu.memory_space<hbm>>
      %dma_wait3A_62 = tpu.memref_squeeze %dma_wait3A_61 : memref<1x10000xi32, #tpu.memory_space<hbm>> -> memref<10000xi32, #tpu.memory_space<hbm>>
      tpu.wait_dma2 semaphore(%run_scoped3A_50 : memref<!tpu.dma_semaphore, #tpu.memory_space<semaphore_mem>>) src(%dma_wait3A_62 : memref<10000xi32, #tpu.memory_space<hbm>>) dst(%arg7 : memref<10000xi32, #tpu.memory_space<vmem>>)
      tpu.yield
    }) : () -> ()
    %mul3A_3 = arith.constant 2 : i32
    %mul3A_4 = arith.muli %add3A, %mul3A_3 : i32
    "tpu.region"() ({
      %run_scoped3A_50 = tpu.sem_alloc : memref<!tpu.dma_semaphore, #tpu.memory_space<semaphore_mem>>
      %dma_start3A_51 = arith.constant 0 : i32
      %dma_start3A_52 = arith.constant 0 : i32
      %dma_start3A_53 = tpu.memref_slice %arg4[%mul3A_4, %dma_start3A_51, %dma_start3A_52] : memref<64x63x80xi32, #tpu.memory_space<hbm>> -> memref<1x63x80xi32, #tpu.memory_space<hbm>>
      %dma_start3A_54 = tpu.memref_squeeze %dma_start3A_53 : memref<1x63x80xi32, #tpu.memory_space<hbm>> -> memref<63x80xi32, #tpu.memory_space<hbm>>
      %dma_start3A_55 = arith.constant 0 : i32
      %dma_start3A_56 = arith.constant 0 : i32
      %dma_start3A_57 = tpu.memref_slice %arg4[%mul3A_4, %dma_start3A_55, %dma_start3A_56] : memref<64x63x80xi32, #tpu.memory_space<hbm>> -> memref<1x63x80xi32, #tpu.memory_space<hbm>>
      %dma_start3A_58 = tpu.memref_squeeze %dma_start3A_57 : memref<1x63x80xi32, #tpu.memory_space<hbm>> -> memref<63x80xi32, #tpu.memory_space<hbm>>
      tpu.enqueue_dma source(%dma_start3A_58 : memref<63x80xi32, #tpu.memory_space<hbm>>) target(%arg8 : memref<63x80xi32, #tpu.memory_space<vmem>>) target_semaphore(%run_scoped3A_50 : memref<!tpu.dma_semaphore, #tpu.memory_space<semaphore_mem>>)
      %dma_wait3A_59 = arith.constant 0 : i32
      %dma_wait3A_60 = arith.constant 0 : i32
      %dma_wait3A_61 = tpu.memref_slice %arg4[%mul3A_4, %dma_wait3A_59, %dma_wait3A_60] : memref<64x63x80xi32, #tpu.memory_space<hbm>> -> memref<1x63x80xi32, #tpu.memory_space<hbm>>
      %dma_wait3A_62 = tpu.memref_squeeze %dma_wait3A_61 : memref<1x63x80xi32, #tpu.memory_space<hbm>> -> memref<63x80xi32, #tpu.memory_space<hbm>>
      %dma_wait3A_63 = arith.constant 0 : i32
      %dma_wait3A_64 = arith.constant 0 : i32
      %dma_wait3A_65 = tpu.memref_slice %arg4[%mul3A_4, %dma_wait3A_63, %dma_wait3A_64] : memref<64x63x80xi32, #tpu.memory_space<hbm>> -> memref<1x63x80xi32, #tpu.memory_space<hbm>>
      %dma_wait3A_66 = tpu.memref_squeeze %dma_wait3A_65 : memref<1x63x80xi32, #tpu.memory_space<hbm>> -> memref<63x80xi32, #tpu.memory_space<hbm>>
      tpu.wait_dma2 semaphore(%run_scoped3A_50 : memref<!tpu.dma_semaphore, #tpu.memory_space<semaphore_mem>>) src(%dma_wait3A_66 : memref<63x80xi32, #tpu.memory_space<hbm>>) dst(%arg8 : memref<63x80xi32, #tpu.memory_space<vmem>>)
      tpu.yield
    }) : () -> ()
    "tpu.region"() ({
      %run_scoped3A_50 = tpu.sem_alloc : memref<!tpu.dma_semaphore, #tpu.memory_space<semaphore_mem>>
      %dma_start3A_51 = arith.constant 0 : i32
      %dma_start3A_52 = tpu.memref_slice %arg12[%mul3A_2, %dma_start3A_51] : memref<10032x128xf32, #tpu.memory_space<vmem_shared>> -> memref<624x128xf32, #tpu.memory_space<vmem_shared>>
      %dma_start3A_53 = arith.constant 0 : i32
      %dma_start3A_54 = tpu.memref_slice %arg5[%mul3A_2, %dma_start3A_53] : memref<10032x128xf32, #tpu.memory_space<hbm>> -> memref<624x128xf32, #tpu.memory_space<hbm>>
      tpu.enqueue_dma source(%dma_start3A_54 : memref<624x128xf32, #tpu.memory_space<hbm>>) target(%dma_start3A_52 : memref<624x128xf32, #tpu.memory_space<vmem_shared>>) target_semaphore(%run_scoped3A_50 : memref<!tpu.dma_semaphore, #tpu.memory_space<semaphore_mem>>)
      %dma_wait3A_55 = arith.constant 0 : i32
      %dma_wait3A_56 = tpu.memref_slice %arg12[%mul3A_2, %dma_wait3A_55] : memref<10032x128xf32, #tpu.memory_space<vmem_shared>> -> memref<624x128xf32, #tpu.memory_space<vmem_shared>>
      %dma_wait3A_57 = arith.constant 0 : i32
      %dma_wait3A_58 = tpu.memref_slice %arg5[%mul3A_2, %dma_wait3A_57] : memref<10032x128xf32, #tpu.memory_space<hbm>> -> memref<624x128xf32, #tpu.memory_space<hbm>>
      tpu.wait_dma2 semaphore(%run_scoped3A_50 : memref<!tpu.dma_semaphore, #tpu.memory_space<semaphore_mem>>) src(%dma_wait3A_58 : memref<624x128xf32, #tpu.memory_space<hbm>>) dst(%dma_wait3A_56 : memref<624x128xf32, #tpu.memory_space<vmem_shared>>)
      tpu.yield
    }) : () -> ()
    %eq3A = arith.constant 15 : i32
    %eq3A_5 = arith.cmpi eq, %arg1, %eq3A : i32
    %convert_element_type3A = arith.extui %eq3A_5 : i1 to i32
    %cond3A = arith.constant 0 : i32
    %cond3A_6 = arith.cmpi ne, %convert_element_type3A, %cond3A : i32
    scf.if %cond3A_6 {
      "tpu.region"() ({
        %run_scoped3A_50 = tpu.sem_alloc : memref<!tpu.dma_semaphore, #tpu.memory_space<semaphore_mem>>
        %dma_start3A_51 = arith.constant 9984 : i32
        %dma_start3A_52 = arith.constant 0 : i32
        %dma_start3A_53 = tpu.memref_slice %arg12[%dma_start3A_51, %dma_start3A_52] : memref<10032x128xf32, #tpu.memory_space<vmem_shared>> -> memref<48x128xf32, #tpu.memory_space<vmem_shared>>
        %dma_start3A_54 = arith.constant 9984 : i32
        %dma_start3A_55 = arith.constant 0 : i32
        %dma_start3A_56 = tpu.memref_slice %arg5[%dma_start3A_54, %dma_start3A_55] : memref<10032x128xf32, #tpu.memory_space<hbm>> -> memref<48x128xf32, #tpu.memory_space<hbm>>
        tpu.enqueue_dma source(%dma_start3A_56 : memref<48x128xf32, #tpu.memory_space<hbm>>) target(%dma_start3A_53 : memref<48x128xf32, #tpu.memory_space<vmem_shared>>) target_semaphore(%run_scoped3A_50 : memref<!tpu.dma_semaphore, #tpu.memory_space<semaphore_mem>>)
        %dma_wait3A_57 = arith.constant 9984 : i32
        %dma_wait3A_58 = arith.constant 0 : i32
        %dma_wait3A_59 = tpu.memref_slice %arg12[%dma_wait3A_57, %dma_wait3A_58] : memref<10032x128xf32, #tpu.memory_space<vmem_shared>> -> memref<48x128xf32, #tpu.memory_space<vmem_shared>>
        %dma_wait3A_60 = arith.constant 9984 : i32
        %dma_wait3A_61 = arith.constant 0 : i32
        %dma_wait3A_62 = tpu.memref_slice %arg5[%dma_wait3A_60, %dma_wait3A_61] : memref<10032x128xf32, #tpu.memory_space<hbm>> -> memref<48x128xf32, #tpu.memory_space<hbm>>
        tpu.wait_dma2 semaphore(%run_scoped3A_50 : memref<!tpu.dma_semaphore, #tpu.memory_space<semaphore_mem>>) src(%dma_wait3A_62 : memref<48x128xf32, #tpu.memory_space<hbm>>) dst(%dma_wait3A_59 : memref<48x128xf32, #tpu.memory_space<vmem_shared>>)
        tpu.yield
      }) : () -> ()
    } else {
    }
    %barrier3A = arith.constant 0 : index
    tpu.barrier barrier_id(%barrier3A)
    %dma_start3A = arith.constant 0 : i32
    %dma_start3A_7 = tpu.memref_slice %arg7[%dma_start3A] : memref<10000xi32, #tpu.memory_space<vmem>> -> memref<80xi32, #tpu.memory_space<vmem>>
    %dma_start3A_8 = arith.constant 0 : i32
    %dma_start3A_9 = arith.constant 0 : i32
    %dma_start3A_10 = tpu.memref_slice %arg2[%dma_start3A_8, %dma_start3A_9] : memref<10000x128xf32, #tpu.memory_space<hbm>> -> memref<10000x128xf32, #tpu.memory_space<hbm>>
    tpu.enqueue_indirect_dma source(%dma_start3A_10 : memref<10000x128xf32, #tpu.memory_space<hbm>>) target(%arg9 : memref<80x128xf32, #tpu.memory_space<vmem>>) offsets(%dma_start3A_7 : memref<80xi32, #tpu.memory_space<vmem>>) semaphore(%arg13 : memref<!tpu.dma_semaphore, #tpu.memory_space<semaphore_mem>>)
    %dma_start3A_11 = arith.constant 80 : i32
    %dma_start3A_12 = tpu.memref_slice %arg7[%dma_start3A_11] : memref<10000xi32, #tpu.memory_space<vmem>> -> memref<80xi32, #tpu.memory_space<vmem>>
    %dma_start3A_13 = arith.constant 0 : i32
    %dma_start3A_14 = arith.constant 0 : i32
    %dma_start3A_15 = tpu.memref_slice %arg2[%dma_start3A_13, %dma_start3A_14] : memref<10000x128xf32, #tpu.memory_space<hbm>> -> memref<10000x128xf32, #tpu.memory_space<hbm>>
    tpu.enqueue_indirect_dma source(%dma_start3A_15 : memref<10000x128xf32, #tpu.memory_space<hbm>>) target(%arg10 : memref<80x128xf32, #tpu.memory_space<vmem>>) offsets(%dma_start3A_12 : memref<80xi32, #tpu.memory_space<vmem>>) semaphore(%arg14 : memref<!tpu.dma_semaphore, #tpu.memory_space<semaphore_mem>>)
    %dma_start3A_16 = arith.constant 160 : i32
    %dma_start3A_17 = tpu.memref_slice %arg7[%dma_start3A_16] : memref<10000xi32, #tpu.memory_space<vmem>> -> memref<80xi32, #tpu.memory_space<vmem>>
    %dma_start3A_18 = arith.constant 0 : i32
    %dma_start3A_19 = arith.constant 0 : i32
    %dma_start3A_20 = tpu.memref_slice %arg2[%dma_start3A_18, %dma_start3A_19] : memref<10000x128xf32, #tpu.memory_space<hbm>> -> memref<10000x128xf32, #tpu.memory_space<hbm>>
    tpu.enqueue_indirect_dma source(%dma_start3A_20 : memref<10000x128xf32, #tpu.memory_space<hbm>>) target(%arg11 : memref<80x128xf32, #tpu.memory_space<vmem>>) offsets(%dma_start3A_17 : memref<80xi32, #tpu.memory_space<vmem>>) semaphore(%arg15 : memref<!tpu.dma_semaphore, #tpu.memory_space<semaphore_mem>>)
    %scan3A = arith.constant 0 : i32
    %scan3A_21 = arith.constant 21 : i32
    %scan3A_22 = arith.addi %scan3A, %scan3A_21 : i32
    %scan3A_23 = arith.constant 1 : i32
    scf.for %scan3A_50 = %scan3A to %scan3A_22 step %scan3A_23  : i32 {
      %mul3A_51 = arith.constant 3 : i32
      %mul3A_52 = arith.muli %scan3A_50, %mul3A_51 : i32
      %add3A_53 = arith.constant 0 : i32
      %add3A_54 = arith.addi %add3A_53, %mul3A_52 : i32
      %add3A_55 = arith.constant 0 : i32
      %add3A_56 = arith.addi %add3A_54, %add3A_55 : i32
      %mul3A_57 = arith.constant 80 : i32
      %mul3A_58 = arith.muli %add3A_56, %mul3A_57 : i32
      %dma_wait3A_59 = tpu.memref_slice %arg7[%mul3A_58] : memref<10000xi32, #tpu.memory_space<vmem>> -> memref<80xi32, #tpu.memory_space<vmem>>
      %dma_wait3A_60 = arith.constant 0 : i32
      %dma_wait3A_61 = arith.constant 0 : i32
      %dma_wait3A_62 = tpu.memref_slice %arg2[%dma_wait3A_60, %dma_wait3A_61] : memref<10000x128xf32, #tpu.memory_space<hbm>> -> memref<10000x128xf32, #tpu.memory_space<hbm>>
      tpu.wait_indirect_dma semaphore(%arg13 : memref<!tpu.dma_semaphore, #tpu.memory_space<semaphore_mem>>) src(%dma_wait3A_62 : memref<10000x128xf32, #tpu.memory_space<hbm>>) dst(%arg9 : memref<80x128xf32, #tpu.memory_space<vmem>>)
      %add3A_63 = arith.constant 0 : i32
      %add3A_64 = arith.addi %add3A_54, %add3A_63 : i32
      %dma_start3A_65 = arith.constant 0 : i32
      %dma_start3A_66 = tpu.memref_slice %arg8[%add3A_64, %dma_start3A_65] : memref<63x80xi32, #tpu.memory_space<vmem>> -> memref<1x80xi32, #tpu.memory_space<vmem>>
      %dma_start3A_67 = tpu.memref_squeeze %dma_start3A_66 : memref<1x80xi32, #tpu.memory_space<vmem>> -> memref<80xi32, #tpu.memory_space<vmem>>
      %dma_start3A_68 = arith.constant 0 : i32
      %dma_start3A_69 = arith.constant 0 : i32
      %dma_start3A_70 = tpu.memref_slice %arg12[%dma_start3A_68, %dma_start3A_69] : memref<10032x128xf32, #tpu.memory_space<vmem_shared>> -> memref<10032x128xf32, #tpu.memory_space<vmem_shared>>
      tpu.enqueue_indirect_dma source(%arg9 : memref<80x128xf32, #tpu.memory_space<vmem>>) target(%dma_start3A_70 : memref<10032x128xf32, #tpu.memory_space<vmem_shared>>) offsets(%dma_start3A_67 : memref<80xi32, #tpu.memory_space<vmem>>) semaphore(%arg16 : memref<!tpu.dma_semaphore, #tpu.memory_space<semaphore_mem>>) {add = true}
      %add3A_71 = arith.constant 1 : i32
      %add3A_72 = arith.addi %add3A_54, %add3A_71 : i32
      %mul3A_73 = arith.constant 80 : i32
      %mul3A_74 = arith.muli %add3A_72, %mul3A_73 : i32
      %dma_wait3A_75 = tpu.memref_slice %arg7[%mul3A_74] : memref<10000xi32, #tpu.memory_space<vmem>> -> memref<80xi32, #tpu.memory_space<vmem>>
      %dma_wait3A_76 = arith.constant 0 : i32
      %dma_wait3A_77 = arith.constant 0 : i32
      %dma_wait3A_78 = tpu.memref_slice %arg2[%dma_wait3A_76, %dma_wait3A_77] : memref<10000x128xf32, #tpu.memory_space<hbm>> -> memref<10000x128xf32, #tpu.memory_space<hbm>>
      tpu.wait_indirect_dma semaphore(%arg14 : memref<!tpu.dma_semaphore, #tpu.memory_space<semaphore_mem>>) src(%dma_wait3A_78 : memref<10000x128xf32, #tpu.memory_space<hbm>>) dst(%arg10 : memref<80x128xf32, #tpu.memory_space<vmem>>)
      %add3A_79 = arith.constant 1 : i32
      %add3A_80 = arith.addi %add3A_54, %add3A_79 : i32
      %dma_start3A_81 = arith.constant 0 : i32
      %dma_start3A_82 = tpu.memref_slice %arg8[%add3A_80, %dma_start3A_81] : memref<63x80xi32, #tpu.memory_space<vmem>> -> memref<1x80xi32, #tpu.memory_space<vmem>>
      %dma_start3A_83 = tpu.memref_squeeze %dma_start3A_82 : memref<1x80xi32, #tpu.memory_space<vmem>> -> memref<80xi32, #tpu.memory_space<vmem>>
      %dma_start3A_84 = arith.constant 0 : i32
      %dma_start3A_85 = arith.constant 0 : i32
      %dma_start3A_86 = tpu.memref_slice %arg12[%dma_start3A_84, %dma_start3A_85] : memref<10032x128xf32, #tpu.memory_space<vmem_shared>> -> memref<10032x128xf32, #tpu.memory_space<vmem_shared>>
      tpu.enqueue_indirect_dma source(%arg10 : memref<80x128xf32, #tpu.memory_space<vmem>>) target(%dma_start3A_86 : memref<10032x128xf32, #tpu.memory_space<vmem_shared>>) offsets(%dma_start3A_83 : memref<80xi32, #tpu.memory_space<vmem>>) semaphore(%arg17 : memref<!tpu.dma_semaphore, #tpu.memory_space<semaphore_mem>>) {add = true}
      %add3A_87 = arith.constant 2 : i32
      %add3A_88 = arith.addi %add3A_54, %add3A_87 : i32
      %mul3A_89 = arith.constant 80 : i32
      %mul3A_90 = arith.muli %add3A_88, %mul3A_89 : i32
      %dma_wait3A_91 = tpu.memref_slice %arg7[%mul3A_90] : memref<10000xi32, #tpu.memory_space<vmem>> -> memref<80xi32, #tpu.memory_space<vmem>>
      %dma_wait3A_92 = arith.constant 0 : i32
      %dma_wait3A_93 = arith.constant 0 : i32
      %dma_wait3A_94 = tpu.memref_slice %arg2[%dma_wait3A_92, %dma_wait3A_93] : memref<10000x128xf32, #tpu.memory_space<hbm>> -> memref<10000x128xf32, #tpu.memory_space<hbm>>
      tpu.wait_indirect_dma semaphore(%arg15 : memref<!tpu.dma_semaphore, #tpu.memory_space<semaphore_mem>>) src(%dma_wait3A_94 : memref<10000x128xf32, #tpu.memory_space<hbm>>) dst(%arg11 : memref<80x128xf32, #tpu.memory_space<vmem>>)
      %add3A_95 = arith.constant 2 : i32
      %add3A_96 = arith.addi %add3A_54, %add3A_95 : i32
      %dma_start3A_97 = arith.constant 0 : i32
      %dma_start3A_98 = tpu.memref_slice %arg8[%add3A_96, %dma_start3A_97] : memref<63x80xi32, #tpu.memory_space<vmem>> -> memref<1x80xi32, #tpu.memory_space<vmem>>
      %dma_start3A_99 = tpu.memref_squeeze %dma_start3A_98 : memref<1x80xi32, #tpu.memory_space<vmem>> -> memref<80xi32, #tpu.memory_space<vmem>>
      %dma_start3A_100 = arith.constant 0 : i32
      %dma_start3A_101 = arith.constant 0 : i32
      %dma_start3A_102 = tpu.memref_slice %arg12[%dma_start3A_100, %dma_start3A_101] : memref<10032x128xf32, #tpu.memory_space<vmem_shared>> -> memref<10032x128xf32, #tpu.memory_space<vmem_shared>>
      tpu.enqueue_indirect_dma source(%arg11 : memref<80x128xf32, #tpu.memory_space<vmem>>) target(%dma_start3A_102 : memref<10032x128xf32, #tpu.memory_space<vmem_shared>>) offsets(%dma_start3A_99 : memref<80xi32, #tpu.memory_space<vmem>>) semaphore(%arg18 : memref<!tpu.dma_semaphore, #tpu.memory_space<semaphore_mem>>) {add = true}
      %add3A_103 = arith.constant 0 : i32
      %add3A_104 = arith.addi %add3A_54, %add3A_103 : i32
      %dma_wait3A_105 = arith.constant 0 : i32
      %dma_wait3A_106 = tpu.memref_slice %arg8[%add3A_104, %dma_wait3A_105] : memref<63x80xi32, #tpu.memory_space<vmem>> -> memref<1x80xi32, #tpu.memory_space<vmem>>
      %dma_wait3A_107 = tpu.memref_squeeze %dma_wait3A_106 : memref<1x80xi32, #tpu.memory_space<vmem>> -> memref<80xi32, #tpu.memory_space<vmem>>
      %dma_wait3A_108 = arith.constant 0 : i32
      %dma_wait3A_109 = arith.constant 0 : i32
      %dma_wait3A_110 = tpu.memref_slice %arg12[%dma_wait3A_108, %dma_wait3A_109] : memref<10032x128xf32, #tpu.memory_space<vmem_shared>> -> memref<10032x128xf32, #tpu.memory_space<vmem_shared>>
      tpu.wait_indirect_dma semaphore(%arg16 : memref<!tpu.dma_semaphore, #tpu.memory_space<semaphore_mem>>) src(%arg9 : memref<80x128xf32, #tpu.memory_space<vmem>>) dst(%dma_wait3A_110 : memref<10032x128xf32, #tpu.memory_space<vmem_shared>>)
      %add3A_111 = arith.constant 3 : i32
      %add3A_112 = arith.addi %add3A_54, %add3A_111 : i32
      %add3A_113 = arith.constant 0 : i32
      %add3A_114 = arith.addi %add3A_112, %add3A_113 : i32
      %lt3A = arith.constant 125 : i32
      %lt3A_115 = arith.cmpi slt, %add3A_114, %lt3A : i32
      %convert_element_type3A_116 = arith.extui %lt3A_115 : i1 to i32
      %cond3A_117 = arith.constant 0 : i32
      %cond3A_118 = arith.cmpi ne, %convert_element_type3A_116, %cond3A_117 : i32
      scf.if %cond3A_118 {
        %add3A_153 = arith.constant 3 : i32
        %add3A_154 = arith.addi %add3A_54, %add3A_153 : i32
        %add3A_155 = arith.constant 0 : i32
        %add3A_156 = arith.addi %add3A_154, %add3A_155 : i32
        %mul3A_157 = arith.constant 80 : i32
        %mul3A_158 = arith.muli %add3A_156, %mul3A_157 : i32
        %dma_start3A_159 = tpu.memref_slice %arg7[%mul3A_158] : memref<10000xi32, #tpu.memory_space<vmem>> -> memref<80xi32, #tpu.memory_space<vmem>>
        %dma_start3A_160 = arith.constant 0 : i32
        %dma_start3A_161 = arith.constant 0 : i32
        %dma_start3A_162 = tpu.memref_slice %arg2[%dma_start3A_160, %dma_start3A_161] : memref<10000x128xf32, #tpu.memory_space<hbm>> -> memref<10000x128xf32, #tpu.memory_space<hbm>>
        tpu.enqueue_indirect_dma source(%dma_start3A_162 : memref<10000x128xf32, #tpu.memory_space<hbm>>) target(%arg9 : memref<80x128xf32, #tpu.memory_space<vmem>>) offsets(%dma_start3A_159 : memref<80xi32, #tpu.memory_space<vmem>>) semaphore(%arg13 : memref<!tpu.dma_semaphore, #tpu.memory_space<semaphore_mem>>)
      } else {
      }
      %add3A_119 = arith.constant 1 : i32
      %add3A_120 = arith.addi %add3A_54, %add3A_119 : i32
      %dma_wait3A_121 = arith.constant 0 : i32
      %dma_wait3A_122 = tpu.memref_slice %arg8[%add3A_120, %dma_wait3A_121] : memref<63x80xi32, #tpu.memory_space<vmem>> -> memref<1x80xi32, #tpu.memory_space<vmem>>
      %dma_wait3A_123 = tpu.memref_squeeze %dma_wait3A_122 : memref<1x80xi32, #tpu.memory_space<vmem>> -> memref<80xi32, #tpu.memory_space<vmem>>
      %dma_wait3A_124 = arith.constant 0 : i32
      %dma_wait3A_125 = arith.constant 0 : i32
      %dma_wait3A_126 = tpu.memref_slice %arg12[%dma_wait3A_124, %dma_wait3A_125] : memref<10032x128xf32, #tpu.memory_space<vmem_shared>> -> memref<10032x128xf32, #tpu.memory_space<vmem_shared>>
      tpu.wait_indirect_dma semaphore(%arg17 : memref<!tpu.dma_semaphore, #tpu.memory_space<semaphore_mem>>) src(%arg10 : memref<80x128xf32, #tpu.memory_space<vmem>>) dst(%dma_wait3A_126 : memref<10032x128xf32, #tpu.memory_space<vmem_shared>>)
      %add3A_127 = arith.constant 3 : i32
      %add3A_128 = arith.addi %add3A_54, %add3A_127 : i32
      %add3A_129 = arith.constant 1 : i32
      %add3A_130 = arith.addi %add3A_128, %add3A_129 : i32
      %lt3A_131 = arith.constant 125 : i32
      %lt3A_132 = arith.cmpi slt, %add3A_130, %lt3A_131 : i32
      %convert_element_type3A_133 = arith.extui %lt3A_132 : i1 to i32
      %cond3A_134 = arith.constant 0 : i32
      %cond3A_135 = arith.cmpi ne, %convert_element_type3A_133, %cond3A_134 : i32
      scf.if %cond3A_135 {
        %add3A_153 = arith.constant 3 : i32
        %add3A_154 = arith.addi %add3A_54, %add3A_153 : i32
        %add3A_155 = arith.constant 1 : i32
        %add3A_156 = arith.addi %add3A_154, %add3A_155 : i32
        %mul3A_157 = arith.constant 80 : i32
        %mul3A_158 = arith.muli %add3A_156, %mul3A_157 : i32
        %dma_start3A_159 = tpu.memref_slice %arg7[%mul3A_158] : memref<10000xi32, #tpu.memory_space<vmem>> -> memref<80xi32, #tpu.memory_space<vmem>>
        %dma_start3A_160 = arith.constant 0 : i32
        %dma_start3A_161 = arith.constant 0 : i32
        %dma_start3A_162 = tpu.memref_slice %arg2[%dma_start3A_160, %dma_start3A_161] : memref<10000x128xf32, #tpu.memory_space<hbm>> -> memref<10000x128xf32, #tpu.memory_space<hbm>>
        tpu.enqueue_indirect_dma source(%dma_start3A_162 : memref<10000x128xf32, #tpu.memory_space<hbm>>) target(%arg10 : memref<80x128xf32, #tpu.memory_space<vmem>>) offsets(%dma_start3A_159 : memref<80xi32, #tpu.memory_space<vmem>>) semaphore(%arg14 : memref<!tpu.dma_semaphore, #tpu.memory_space<semaphore_mem>>)
      } else {
      }
      %add3A_136 = arith.constant 2 : i32
      %add3A_137 = arith.addi %add3A_54, %add3A_136 : i32
      %dma_wait3A_138 = arith.constant 0 : i32
      %dma_wait3A_139 = tpu.memref_slice %arg8[%add3A_137, %dma_wait3A_138] : memref<63x80xi32, #tpu.memory_space<vmem>> -> memref<1x80xi32, #tpu.memory_space<vmem>>
      %dma_wait3A_140 = tpu.memref_squeeze %dma_wait3A_139 : memref<1x80xi32, #tpu.memory_space<vmem>> -> memref<80xi32, #tpu.memory_space<vmem>>
      %dma_wait3A_141 = arith.constant 0 : i32
      %dma_wait3A_142 = arith.constant 0 : i32
      %dma_wait3A_143 = tpu.memref_slice %arg12[%dma_wait3A_141, %dma_wait3A_142] : memref<10032x128xf32, #tpu.memory_space<vmem_shared>> -> memref<10032x128xf32, #tpu.memory_space<vmem_shared>>
      tpu.wait_indirect_dma semaphore(%arg18 : memref<!tpu.dma_semaphore, #tpu.memory_space<semaphore_mem>>) src(%arg11 : memref<80x128xf32, #tpu.memory_space<vmem>>) dst(%dma_wait3A_143 : memref<10032x128xf32, #tpu.memory_space<vmem_shared>>)
      %add3A_144 = arith.constant 3 : i32
      %add3A_145 = arith.addi %add3A_54, %add3A_144 : i32
      %add3A_146 = arith.constant 2 : i32
      %add3A_147 = arith.addi %add3A_145, %add3A_146 : i32
      %lt3A_148 = arith.constant 125 : i32
      %lt3A_149 = arith.cmpi slt, %add3A_147, %lt3A_148 : i32
      %convert_element_type3A_150 = arith.extui %lt3A_149 : i1 to i32
      %cond3A_151 = arith.constant 0 : i32
      %cond3A_152 = arith.cmpi ne, %convert_element_type3A_150, %cond3A_151 : i32
      scf.if %cond3A_152 {
        %add3A_153 = arith.constant 3 : i32
        %add3A_154 = arith.addi %add3A_54, %add3A_153 : i32
        %add3A_155 = arith.constant 2 : i32
        %add3A_156 = arith.addi %add3A_154, %add3A_155 : i32
        %mul3A_157 = arith.constant 80 : i32
        %mul3A_158 = arith.muli %add3A_156, %mul3A_157 : i32
        %dma_start3A_159 = tpu.memref_slice %arg7[%mul3A_158] : memref<10000xi32, #tpu.memory_space<vmem>> -> memref<80xi32, #tpu.memory_space<vmem>>
        %dma_start3A_160 = arith.constant 0 : i32
        %dma_start3A_161 = arith.constant 0 : i32
        %dma_start3A_162 = tpu.memref_slice %arg2[%dma_start3A_160, %dma_start3A_161] : memref<10000x128xf32, #tpu.memory_space<hbm>> -> memref<10000x128xf32, #tpu.memory_space<hbm>>
        tpu.enqueue_indirect_dma source(%dma_start3A_162 : memref<10000x128xf32, #tpu.memory_space<hbm>>) target(%arg11 : memref<80x128xf32, #tpu.memory_space<vmem>>) offsets(%dma_start3A_159 : memref<80xi32, #tpu.memory_space<vmem>>) semaphore(%arg15 : memref<!tpu.dma_semaphore, #tpu.memory_space<semaphore_mem>>)
      } else {
      }
    }
    %scan3A_24 = arith.constant 21 : i32
    %mul3A_25 = arith.constant 2 : i32
    %mul3A_26 = arith.muli %add3A, %mul3A_25 : i32
    %add3A_27 = arith.constant 1 : i32
    %add3A_28 = arith.addi %mul3A_26, %add3A_27 : i32
    "tpu.region"() ({
      %run_scoped3A_50 = tpu.sem_alloc : memref<!tpu.dma_semaphore, #tpu.memory_space<semaphore_mem>>
      %dma_start3A_51 = arith.constant 0 : i32
      %dma_start3A_52 = arith.constant 0 : i32
      %dma_start3A_53 = tpu.memref_slice %arg4[%add3A_28, %dma_start3A_51, %dma_start3A_52] : memref<64x63x80xi32, #tpu.memory_space<hbm>> -> memref<1x63x80xi32, #tpu.memory_space<hbm>>
      %dma_start3A_54 = tpu.memref_squeeze %dma_start3A_53 : memref<1x63x80xi32, #tpu.memory_space<hbm>> -> memref<63x80xi32, #tpu.memory_space<hbm>>
      %dma_start3A_55 = arith.constant 0 : i32
      %dma_start3A_56 = arith.constant 0 : i32
      %dma_start3A_57 = tpu.memref_slice %arg4[%add3A_28, %dma_start3A_55, %dma_start3A_56] : memref<64x63x80xi32, #tpu.memory_space<hbm>> -> memref<1x63x80xi32, #tpu.memory_space<hbm>>
      %dma_start3A_58 = tpu.memref_squeeze %dma_start3A_57 : memref<1x63x80xi32, #tpu.memory_space<hbm>> -> memref<63x80xi32, #tpu.memory_space<hbm>>
      tpu.enqueue_dma source(%dma_start3A_58 : memref<63x80xi32, #tpu.memory_space<hbm>>) target(%arg8 : memref<63x80xi32, #tpu.memory_space<vmem>>) target_semaphore(%run_scoped3A_50 : memref<!tpu.dma_semaphore, #tpu.memory_space<semaphore_mem>>)
      %dma_wait3A_59 = arith.constant 0 : i32
      %dma_wait3A_60 = arith.constant 0 : i32
      %dma_wait3A_61 = tpu.memref_slice %arg4[%add3A_28, %dma_wait3A_59, %dma_wait3A_60] : memref<64x63x80xi32, #tpu.memory_space<hbm>> -> memref<1x63x80xi32, #tpu.memory_space<hbm>>
      %dma_wait3A_62 = tpu.memref_squeeze %dma_wait3A_61 : memref<1x63x80xi32, #tpu.memory_space<hbm>> -> memref<63x80xi32, #tpu.memory_space<hbm>>
      %dma_wait3A_63 = arith.constant 0 : i32
      %dma_wait3A_64 = arith.constant 0 : i32
      %dma_wait3A_65 = tpu.memref_slice %arg4[%add3A_28, %dma_wait3A_63, %dma_wait3A_64] : memref<64x63x80xi32, #tpu.memory_space<hbm>> -> memref<1x63x80xi32, #tpu.memory_space<hbm>>
      %dma_wait3A_66 = tpu.memref_squeeze %dma_wait3A_65 : memref<1x63x80xi32, #tpu.memory_space<hbm>> -> memref<63x80xi32, #tpu.memory_space<hbm>>
      tpu.wait_dma2 semaphore(%run_scoped3A_50 : memref<!tpu.dma_semaphore, #tpu.memory_space<semaphore_mem>>) src(%dma_wait3A_66 : memref<63x80xi32, #tpu.memory_space<hbm>>) dst(%arg8 : memref<63x80xi32, #tpu.memory_space<vmem>>)
      tpu.yield
    }) : () -> ()
    %scan3A_29 = arith.constant 0 : i32
    %scan3A_30 = arith.constant 20 : i32
    %scan3A_31 = arith.addi %scan3A_29, %scan3A_30 : i32
    %scan3A_32 = arith.constant 1 : i32
    scf.for %scan3A_50 = %scan3A_29 to %scan3A_31 step %scan3A_32  : i32 {
      %mul3A_51 = arith.constant 3 : i32
      %mul3A_52 = arith.muli %scan3A_50, %mul3A_51 : i32
      %add3A_53 = arith.constant 63 : i32
      %add3A_54 = arith.addi %add3A_53, %mul3A_52 : i32
      %sub3A = arith.constant 63 : i32
      %sub3A_55 = arith.subi %add3A_54, %sub3A : i32
      %add3A_56 = arith.constant 0 : i32
      %add3A_57 = arith.addi %add3A_54, %add3A_56 : i32
      %mul3A_58 = arith.constant 80 : i32
      %mul3A_59 = arith.muli %add3A_57, %mul3A_58 : i32
      %dma_wait3A_60 = tpu.memref_slice %arg7[%mul3A_59] : memref<10000xi32, #tpu.memory_space<vmem>> -> memref<80xi32, #tpu.memory_space<vmem>>
      %dma_wait3A_61 = arith.constant 0 : i32
      %dma_wait3A_62 = arith.constant 0 : i32
      %dma_wait3A_63 = tpu.memref_slice %arg2[%dma_wait3A_61, %dma_wait3A_62] : memref<10000x128xf32, #tpu.memory_space<hbm>> -> memref<10000x128xf32, #tpu.memory_space<hbm>>
      tpu.wait_indirect_dma semaphore(%arg13 : memref<!tpu.dma_semaphore, #tpu.memory_space<semaphore_mem>>) src(%dma_wait3A_63 : memref<10000x128xf32, #tpu.memory_space<hbm>>) dst(%arg9 : memref<80x128xf32, #tpu.memory_space<vmem>>)
      %add3A_64 = arith.constant 0 : i32
      %add3A_65 = arith.addi %sub3A_55, %add3A_64 : i32
      %dma_start3A_66 = arith.constant 0 : i32
      %dma_start3A_67 = tpu.memref_slice %arg8[%add3A_65, %dma_start3A_66] : memref<63x80xi32, #tpu.memory_space<vmem>> -> memref<1x80xi32, #tpu.memory_space<vmem>>
      %dma_start3A_68 = tpu.memref_squeeze %dma_start3A_67 : memref<1x80xi32, #tpu.memory_space<vmem>> -> memref<80xi32, #tpu.memory_space<vmem>>
      %dma_start3A_69 = arith.constant 0 : i32
      %dma_start3A_70 = arith.constant 0 : i32
      %dma_start3A_71 = tpu.memref_slice %arg12[%dma_start3A_69, %dma_start3A_70] : memref<10032x128xf32, #tpu.memory_space<vmem_shared>> -> memref<10032x128xf32, #tpu.memory_space<vmem_shared>>
      tpu.enqueue_indirect_dma source(%arg9 : memref<80x128xf32, #tpu.memory_space<vmem>>) target(%dma_start3A_71 : memref<10032x128xf32, #tpu.memory_space<vmem_shared>>) offsets(%dma_start3A_68 : memref<80xi32, #tpu.memory_space<vmem>>) semaphore(%arg16 : memref<!tpu.dma_semaphore, #tpu.memory_space<semaphore_mem>>) {add = true}
      %add3A_72 = arith.constant 1 : i32
      %add3A_73 = arith.addi %add3A_54, %add3A_72 : i32
      %mul3A_74 = arith.constant 80 : i32
      %mul3A_75 = arith.muli %add3A_73, %mul3A_74 : i32
      %dma_wait3A_76 = tpu.memref_slice %arg7[%mul3A_75] : memref<10000xi32, #tpu.memory_space<vmem>> -> memref<80xi32, #tpu.memory_space<vmem>>
      %dma_wait3A_77 = arith.constant 0 : i32
      %dma_wait3A_78 = arith.constant 0 : i32
      %dma_wait3A_79 = tpu.memref_slice %arg2[%dma_wait3A_77, %dma_wait3A_78] : memref<10000x128xf32, #tpu.memory_space<hbm>> -> memref<10000x128xf32, #tpu.memory_space<hbm>>
      tpu.wait_indirect_dma semaphore(%arg14 : memref<!tpu.dma_semaphore, #tpu.memory_space<semaphore_mem>>) src(%dma_wait3A_79 : memref<10000x128xf32, #tpu.memory_space<hbm>>) dst(%arg10 : memref<80x128xf32, #tpu.memory_space<vmem>>)
      %add3A_80 = arith.constant 1 : i32
      %add3A_81 = arith.addi %sub3A_55, %add3A_80 : i32
      %dma_start3A_82 = arith.constant 0 : i32
      %dma_start3A_83 = tpu.memref_slice %arg8[%add3A_81, %dma_start3A_82] : memref<63x80xi32, #tpu.memory_space<vmem>> -> memref<1x80xi32, #tpu.memory_space<vmem>>
      %dma_start3A_84 = tpu.memref_squeeze %dma_start3A_83 : memref<1x80xi32, #tpu.memory_space<vmem>> -> memref<80xi32, #tpu.memory_space<vmem>>
      %dma_start3A_85 = arith.constant 0 : i32
      %dma_start3A_86 = arith.constant 0 : i32
      %dma_start3A_87 = tpu.memref_slice %arg12[%dma_start3A_85, %dma_start3A_86] : memref<10032x128xf32, #tpu.memory_space<vmem_shared>> -> memref<10032x128xf32, #tpu.memory_space<vmem_shared>>
      tpu.enqueue_indirect_dma source(%arg10 : memref<80x128xf32, #tpu.memory_space<vmem>>) target(%dma_start3A_87 : memref<10032x128xf32, #tpu.memory_space<vmem_shared>>) offsets(%dma_start3A_84 : memref<80xi32, #tpu.memory_space<vmem>>) semaphore(%arg17 : memref<!tpu.dma_semaphore, #tpu.memory_space<semaphore_mem>>) {add = true}
      %add3A_88 = arith.constant 2 : i32
      %add3A_89 = arith.addi %add3A_54, %add3A_88 : i32
      %mul3A_90 = arith.constant 80 : i32
      %mul3A_91 = arith.muli %add3A_89, %mul3A_90 : i32
      %dma_wait3A_92 = tpu.memref_slice %arg7[%mul3A_91] : memref<10000xi32, #tpu.memory_space<vmem>> -> memref<80xi32, #tpu.memory_space<vmem>>
      %dma_wait3A_93 = arith.constant 0 : i32
      %dma_wait3A_94 = arith.constant 0 : i32
      %dma_wait3A_95 = tpu.memref_slice %arg2[%dma_wait3A_93, %dma_wait3A_94] : memref<10000x128xf32, #tpu.memory_space<hbm>> -> memref<10000x128xf32, #tpu.memory_space<hbm>>
      tpu.wait_indirect_dma semaphore(%arg15 : memref<!tpu.dma_semaphore, #tpu.memory_space<semaphore_mem>>) src(%dma_wait3A_95 : memref<10000x128xf32, #tpu.memory_space<hbm>>) dst(%arg11 : memref<80x128xf32, #tpu.memory_space<vmem>>)
      %add3A_96 = arith.constant 2 : i32
      %add3A_97 = arith.addi %sub3A_55, %add3A_96 : i32
      %dma_start3A_98 = arith.constant 0 : i32
      %dma_start3A_99 = tpu.memref_slice %arg8[%add3A_97, %dma_start3A_98] : memref<63x80xi32, #tpu.memory_space<vmem>> -> memref<1x80xi32, #tpu.memory_space<vmem>>
      %dma_start3A_100 = tpu.memref_squeeze %dma_start3A_99 : memref<1x80xi32, #tpu.memory_space<vmem>> -> memref<80xi32, #tpu.memory_space<vmem>>
      %dma_start3A_101 = arith.constant 0 : i32
      %dma_start3A_102 = arith.constant 0 : i32
      %dma_start3A_103 = tpu.memref_slice %arg12[%dma_start3A_101, %dma_start3A_102] : memref<10032x128xf32, #tpu.memory_space<vmem_shared>> -> memref<10032x128xf32, #tpu.memory_space<vmem_shared>>
      tpu.enqueue_indirect_dma source(%arg11 : memref<80x128xf32, #tpu.memory_space<vmem>>) target(%dma_start3A_103 : memref<10032x128xf32, #tpu.memory_space<vmem_shared>>) offsets(%dma_start3A_100 : memref<80xi32, #tpu.memory_space<vmem>>) semaphore(%arg18 : memref<!tpu.dma_semaphore, #tpu.memory_space<semaphore_mem>>) {add = true}
      %add3A_104 = arith.constant 0 : i32
      %add3A_105 = arith.addi %sub3A_55, %add3A_104 : i32
      %dma_wait3A_106 = arith.constant 0 : i32
      %dma_wait3A_107 = tpu.memref_slice %arg8[%add3A_105, %dma_wait3A_106] : memref<63x80xi32, #tpu.memory_space<vmem>> -> memref<1x80xi32, #tpu.memory_space<vmem>>
      %dma_wait3A_108 = tpu.memref_squeeze %dma_wait3A_107 : memref<1x80xi32, #tpu.memory_space<vmem>> -> memref<80xi32, #tpu.memory_space<vmem>>
      %dma_wait3A_109 = arith.constant 0 : i32
      %dma_wait3A_110 = arith.constant 0 : i32
      %dma_wait3A_111 = tpu.memref_slice %arg12[%dma_wait3A_109, %dma_wait3A_110] : memref<10032x128xf32, #tpu.memory_space<vmem_shared>> -> memref<10032x128xf32, #tpu.memory_space<vmem_shared>>
      tpu.wait_indirect_dma semaphore(%arg16 : memref<!tpu.dma_semaphore, #tpu.memory_space<semaphore_mem>>) src(%arg9 : memref<80x128xf32, #tpu.memory_space<vmem>>) dst(%dma_wait3A_111 : memref<10032x128xf32, #tpu.memory_space<vmem_shared>>)
      %add3A_112 = arith.constant 3 : i32
      %add3A_113 = arith.addi %add3A_54, %add3A_112 : i32
      %add3A_114 = arith.constant 0 : i32
      %add3A_115 = arith.addi %add3A_113, %add3A_114 : i32
      %lt3A = arith.constant 125 : i32
      %lt3A_116 = arith.cmpi slt, %add3A_115, %lt3A : i32
      %convert_element_type3A_117 = arith.extui %lt3A_116 : i1 to i32
      %cond3A_118 = arith.constant 0 : i32
      %cond3A_119 = arith.cmpi ne, %convert_element_type3A_117, %cond3A_118 : i32
      scf.if %cond3A_119 {
        %add3A_154 = arith.constant 3 : i32
        %add3A_155 = arith.addi %add3A_54, %add3A_154 : i32
        %add3A_156 = arith.constant 0 : i32
        %add3A_157 = arith.addi %add3A_155, %add3A_156 : i32
        %mul3A_158 = arith.constant 80 : i32
        %mul3A_159 = arith.muli %add3A_157, %mul3A_158 : i32
        %dma_start3A_160 = tpu.memref_slice %arg7[%mul3A_159] : memref<10000xi32, #tpu.memory_space<vmem>> -> memref<80xi32, #tpu.memory_space<vmem>>
        %dma_start3A_161 = arith.constant 0 : i32
        %dma_start3A_162 = arith.constant 0 : i32
        %dma_start3A_163 = tpu.memref_slice %arg2[%dma_start3A_161, %dma_start3A_162] : memref<10000x128xf32, #tpu.memory_space<hbm>> -> memref<10000x128xf32, #tpu.memory_space<hbm>>
        tpu.enqueue_indirect_dma source(%dma_start3A_163 : memref<10000x128xf32, #tpu.memory_space<hbm>>) target(%arg9 : memref<80x128xf32, #tpu.memory_space<vmem>>) offsets(%dma_start3A_160 : memref<80xi32, #tpu.memory_space<vmem>>) semaphore(%arg13 : memref<!tpu.dma_semaphore, #tpu.memory_space<semaphore_mem>>)
      } else {
      }
      %add3A_120 = arith.constant 1 : i32
      %add3A_121 = arith.addi %sub3A_55, %add3A_120 : i32
      %dma_wait3A_122 = arith.constant 0 : i32
      %dma_wait3A_123 = tpu.memref_slice %arg8[%add3A_121, %dma_wait3A_122] : memref<63x80xi32, #tpu.memory_space<vmem>> -> memref<1x80xi32, #tpu.memory_space<vmem>>
      %dma_wait3A_124 = tpu.memref_squeeze %dma_wait3A_123 : memref<1x80xi32, #tpu.memory_space<vmem>> -> memref<80xi32, #tpu.memory_space<vmem>>
      %dma_wait3A_125 = arith.constant 0 : i32
      %dma_wait3A_126 = arith.constant 0 : i32
      %dma_wait3A_127 = tpu.memref_slice %arg12[%dma_wait3A_125, %dma_wait3A_126] : memref<10032x128xf32, #tpu.memory_space<vmem_shared>> -> memref<10032x128xf32, #tpu.memory_space<vmem_shared>>
      tpu.wait_indirect_dma semaphore(%arg17 : memref<!tpu.dma_semaphore, #tpu.memory_space<semaphore_mem>>) src(%arg10 : memref<80x128xf32, #tpu.memory_space<vmem>>) dst(%dma_wait3A_127 : memref<10032x128xf32, #tpu.memory_space<vmem_shared>>)
      %add3A_128 = arith.constant 3 : i32
      %add3A_129 = arith.addi %add3A_54, %add3A_128 : i32
      %add3A_130 = arith.constant 1 : i32
      %add3A_131 = arith.addi %add3A_129, %add3A_130 : i32
      %lt3A_132 = arith.constant 125 : i32
      %lt3A_133 = arith.cmpi slt, %add3A_131, %lt3A_132 : i32
      %convert_element_type3A_134 = arith.extui %lt3A_133 : i1 to i32
      %cond3A_135 = arith.constant 0 : i32
      %cond3A_136 = arith.cmpi ne, %convert_element_type3A_134, %cond3A_135 : i32
      scf.if %cond3A_136 {
        %add3A_154 = arith.constant 3 : i32
        %add3A_155 = arith.addi %add3A_54, %add3A_154 : i32
        %add3A_156 = arith.constant 1 : i32
        %add3A_157 = arith.addi %add3A_155, %add3A_156 : i32
        %mul3A_158 = arith.constant 80 : i32
        %mul3A_159 = arith.muli %add3A_157, %mul3A_158 : i32
        %dma_start3A_160 = tpu.memref_slice %arg7[%mul3A_159] : memref<10000xi32, #tpu.memory_space<vmem>> -> memref<80xi32, #tpu.memory_space<vmem>>
        %dma_start3A_161 = arith.constant 0 : i32
        %dma_start3A_162 = arith.constant 0 : i32
        %dma_start3A_163 = tpu.memref_slice %arg2[%dma_start3A_161, %dma_start3A_162] : memref<10000x128xf32, #tpu.memory_space<hbm>> -> memref<10000x128xf32, #tpu.memory_space<hbm>>
        tpu.enqueue_indirect_dma source(%dma_start3A_163 : memref<10000x128xf32, #tpu.memory_space<hbm>>) target(%arg10 : memref<80x128xf32, #tpu.memory_space<vmem>>) offsets(%dma_start3A_160 : memref<80xi32, #tpu.memory_space<vmem>>) semaphore(%arg14 : memref<!tpu.dma_semaphore, #tpu.memory_space<semaphore_mem>>)
      } else {
      }
      %add3A_137 = arith.constant 2 : i32
      %add3A_138 = arith.addi %sub3A_55, %add3A_137 : i32
      %dma_wait3A_139 = arith.constant 0 : i32
      %dma_wait3A_140 = tpu.memref_slice %arg8[%add3A_138, %dma_wait3A_139] : memref<63x80xi32, #tpu.memory_space<vmem>> -> memref<1x80xi32, #tpu.memory_space<vmem>>
      %dma_wait3A_141 = tpu.memref_squeeze %dma_wait3A_140 : memref<1x80xi32, #tpu.memory_space<vmem>> -> memref<80xi32, #tpu.memory_space<vmem>>
      %dma_wait3A_142 = arith.constant 0 : i32
      %dma_wait3A_143 = arith.constant 0 : i32
      %dma_wait3A_144 = tpu.memref_slice %arg12[%dma_wait3A_142, %dma_wait3A_143] : memref<10032x128xf32, #tpu.memory_space<vmem_shared>> -> memref<10032x128xf32, #tpu.memory_space<vmem_shared>>
      tpu.wait_indirect_dma semaphore(%arg18 : memref<!tpu.dma_semaphore, #tpu.memory_space<semaphore_mem>>) src(%arg11 : memref<80x128xf32, #tpu.memory_space<vmem>>) dst(%dma_wait3A_144 : memref<10032x128xf32, #tpu.memory_space<vmem_shared>>)
      %add3A_145 = arith.constant 3 : i32
      %add3A_146 = arith.addi %add3A_54, %add3A_145 : i32
      %add3A_147 = arith.constant 2 : i32
      %add3A_148 = arith.addi %add3A_146, %add3A_147 : i32
      %lt3A_149 = arith.constant 125 : i32
      %lt3A_150 = arith.cmpi slt, %add3A_148, %lt3A_149 : i32
      %convert_element_type3A_151 = arith.extui %lt3A_150 : i1 to i32
      %cond3A_152 = arith.constant 0 : i32
      %cond3A_153 = arith.cmpi ne, %convert_element_type3A_151, %cond3A_152 : i32
      scf.if %cond3A_153 {
        %add3A_154 = arith.constant 3 : i32
        %add3A_155 = arith.addi %add3A_54, %add3A_154 : i32
        %add3A_156 = arith.constant 2 : i32
        %add3A_157 = arith.addi %add3A_155, %add3A_156 : i32
        %mul3A_158 = arith.constant 80 : i32
        %mul3A_159 = arith.muli %add3A_157, %mul3A_158 : i32
        %dma_start3A_160 = tpu.memref_slice %arg7[%mul3A_159] : memref<10000xi32, #tpu.memory_space<vmem>> -> memref<80xi32, #tpu.memory_space<vmem>>
        %dma_start3A_161 = arith.constant 0 : i32
        %dma_start3A_162 = arith.constant 0 : i32
        %dma_start3A_163 = tpu.memref_slice %arg2[%dma_start3A_161, %dma_start3A_162] : memref<10000x128xf32, #tpu.memory_space<hbm>> -> memref<10000x128xf32, #tpu.memory_space<hbm>>
        tpu.enqueue_indirect_dma source(%dma_start3A_163 : memref<10000x128xf32, #tpu.memory_space<hbm>>) target(%arg11 : memref<80x128xf32, #tpu.memory_space<vmem>>) offsets(%dma_start3A_160 : memref<80xi32, #tpu.memory_space<vmem>>) semaphore(%arg15 : memref<!tpu.dma_semaphore, #tpu.memory_space<semaphore_mem>>)
      } else {
      }
    }
    %scan3A_33 = arith.constant 20 : i32
    %dma_wait3A = arith.constant 9840 : i32
    %dma_wait3A_34 = tpu.memref_slice %arg7[%dma_wait3A] : memref<10000xi32, #tpu.memory_space<vmem>> -> memref<80xi32, #tpu.memory_space<vmem>>
    %dma_wait3A_35 = arith.constant 0 : i32
    %dma_wait3A_36 = arith.constant 0 : i32
    %dma_wait3A_37 = tpu.memref_slice %arg2[%dma_wait3A_35, %dma_wait3A_36] : memref<10000x128xf32, #tpu.memory_space<hbm>> -> memref<10000x128xf32, #tpu.memory_space<hbm>>
    tpu.wait_indirect_dma semaphore(%arg13 : memref<!tpu.dma_semaphore, #tpu.memory_space<semaphore_mem>>) src(%dma_wait3A_37 : memref<10000x128xf32, #tpu.memory_space<hbm>>) dst(%arg9 : memref<80x128xf32, #tpu.memory_space<vmem>>)
    %run_scoped3A = arith.constant 60 : i32
    "tpu.region"() ({
      %run_scoped3A_50 = tpu.sem_alloc : memref<!tpu.dma_semaphore, #tpu.memory_space<semaphore_mem>>
      %dma_start3A_51 = arith.constant 0 : i32
      %dma_start3A_52 = tpu.memref_slice %arg8[%run_scoped3A, %dma_start3A_51] : memref<63x80xi32, #tpu.memory_space<vmem>> -> memref<1x80xi32, #tpu.memory_space<vmem>>
      %dma_start3A_53 = tpu.memref_squeeze %dma_start3A_52 : memref<1x80xi32, #tpu.memory_space<vmem>> -> memref<80xi32, #tpu.memory_space<vmem>>
      %dma_start3A_54 = arith.constant 0 : i32
      %dma_start3A_55 = arith.constant 0 : i32
      %dma_start3A_56 = tpu.memref_slice %arg12[%dma_start3A_54, %dma_start3A_55] : memref<10032x128xf32, #tpu.memory_space<vmem_shared>> -> memref<10032x128xf32, #tpu.memory_space<vmem_shared>>
      tpu.enqueue_indirect_dma source(%arg9 : memref<80x128xf32, #tpu.memory_space<vmem>>) target(%dma_start3A_56 : memref<10032x128xf32, #tpu.memory_space<vmem_shared>>) offsets(%dma_start3A_53 : memref<80xi32, #tpu.memory_space<vmem>>) semaphore(%run_scoped3A_50 : memref<!tpu.dma_semaphore, #tpu.memory_space<semaphore_mem>>) {add = true}
      %dma_wait3A_57 = arith.constant 0 : i32
      %dma_wait3A_58 = tpu.memref_slice %arg8[%run_scoped3A, %dma_wait3A_57] : memref<63x80xi32, #tpu.memory_space<vmem>> -> memref<1x80xi32, #tpu.memory_space<vmem>>
      %dma_wait3A_59 = tpu.memref_squeeze %dma_wait3A_58 : memref<1x80xi32, #tpu.memory_space<vmem>> -> memref<80xi32, #tpu.memory_space<vmem>>
      %dma_wait3A_60 = arith.constant 0 : i32
      %dma_wait3A_61 = arith.constant 0 : i32
      %dma_wait3A_62 = tpu.memref_slice %arg12[%dma_wait3A_60, %dma_wait3A_61] : memref<10032x128xf32, #tpu.memory_space<vmem_shared>> -> memref<10032x128xf32, #tpu.memory_space<vmem_shared>>
      tpu.wait_indirect_dma semaphore(%run_scoped3A_50 : memref<!tpu.dma_semaphore, #tpu.memory_space<semaphore_mem>>) src(%arg9 : memref<80x128xf32, #tpu.memory_space<vmem>>) dst(%dma_wait3A_62 : memref<10032x128xf32, #tpu.memory_space<vmem_shared>>)
      tpu.yield
    }) : () -> ()
    %dma_wait3A_38 = arith.constant 9920 : i32
    %dma_wait3A_39 = tpu.memref_slice %arg7[%dma_wait3A_38] : memref<10000xi32, #tpu.memory_space<vmem>> -> memref<80xi32, #tpu.memory_space<vmem>>
    %dma_wait3A_40 = arith.constant 0 : i32
    %dma_wait3A_41 = arith.constant 0 : i32
    %dma_wait3A_42 = tpu.memref_slice %arg2[%dma_wait3A_40, %dma_wait3A_41] : memref<10000x128xf32, #tpu.memory_space<hbm>> -> memref<10000x128xf32, #tpu.memory_space<hbm>>
    tpu.wait_indirect_dma semaphore(%arg14 : memref<!tpu.dma_semaphore, #tpu.memory_space<semaphore_mem>>) src(%dma_wait3A_42 : memref<10000x128xf32, #tpu.memory_space<hbm>>) dst(%arg10 : memref<80x128xf32, #tpu.memory_space<vmem>>)
    %run_scoped3A_43 = arith.constant 61 : i32
    "tpu.region"() ({
      %run_scoped3A_50 = tpu.sem_alloc : memref<!tpu.dma_semaphore, #tpu.memory_space<semaphore_mem>>
      %dma_start3A_51 = arith.constant 0 : i32
      %dma_start3A_52 = tpu.memref_slice %arg8[%run_scoped3A_43, %dma_start3A_51] : memref<63x80xi32, #tpu.memory_space<vmem>> -> memref<1x80xi32, #tpu.memory_space<vmem>>
      %dma_start3A_53 = tpu.memref_squeeze %dma_start3A_52 : memref<1x80xi32, #tpu.memory_space<vmem>> -> memref<80xi32, #tpu.memory_space<vmem>>
      %dma_start3A_54 = arith.constant 0 : i32
      %dma_start3A_55 = arith.constant 0 : i32
      %dma_start3A_56 = tpu.memref_slice %arg12[%dma_start3A_54, %dma_start3A_55] : memref<10032x128xf32, #tpu.memory_space<vmem_shared>> -> memref<10032x128xf32, #tpu.memory_space<vmem_shared>>
      tpu.enqueue_indirect_dma source(%arg10 : memref<80x128xf32, #tpu.memory_space<vmem>>) target(%dma_start3A_56 : memref<10032x128xf32, #tpu.memory_space<vmem_shared>>) offsets(%dma_start3A_53 : memref<80xi32, #tpu.memory_space<vmem>>) semaphore(%run_scoped3A_50 : memref<!tpu.dma_semaphore, #tpu.memory_space<semaphore_mem>>) {add = true}
      %dma_wait3A_57 = arith.constant 0 : i32
      %dma_wait3A_58 = tpu.memref_slice %arg8[%run_scoped3A_43, %dma_wait3A_57] : memref<63x80xi32, #tpu.memory_space<vmem>> -> memref<1x80xi32, #tpu.memory_space<vmem>>
      %dma_wait3A_59 = tpu.memref_squeeze %dma_wait3A_58 : memref<1x80xi32, #tpu.memory_space<vmem>> -> memref<80xi32, #tpu.memory_space<vmem>>
      %dma_wait3A_60 = arith.constant 0 : i32
      %dma_wait3A_61 = arith.constant 0 : i32
      %dma_wait3A_62 = tpu.memref_slice %arg12[%dma_wait3A_60, %dma_wait3A_61] : memref<10032x128xf32, #tpu.memory_space<vmem_shared>> -> memref<10032x128xf32, #tpu.memory_space<vmem_shared>>
      tpu.wait_indirect_dma semaphore(%run_scoped3A_50 : memref<!tpu.dma_semaphore, #tpu.memory_space<semaphore_mem>>) src(%arg10 : memref<80x128xf32, #tpu.memory_space<vmem>>) dst(%dma_wait3A_62 : memref<10032x128xf32, #tpu.memory_space<vmem_shared>>)
      tpu.yield
    }) : () -> ()
    %barrier3A_44 = arith.constant 0 : index
    tpu.barrier barrier_id(%barrier3A_44)
    "tpu.region"() ({
      %run_scoped3A_50 = tpu.sem_alloc : memref<!tpu.dma_semaphore, #tpu.memory_space<semaphore_mem>>
      %dma_start3A_51 = arith.constant 0 : i32
      %dma_start3A_52 = tpu.memref_slice %arg6[%arg0, %mul3A_2, %dma_start3A_51] : memref<2x10000x128xf32, #tpu.memory_space<hbm>> -> memref<1x624x128xf32, #tpu.memory_space<hbm>>
      %dma_start3A_53 = tpu.memref_squeeze %dma_start3A_52 : memref<1x624x128xf32, #tpu.memory_space<hbm>> -> memref<624x128xf32, #tpu.memory_space<hbm>>
      %dma_start3A_54 = arith.constant 0 : i32
      %dma_start3A_55 = tpu.memref_slice %arg12[%mul3A_2, %dma_start3A_54] : memref<10032x128xf32, #tpu.memory_space<vmem_shared>> -> memref<624x128xf32, #tpu.memory_space<vmem_shared>>
      tpu.enqueue_dma source(%dma_start3A_55 : memref<624x128xf32, #tpu.memory_space<vmem_shared>>) target(%dma_start3A_53 : memref<624x128xf32, #tpu.memory_space<hbm>>) target_semaphore(%run_scoped3A_50 : memref<!tpu.dma_semaphore, #tpu.memory_space<semaphore_mem>>)
      %dma_wait3A_56 = arith.constant 0 : i32
      %dma_wait3A_57 = tpu.memref_slice %arg6[%arg0, %mul3A_2, %dma_wait3A_56] : memref<2x10000x128xf32, #tpu.memory_space<hbm>> -> memref<1x624x128xf32, #tpu.memory_space<hbm>>
      %dma_wait3A_58 = tpu.memref_squeeze %dma_wait3A_57 : memref<1x624x128xf32, #tpu.memory_space<hbm>> -> memref<624x128xf32, #tpu.memory_space<hbm>>
      %dma_wait3A_59 = arith.constant 0 : i32
      %dma_wait3A_60 = tpu.memref_slice %arg12[%mul3A_2, %dma_wait3A_59] : memref<10032x128xf32, #tpu.memory_space<vmem_shared>> -> memref<624x128xf32, #tpu.memory_space<vmem_shared>>
      tpu.wait_dma2 semaphore(%run_scoped3A_50 : memref<!tpu.dma_semaphore, #tpu.memory_space<semaphore_mem>>) src(%dma_wait3A_60 : memref<624x128xf32, #tpu.memory_space<vmem_shared>>) dst(%dma_wait3A_58 : memref<624x128xf32, #tpu.memory_space<hbm>>)
      tpu.yield
    }) : () -> ()
    %eq3A_45 = arith.constant 15 : i32
    %eq3A_46 = arith.cmpi eq, %arg1, %eq3A_45 : i32
    %convert_element_type3A_47 = arith.extui %eq3A_46 : i1 to i32
    %cond3A_48 = arith.constant 0 : i32
    %cond3A_49 = arith.cmpi ne, %convert_element_type3A_47, %cond3A_48 : i32
    scf.if %cond3A_49 {
      "tpu.region"() ({
        %run_scoped3A_50 = tpu.sem_alloc : memref<!tpu.dma_semaphore, #tpu.memory_space<semaphore_mem>>
        %dma_start3A_51 = arith.constant 9984 : i32
        %dma_start3A_52 = arith.constant 0 : i32
        %dma_start3A_53 = tpu.memref_slice %arg6[%arg0, %dma_start3A_51, %dma_start3A_52] : memref<2x10000x128xf32, #tpu.memory_space<hbm>> -> memref<1x16x128xf32, #tpu.memory_space<hbm>>
        %dma_start3A_54 = tpu.memref_squeeze %dma_start3A_53 : memref<1x16x128xf32, #tpu.memory_space<hbm>> -> memref<16x128xf32, #tpu.memory_space<hbm>>
        %dma_start3A_55 = arith.constant 9984 : i32
        %dma_start3A_56 = arith.constant 0 : i32
        %dma_start3A_57 = tpu.memref_slice %arg12[%dma_start3A_55, %dma_start3A_56] : memref<10032x128xf32, #tpu.memory_space<vmem_shared>> -> memref<16x128xf32, #tpu.memory_space<vmem_shared>>
        tpu.enqueue_dma source(%dma_start3A_57 : memref<16x128xf32, #tpu.memory_space<vmem_shared>>) target(%dma_start3A_54 : memref<16x128xf32, #tpu.memory_space<hbm>>) target_semaphore(%run_scoped3A_50 : memref<!tpu.dma_semaphore, #tpu.memory_space<semaphore_mem>>)
        %dma_wait3A_58 = arith.constant 9984 : i32
        %dma_wait3A_59 = arith.constant 0 : i32
        %dma_wait3A_60 = tpu.memref_slice %arg6[%arg0, %dma_wait3A_58, %dma_wait3A_59] : memref<2x10000x128xf32, #tpu.memory_space<hbm>> -> memref<1x16x128xf32, #tpu.memory_space<hbm>>
        %dma_wait3A_61 = tpu.memref_squeeze %dma_wait3A_60 : memref<1x16x128xf32, #tpu.memory_space<hbm>> -> memref<16x128xf32, #tpu.memory_space<hbm>>
        %dma_wait3A_62 = arith.constant 9984 : i32
        %dma_wait3A_63 = arith.constant 0 : i32
        %dma_wait3A_64 = tpu.memref_slice %arg12[%dma_wait3A_62, %dma_wait3A_63] : memref<10032x128xf32, #tpu.memory_space<vmem_shared>> -> memref<16x128xf32, #tpu.memory_space<vmem_shared>>
        tpu.wait_dma2 semaphore(%run_scoped3A_50 : memref<!tpu.dma_semaphore, #tpu.memory_space<semaphore_mem>>) src(%dma_wait3A_64 : memref<16x128xf32, #tpu.memory_space<vmem_shared>>) dst(%dma_wait3A_61 : memref<16x128xf32, #tpu.memory_space<hbm>>)
        tpu.yield
      }) : () -> ()
    } else {
    }
    return
  }
}

#map = affine_map<(d0, d1) -> (0, 0)>
#map1 = affine_map<(d0, d1) -> (0, 0, 0)>
module attributes {stable_mosaic.version = 14 : i64} {
  func.func @body(%arg0: i32, %arg1: i32, %arg2: memref<10000x128xf32, #tpu.memory_space<hbm>>, %arg3: memref<32x10000xi32, #tpu.memory_space<hbm>>, %arg4: memref<64x63x80xi32, #tpu.memory_space<hbm>>, %arg5: memref<10032x128xf32, #tpu.memory_space<hbm>>, %arg6: memref<2x10000x128xf32, #tpu.memory_space<hbm>>, %arg7: memref<10000xi32, #tpu.memory_space<vmem>>, %arg8: memref<63x80xi32, #tpu.memory_space<vmem>>, %arg9: memref<80x128xf32, #tpu.memory_space<vmem>>, %arg10: memref<80x128xf32, #tpu.memory_space<vmem>>, %arg11: memref<80x128xf32, #tpu.memory_space<vmem>>, %arg12: memref<10032x128xf32, #tpu.memory_space<vmem_shared>>, %arg13: memref<!tpu.dma_semaphore, #tpu.memory_space<semaphore_mem>>, %arg14: memref<!tpu.dma_semaphore, #tpu.memory_space<semaphore_mem>>, %arg15: memref<!tpu.dma_semaphore, #tpu.memory_space<semaphore_mem>>, %arg16: memref<!tpu.dma_semaphore, #tpu.memory_space<semaphore_mem>>, %arg17: memref<!tpu.dma_semaphore, #tpu.memory_space<semaphore_mem>>, %arg18: memref<!tpu.dma_semaphore, #tpu.memory_space<semaphore_mem>>) attributes {dimension_semantics = [#tpu.dimension_semantics<core_parallel>, #tpu.dimension_semantics<subcore_parallel>], iteration_bounds = array<i64: 2, 16>, scalar_prefetch = 0 : i64, scratch_operands = 12 : i64, tpu.core_type = #tpu.core_type<sc_vector_subcore>, window_params = [{transform_indices = #map}, {transform_indices = #map}, {transform_indices = #map1}, {transform_indices = #map}, {transform_indices = #map1}]} {
    %mul3A = arith.constant 16 : i32
    %mul3A_0 = arith.muli %arg0, %mul3A : i32
    %add3A = arith.addi %mul3A_0, %arg1 : i32
    %mul3A_1 = arith.constant 624 : i32
    %mul3A_2 = arith.muli %arg1, %mul3A_1 : i32
    "tpu.region"() ({
      %run_scoped3A_50 = tpu.sem_alloc : memref<!tpu.dma_semaphore, #tpu.memory_space<semaphore_mem>>
      %dma_start3A_51 = arith.constant 0 : i32
      %dma_start3A_52 = tpu.memref_slice %arg3[%add3A, %dma_start3A_51] : memref<32x10000xi32, #tpu.memory_space<hbm>> -> memref<1x10000xi32, #tpu.memory_space<hbm>>
      %dma_start3A_53 = tpu.memref_squeeze %dma_start3A_52 : memref<1x10000xi32, #tpu.memory_space<hbm>> -> memref<10000xi32, #tpu.memory_space<hbm>>
      %dma_start3A_54 = arith.constant 0 : i32
      %dma_start3A_55 = tpu.memref_slice %arg3[%add3A, %dma_start3A_54] : memref<32x10000xi32, #tpu.memory_space<hbm>> -> memref<1x10000xi32, #tpu.memory_space<hbm>>
      %dma_start3A_56 = tpu.memref_squeeze %dma_start3A_55 : memref<1x10000xi32, #tpu.memory_space<hbm>> -> memref<10000xi32, #tpu.memory_space<hbm>>
      tpu.enqueue_dma source(%dma_start3A_56 : memref<10000xi32, #tpu.memory_space<hbm>>) target(%arg7 : memref<10000xi32, #tpu.memory_space<vmem>>) target_semaphore(%run_scoped3A_50 : memref<!tpu.dma_semaphore, #tpu.memory_space<semaphore_mem>>)
      %dma_wait3A_57 = arith.constant 0 : i32
      %dma_wait3A_58 = tpu.memref_slice %arg3[%add3A, %dma_wait3A_57] : memref<32x10000xi32, #tpu.memory_space<hbm>> -> memref<1x10000xi32, #tpu.memory_space<hbm>>
      %dma_wait3A_59 = tpu.memref_squeeze %dma_wait3A_58 : memref<1x10000xi32, #tpu.memory_space<hbm>> -> memref<10000xi32, #tpu.memory_space<hbm>>
      %dma_wait3A_60 = arith.constant 0 : i32
      %dma_wait3A_61 = tpu.memref_slice %arg3[%add3A, %dma_wait3A_60] : memref<32x10000xi32, #tpu.memory_space<hbm>> -> memref<1x10000xi32, #tpu.memory_space<hbm>>
      %dma_wait3A_62 = tpu.memref_squeeze %dma_wait3A_61 : memref<1x10000xi32, #tpu.memory_space<hbm>> -> memref<10000xi32, #tpu.memory_space<hbm>>
      tpu.wait_dma2 semaphore(%run_scoped3A_50 : memref<!tpu.dma_semaphore, #tpu.memory_space<semaphore_mem>>) src(%dma_wait3A_62 : memref<10000xi32, #tpu.memory_space<hbm>>) dst(%arg7 : memref<10000xi32, #tpu.memory_space<vmem>>)
      tpu.yield
    }) : () -> ()
    %mul3A_3 = arith.constant 2 : i32
    %mul3A_4 = arith.muli %add3A, %mul3A_3 : i32
    "tpu.region"() ({
      %run_scoped3A_50 = tpu.sem_alloc : memref<!tpu.dma_semaphore, #tpu.memory_space<semaphore_mem>>
      %dma_start3A_51 = arith.constant 0 : i32
      %dma_start3A_52 = arith.constant 0 : i32
      %dma_start3A_53 = tpu.memref_slice %arg4[%mul3A_4, %dma_start3A_51, %dma_start3A_52] : memref<64x63x80xi32, #tpu.memory_space<hbm>> -> memref<1x63x80xi32, #tpu.memory_space<hbm>>
      %dma_start3A_54 = tpu.memref_squeeze %dma_start3A_53 : memref<1x63x80xi32, #tpu.memory_space<hbm>> -> memref<63x80xi32, #tpu.memory_space<hbm>>
      %dma_start3A_55 = arith.constant 0 : i32
      %dma_start3A_56 = arith.constant 0 : i32
      %dma_start3A_57 = tpu.memref_slice %arg4[%mul3A_4, %dma_start3A_55, %dma_start3A_56] : memref<64x63x80xi32, #tpu.memory_space<hbm>> -> memref<1x63x80xi32, #tpu.memory_space<hbm>>
      %dma_start3A_58 = tpu.memref_squeeze %dma_start3A_57 : memref<1x63x80xi32, #tpu.memory_space<hbm>> -> memref<63x80xi32, #tpu.memory_space<hbm>>
      tpu.enqueue_dma source(%dma_start3A_58 : memref<63x80xi32, #tpu.memory_space<hbm>>) target(%arg8 : memref<63x80xi32, #tpu.memory_space<vmem>>) target_semaphore(%run_scoped3A_50 : memref<!tpu.dma_semaphore, #tpu.memory_space<semaphore_mem>>)
      %dma_wait3A_59 = arith.constant 0 : i32
      %dma_wait3A_60 = arith.constant 0 : i32
      %dma_wait3A_61 = tpu.memref_slice %arg4[%mul3A_4, %dma_wait3A_59, %dma_wait3A_60] : memref<64x63x80xi32, #tpu.memory_space<hbm>> -> memref<1x63x80xi32, #tpu.memory_space<hbm>>
      %dma_wait3A_62 = tpu.memref_squeeze %dma_wait3A_61 : memref<1x63x80xi32, #tpu.memory_space<hbm>> -> memref<63x80xi32, #tpu.memory_space<hbm>>
      %dma_wait3A_63 = arith.constant 0 : i32
      %dma_wait3A_64 = arith.constant 0 : i32
      %dma_wait3A_65 = tpu.memref_slice %arg4[%mul3A_4, %dma_wait3A_63, %dma_wait3A_64] : memref<64x63x80xi32, #tpu.memory_space<hbm>> -> memref<1x63x80xi32, #tpu.memory_space<hbm>>
      %dma_wait3A_66 = tpu.memref_squeeze %dma_wait3A_65 : memref<1x63x80xi32, #tpu.memory_space<hbm>> -> memref<63x80xi32, #tpu.memory_space<hbm>>
      tpu.wait_dma2 semaphore(%run_scoped3A_50 : memref<!tpu.dma_semaphore, #tpu.memory_space<semaphore_mem>>) src(%dma_wait3A_66 : memref<63x80xi32, #tpu.memory_space<hbm>>) dst(%arg8 : memref<63x80xi32, #tpu.memory_space<vmem>>)
      tpu.yield
    }) : () -> ()
    "tpu.region"() ({
      %run_scoped3A_50 = tpu.sem_alloc : memref<!tpu.dma_semaphore, #tpu.memory_space<semaphore_mem>>
      %dma_start3A_51 = arith.constant 0 : i32
      %dma_start3A_52 = tpu.memref_slice %arg12[%mul3A_2, %dma_start3A_51] : memref<10032x128xf32, #tpu.memory_space<vmem_shared>> -> memref<624x128xf32, #tpu.memory_space<vmem_shared>>
      %dma_start3A_53 = arith.constant 0 : i32
      %dma_start3A_54 = tpu.memref_slice %arg5[%mul3A_2, %dma_start3A_53] : memref<10032x128xf32, #tpu.memory_space<hbm>> -> memref<624x128xf32, #tpu.memory_space<hbm>>
      tpu.enqueue_dma source(%dma_start3A_54 : memref<624x128xf32, #tpu.memory_space<hbm>>) target(%dma_start3A_52 : memref<624x128xf32, #tpu.memory_space<vmem_shared>>) target_semaphore(%run_scoped3A_50 : memref<!tpu.dma_semaphore, #tpu.memory_space<semaphore_mem>>)
      %dma_wait3A_55 = arith.constant 0 : i32
      %dma_wait3A_56 = tpu.memref_slice %arg12[%mul3A_2, %dma_wait3A_55] : memref<10032x128xf32, #tpu.memory_space<vmem_shared>> -> memref<624x128xf32, #tpu.memory_space<vmem_shared>>
      %dma_wait3A_57 = arith.constant 0 : i32
      %dma_wait3A_58 = tpu.memref_slice %arg5[%mul3A_2, %dma_wait3A_57] : memref<10032x128xf32, #tpu.memory_space<hbm>> -> memref<624x128xf32, #tpu.memory_space<hbm>>
      tpu.wait_dma2 semaphore(%run_scoped3A_50 : memref<!tpu.dma_semaphore, #tpu.memory_space<semaphore_mem>>) src(%dma_wait3A_58 : memref<624x128xf32, #tpu.memory_space<hbm>>) dst(%dma_wait3A_56 : memref<624x128xf32, #tpu.memory_space<vmem_shared>>)
      tpu.yield
    }) : () -> ()
    %eq3A = arith.constant 15 : i32
    %eq3A_5 = arith.cmpi eq, %arg1, %eq3A : i32
    %convert_element_type3A = arith.extui %eq3A_5 : i1 to i32
    %cond3A = arith.constant 0 : i32
    %cond3A_6 = arith.cmpi ne, %convert_element_type3A, %cond3A : i32
    scf.if %cond3A_6 {
      "tpu.region"() ({
        %run_scoped3A_50 = tpu.sem_alloc : memref<!tpu.dma_semaphore, #tpu.memory_space<semaphore_mem>>
        %dma_start3A_51 = arith.constant 9984 : i32
        %dma_start3A_52 = arith.constant 0 : i32
        %dma_start3A_53 = tpu.memref_slice %arg12[%dma_start3A_51, %dma_start3A_52] : memref<10032x128xf32, #tpu.memory_space<vmem_shared>> -> memref<48x128xf32, #tpu.memory_space<vmem_shared>>
        %dma_start3A_54 = arith.constant 9984 : i32
        %dma_start3A_55 = arith.constant 0 : i32
        %dma_start3A_56 = tpu.memref_slice %arg5[%dma_start3A_54, %dma_start3A_55] : memref<10032x128xf32, #tpu.memory_space<hbm>> -> memref<48x128xf32, #tpu.memory_space<hbm>>
        tpu.enqueue_dma source(%dma_start3A_56 : memref<48x128xf32, #tpu.memory_space<hbm>>) target(%dma_start3A_53 : memref<48x128xf32, #tpu.memory_space<vmem_shared>>) target_semaphore(%run_scoped3A_50 : memref<!tpu.dma_semaphore, #tpu.memory_space<semaphore_mem>>)
        %dma_wait3A_57 = arith.constant 9984 : i32
        %dma_wait3A_58 = arith.constant 0 : i32
        %dma_wait3A_59 = tpu.memref_slice %arg12[%dma_wait3A_57, %dma_wait3A_58] : memref<10032x128xf32, #tpu.memory_space<vmem_shared>> -> memref<48x128xf32, #tpu.memory_space<vmem_shared>>
        %dma_wait3A_60 = arith.constant 9984 : i32
        %dma_wait3A_61 = arith.constant 0 : i32
        %dma_wait3A_62 = tpu.memref_slice %arg5[%dma_wait3A_60, %dma_wait3A_61] : memref<10032x128xf32, #tpu.memory_space<hbm>> -> memref<48x128xf32, #tpu.memory_space<hbm>>
        tpu.wait_dma2 semaphore(%run_scoped3A_50 : memref<!tpu.dma_semaphore, #tpu.memory_space<semaphore_mem>>) src(%dma_wait3A_62 : memref<48x128xf32, #tpu.memory_space<hbm>>) dst(%dma_wait3A_59 : memref<48x128xf32, #tpu.memory_space<vmem_shared>>)
        tpu.yield
      }) : () -> ()
    } else {
    }
    %barrier3A = arith.constant 0 : index
    tpu.barrier barrier_id(%barrier3A)
    %dma_start3A = arith.constant 0 : i32
    %dma_start3A_7 = tpu.memref_slice %arg7[%dma_start3A] : memref<10000xi32, #tpu.memory_space<vmem>> -> memref<80xi32, #tpu.memory_space<vmem>>
    %dma_start3A_8 = arith.constant 0 : i32
    %dma_start3A_9 = arith.constant 0 : i32
    %dma_start3A_10 = tpu.memref_slice %arg2[%dma_start3A_8, %dma_start3A_9] : memref<10000x128xf32, #tpu.memory_space<hbm>> -> memref<10000x128xf32, #tpu.memory_space<hbm>>
    tpu.enqueue_indirect_dma source(%dma_start3A_10 : memref<10000x128xf32, #tpu.memory_space<hbm>>) target(%arg9 : memref<80x128xf32, #tpu.memory_space<vmem>>) offsets(%dma_start3A_7 : memref<80xi32, #tpu.memory_space<vmem>>) semaphore(%arg13 : memref<!tpu.dma_semaphore, #tpu.memory_space<semaphore_mem>>)
    %dma_start3A_11 = arith.constant 80 : i32
    %dma_start3A_12 = tpu.memref_slice %arg7[%dma_start3A_11] : memref<10000xi32, #tpu.memory_space<vmem>> -> memref<80xi32, #tpu.memory_space<vmem>>
    %dma_start3A_13 = arith.constant 0 : i32
    %dma_start3A_14 = arith.constant 0 : i32
    %dma_start3A_15 = tpu.memref_slice %arg2[%dma_start3A_13, %dma_start3A_14] : memref<10000x128xf32, #tpu.memory_space<hbm>> -> memref<10000x128xf32, #tpu.memory_space<hbm>>
    tpu.enqueue_indirect_dma source(%dma_start3A_15 : memref<10000x128xf32, #tpu.memory_space<hbm>>) target(%arg10 : memref<80x128xf32, #tpu.memory_space<vmem>>) offsets(%dma_start3A_12 : memref<80xi32, #tpu.memory_space<vmem>>) semaphore(%arg14 : memref<!tpu.dma_semaphore, #tpu.memory_space<semaphore_mem>>)
    %dma_start3A_16 = arith.constant 160 : i32
    %dma_start3A_17 = tpu.memref_slice %arg7[%dma_start3A_16] : memref<10000xi32, #tpu.memory_space<vmem>> -> memref<80xi32, #tpu.memory_space<vmem>>
    %dma_start3A_18 = arith.constant 0 : i32
    %dma_start3A_19 = arith.constant 0 : i32
    %dma_start3A_20 = tpu.memref_slice %arg2[%dma_start3A_18, %dma_start3A_19] : memref<10000x128xf32, #tpu.memory_space<hbm>> -> memref<10000x128xf32, #tpu.memory_space<hbm>>
    tpu.enqueue_indirect_dma source(%dma_start3A_20 : memref<10000x128xf32, #tpu.memory_space<hbm>>) target(%arg11 : memref<80x128xf32, #tpu.memory_space<vmem>>) offsets(%dma_start3A_17 : memref<80xi32, #tpu.memory_space<vmem>>) semaphore(%arg15 : memref<!tpu.dma_semaphore, #tpu.memory_space<semaphore_mem>>)
    %scan3A = arith.constant 0 : i32
    %scan3A_21 = arith.constant 21 : i32
    %scan3A_22 = arith.addi %scan3A, %scan3A_21 : i32
    %scan3A_23 = arith.constant 1 : i32
    scf.for %scan3A_50 = %scan3A to %scan3A_22 step %scan3A_23  : i32 {
      %mul3A_51 = arith.constant 3 : i32
      %mul3A_52 = arith.muli %scan3A_50, %mul3A_51 : i32
      %add3A_53 = arith.constant 0 : i32
      %add3A_54 = arith.addi %add3A_53, %mul3A_52 : i32
      %add3A_55 = arith.constant 0 : i32
      %add3A_56 = arith.addi %add3A_54, %add3A_55 : i32
      %mul3A_57 = arith.constant 80 : i32
      %mul3A_58 = arith.muli %add3A_56, %mul3A_57 : i32
      %dma_wait3A_59 = tpu.memref_slice %arg7[%mul3A_58] : memref<10000xi32, #tpu.memory_space<vmem>> -> memref<80xi32, #tpu.memory_space<vmem>>
      %dma_wait3A_60 = arith.constant 0 : i32
      %dma_wait3A_61 = arith.constant 0 : i32
      %dma_wait3A_62 = tpu.memref_slice %arg2[%dma_wait3A_60, %dma_wait3A_61] : memref<10000x128xf32, #tpu.memory_space<hbm>> -> memref<10000x128xf32, #tpu.memory_space<hbm>>
      tpu.wait_indirect_dma semaphore(%arg13 : memref<!tpu.dma_semaphore, #tpu.memory_space<semaphore_mem>>) src(%dma_wait3A_62 : memref<10000x128xf32, #tpu.memory_space<hbm>>) dst(%arg9 : memref<80x128xf32, #tpu.memory_space<vmem>>)
      %add3A_63 = arith.constant 0 : i32
      %add3A_64 = arith.addi %add3A_54, %add3A_63 : i32
      %dma_start3A_65 = arith.constant 0 : i32
      %dma_start3A_66 = tpu.memref_slice %arg8[%add3A_64, %dma_start3A_65] : memref<63x80xi32, #tpu.memory_space<vmem>> -> memref<1x80xi32, #tpu.memory_space<vmem>>
      %dma_start3A_67 = tpu.memref_squeeze %dma_start3A_66 : memref<1x80xi32, #tpu.memory_space<vmem>> -> memref<80xi32, #tpu.memory_space<vmem>>
      %dma_start3A_68 = arith.constant 0 : i32
      %dma_start3A_69 = arith.constant 0 : i32
      %dma_start3A_70 = tpu.memref_slice %arg12[%dma_start3A_68, %dma_start3A_69] : memref<10032x128xf32, #tpu.memory_space<vmem_shared>> -> memref<10032x128xf32, #tpu.memory_space<vmem_shared>>
      tpu.enqueue_indirect_dma source(%arg9 : memref<80x128xf32, #tpu.memory_space<vmem>>) target(%dma_start3A_70 : memref<10032x128xf32, #tpu.memory_space<vmem_shared>>) offsets(%dma_start3A_67 : memref<80xi32, #tpu.memory_space<vmem>>) semaphore(%arg16 : memref<!tpu.dma_semaphore, #tpu.memory_space<semaphore_mem>>) {add = true}
      %add3A_71 = arith.constant 1 : i32
      %add3A_72 = arith.addi %add3A_54, %add3A_71 : i32
      %mul3A_73 = arith.constant 80 : i32
      %mul3A_74 = arith.muli %add3A_72, %mul3A_73 : i32
      %dma_wait3A_75 = tpu.memref_slice %arg7[%mul3A_74] : memref<10000xi32, #tpu.memory_space<vmem>> -> memref<80xi32, #tpu.memory_space<vmem>>
      %dma_wait3A_76 = arith.constant 0 : i32
      %dma_wait3A_77 = arith.constant 0 : i32
      %dma_wait3A_78 = tpu.memref_slice %arg2[%dma_wait3A_76, %dma_wait3A_77] : memref<10000x128xf32, #tpu.memory_space<hbm>> -> memref<10000x128xf32, #tpu.memory_space<hbm>>
      tpu.wait_indirect_dma semaphore(%arg14 : memref<!tpu.dma_semaphore, #tpu.memory_space<semaphore_mem>>) src(%dma_wait3A_78 : memref<10000x128xf32, #tpu.memory_space<hbm>>) dst(%arg10 : memref<80x128xf32, #tpu.memory_space<vmem>>)
      %add3A_79 = arith.constant 1 : i32
      %add3A_80 = arith.addi %add3A_54, %add3A_79 : i32
      %dma_start3A_81 = arith.constant 0 : i32
      %dma_start3A_82 = tpu.memref_slice %arg8[%add3A_80, %dma_start3A_81] : memref<63x80xi32, #tpu.memory_space<vmem>> -> memref<1x80xi32, #tpu.memory_space<vmem>>
      %dma_start3A_83 = tpu.memref_squeeze %dma_start3A_82 : memref<1x80xi32, #tpu.memory_space<vmem>> -> memref<80xi32, #tpu.memory_space<vmem>>
      %dma_start3A_84 = arith.constant 0 : i32
      %dma_start3A_85 = arith.constant 0 : i32
      %dma_start3A_86 = tpu.memref_slice %arg12[%dma_start3A_84, %dma_start3A_85] : memref<10032x128xf32, #tpu.memory_space<vmem_shared>> -> memref<10032x128xf32, #tpu.memory_space<vmem_shared>>
      tpu.enqueue_indirect_dma source(%arg10 : memref<80x128xf32, #tpu.memory_space<vmem>>) target(%dma_start3A_86 : memref<10032x128xf32, #tpu.memory_space<vmem_shared>>) offsets(%dma_start3A_83 : memref<80xi32, #tpu.memory_space<vmem>>) semaphore(%arg17 : memref<!tpu.dma_semaphore, #tpu.memory_space<semaphore_mem>>) {add = true}
      %add3A_87 = arith.constant 2 : i32
      %add3A_88 = arith.addi %add3A_54, %add3A_87 : i32
      %mul3A_89 = arith.constant 80 : i32
      %mul3A_90 = arith.muli %add3A_88, %mul3A_89 : i32
      %dma_wait3A_91 = tpu.memref_slice %arg7[%mul3A_90] : memref<10000xi32, #tpu.memory_space<vmem>> -> memref<80xi32, #tpu.memory_space<vmem>>
      %dma_wait3A_92 = arith.constant 0 : i32
      %dma_wait3A_93 = arith.constant 0 : i32
      %dma_wait3A_94 = tpu.memref_slice %arg2[%dma_wait3A_92, %dma_wait3A_93] : memref<10000x128xf32, #tpu.memory_space<hbm>> -> memref<10000x128xf32, #tpu.memory_space<hbm>>
      tpu.wait_indirect_dma semaphore(%arg15 : memref<!tpu.dma_semaphore, #tpu.memory_space<semaphore_mem>>) src(%dma_wait3A_94 : memref<10000x128xf32, #tpu.memory_space<hbm>>) dst(%arg11 : memref<80x128xf32, #tpu.memory_space<vmem>>)
      %add3A_95 = arith.constant 2 : i32
      %add3A_96 = arith.addi %add3A_54, %add3A_95 : i32
      %dma_start3A_97 = arith.constant 0 : i32
      %dma_start3A_98 = tpu.memref_slice %arg8[%add3A_96, %dma_start3A_97] : memref<63x80xi32, #tpu.memory_space<vmem>> -> memref<1x80xi32, #tpu.memory_space<vmem>>
      %dma_start3A_99 = tpu.memref_squeeze %dma_start3A_98 : memref<1x80xi32, #tpu.memory_space<vmem>> -> memref<80xi32, #tpu.memory_space<vmem>>
      %dma_start3A_100 = arith.constant 0 : i32
      %dma_start3A_101 = arith.constant 0 : i32
      %dma_start3A_102 = tpu.memref_slice %arg12[%dma_start3A_100, %dma_start3A_101] : memref<10032x128xf32, #tpu.memory_space<vmem_shared>> -> memref<10032x128xf32, #tpu.memory_space<vmem_shared>>
      tpu.enqueue_indirect_dma source(%arg11 : memref<80x128xf32, #tpu.memory_space<vmem>>) target(%dma_start3A_102 : memref<10032x128xf32, #tpu.memory_space<vmem_shared>>) offsets(%dma_start3A_99 : memref<80xi32, #tpu.memory_space<vmem>>) semaphore(%arg18 : memref<!tpu.dma_semaphore, #tpu.memory_space<semaphore_mem>>) {add = true}
      %add3A_103 = arith.constant 0 : i32
      %add3A_104 = arith.addi %add3A_54, %add3A_103 : i32
      %dma_wait3A_105 = arith.constant 0 : i32
      %dma_wait3A_106 = tpu.memref_slice %arg8[%add3A_104, %dma_wait3A_105] : memref<63x80xi32, #tpu.memory_space<vmem>> -> memref<1x80xi32, #tpu.memory_space<vmem>>
      %dma_wait3A_107 = tpu.memref_squeeze %dma_wait3A_106 : memref<1x80xi32, #tpu.memory_space<vmem>> -> memref<80xi32, #tpu.memory_space<vmem>>
      %dma_wait3A_108 = arith.constant 0 : i32
      %dma_wait3A_109 = arith.constant 0 : i32
      %dma_wait3A_110 = tpu.memref_slice %arg12[%dma_wait3A_108, %dma_wait3A_109] : memref<10032x128xf32, #tpu.memory_space<vmem_shared>> -> memref<10032x128xf32, #tpu.memory_space<vmem_shared>>
      tpu.wait_indirect_dma semaphore(%arg16 : memref<!tpu.dma_semaphore, #tpu.memory_space<semaphore_mem>>) src(%arg9 : memref<80x128xf32, #tpu.memory_space<vmem>>) dst(%dma_wait3A_110 : memref<10032x128xf32, #tpu.memory_space<vmem_shared>>)
      %add3A_111 = arith.constant 3 : i32
      %add3A_112 = arith.addi %add3A_54, %add3A_111 : i32
      %add3A_113 = arith.constant 0 : i32
      %add3A_114 = arith.addi %add3A_112, %add3A_113 : i32
      %lt3A = arith.constant 125 : i32
      %lt3A_115 = arith.cmpi slt, %add3A_114, %lt3A : i32
      %convert_element_type3A_116 = arith.extui %lt3A_115 : i1 to i32
      %cond3A_117 = arith.constant 0 : i32
      %cond3A_118 = arith.cmpi ne, %convert_element_type3A_116, %cond3A_117 : i32
      scf.if %cond3A_118 {
        %add3A_153 = arith.constant 3 : i32
        %add3A_154 = arith.addi %add3A_54, %add3A_153 : i32
        %add3A_155 = arith.constant 0 : i32
        %add3A_156 = arith.addi %add3A_154, %add3A_155 : i32
        %mul3A_157 = arith.constant 80 : i32
        %mul3A_158 = arith.muli %add3A_156, %mul3A_157 : i32
        %dma_start3A_159 = tpu.memref_slice %arg7[%mul3A_158] : memref<10000xi32, #tpu.memory_space<vmem>> -> memref<80xi32, #tpu.memory_space<vmem>>
        %dma_start3A_160 = arith.constant 0 : i32
        %dma_start3A_161 = arith.constant 0 : i32
        %dma_start3A_162 = tpu.memref_slice %arg2[%dma_start3A_160, %dma_start3A_161] : memref<10000x128xf32, #tpu.memory_space<hbm>> -> memref<10000x128xf32, #tpu.memory_space<hbm>>
        tpu.enqueue_indirect_dma source(%dma_start3A_162 : memref<10000x128xf32, #tpu.memory_space<hbm>>) target(%arg9 : memref<80x128xf32, #tpu.memory_space<vmem>>) offsets(%dma_start3A_159 : memref<80xi32, #tpu.memory_space<vmem>>) semaphore(%arg13 : memref<!tpu.dma_semaphore, #tpu.memory_space<semaphore_mem>>)
      } else {
      }
      %add3A_119 = arith.constant 1 : i32
      %add3A_120 = arith.addi %add3A_54, %add3A_119 : i32
      %dma_wait3A_121 = arith.constant 0 : i32
      %dma_wait3A_122 = tpu.memref_slice %arg8[%add3A_120, %dma_wait3A_121] : memref<63x80xi32, #tpu.memory_space<vmem>> -> memref<1x80xi32, #tpu.memory_space<vmem>>
      %dma_wait3A_123 = tpu.memref_squeeze %dma_wait3A_122 : memref<1x80xi32, #tpu.memory_space<vmem>> -> memref<80xi32, #tpu.memory_space<vmem>>
      %dma_wait3A_124 = arith.constant 0 : i32
      %dma_wait3A_125 = arith.constant 0 : i32
      %dma_wait3A_126 = tpu.memref_slice %arg12[%dma_wait3A_124, %dma_wait3A_125] : memref<10032x128xf32, #tpu.memory_space<vmem_shared>> -> memref<10032x128xf32, #tpu.memory_space<vmem_shared>>
      tpu.wait_indirect_dma semaphore(%arg17 : memref<!tpu.dma_semaphore, #tpu.memory_space<semaphore_mem>>) src(%arg10 : memref<80x128xf32, #tpu.memory_space<vmem>>) dst(%dma_wait3A_126 : memref<10032x128xf32, #tpu.memory_space<vmem_shared>>)
      %add3A_127 = arith.constant 3 : i32
      %add3A_128 = arith.addi %add3A_54, %add3A_127 : i32
      %add3A_129 = arith.constant 1 : i32
      %add3A_130 = arith.addi %add3A_128, %add3A_129 : i32
      %lt3A_131 = arith.constant 125 : i32
      %lt3A_132 = arith.cmpi slt, %add3A_130, %lt3A_131 : i32
      %convert_element_type3A_133 = arith.extui %lt3A_132 : i1 to i32
      %cond3A_134 = arith.constant 0 : i32
      %cond3A_135 = arith.cmpi ne, %convert_element_type3A_133, %cond3A_134 : i32
      scf.if %cond3A_135 {
        %add3A_153 = arith.constant 3 : i32
        %add3A_154 = arith.addi %add3A_54, %add3A_153 : i32
        %add3A_155 = arith.constant 1 : i32
        %add3A_156 = arith.addi %add3A_154, %add3A_155 : i32
        %mul3A_157 = arith.constant 80 : i32
        %mul3A_158 = arith.muli %add3A_156, %mul3A_157 : i32
        %dma_start3A_159 = tpu.memref_slice %arg7[%mul3A_158] : memref<10000xi32, #tpu.memory_space<vmem>> -> memref<80xi32, #tpu.memory_space<vmem>>
        %dma_start3A_160 = arith.constant 0 : i32
        %dma_start3A_161 = arith.constant 0 : i32
        %dma_start3A_162 = tpu.memref_slice %arg2[%dma_start3A_160, %dma_start3A_161] : memref<10000x128xf32, #tpu.memory_space<hbm>> -> memref<10000x128xf32, #tpu.memory_space<hbm>>
        tpu.enqueue_indirect_dma source(%dma_start3A_162 : memref<10000x128xf32, #tpu.memory_space<hbm>>) target(%arg10 : memref<80x128xf32, #tpu.memory_space<vmem>>) offsets(%dma_start3A_159 : memref<80xi32, #tpu.memory_space<vmem>>) semaphore(%arg14 : memref<!tpu.dma_semaphore, #tpu.memory_space<semaphore_mem>>)
      } else {
      }
      %add3A_136 = arith.constant 2 : i32
      %add3A_137 = arith.addi %add3A_54, %add3A_136 : i32
      %dma_wait3A_138 = arith.constant 0 : i32
      %dma_wait3A_139 = tpu.memref_slice %arg8[%add3A_137, %dma_wait3A_138] : memref<63x80xi32, #tpu.memory_space<vmem>> -> memref<1x80xi32, #tpu.memory_space<vmem>>
      %dma_wait3A_140 = tpu.memref_squeeze %dma_wait3A_139 : memref<1x80xi32, #tpu.memory_space<vmem>> -> memref<80xi32, #tpu.memory_space<vmem>>
      %dma_wait3A_141 = arith.constant 0 : i32
      %dma_wait3A_142 = arith.constant 0 : i32
      %dma_wait3A_143 = tpu.memref_slice %arg12[%dma_wait3A_141, %dma_wait3A_142] : memref<10032x128xf32, #tpu.memory_space<vmem_shared>> -> memref<10032x128xf32, #tpu.memory_space<vmem_shared>>
      tpu.wait_indirect_dma semaphore(%arg18 : memref<!tpu.dma_semaphore, #tpu.memory_space<semaphore_mem>>) src(%arg11 : memref<80x128xf32, #tpu.memory_space<vmem>>) dst(%dma_wait3A_143 : memref<10032x128xf32, #tpu.memory_space<vmem_shared>>)
      %add3A_144 = arith.constant 3 : i32
      %add3A_145 = arith.addi %add3A_54, %add3A_144 : i32
      %add3A_146 = arith.constant 2 : i32
      %add3A_147 = arith.addi %add3A_145, %add3A_146 : i32
      %lt3A_148 = arith.constant 125 : i32
      %lt3A_149 = arith.cmpi slt, %add3A_147, %lt3A_148 : i32
      %convert_element_type3A_150 = arith.extui %lt3A_149 : i1 to i32
      %cond3A_151 = arith.constant 0 : i32
      %cond3A_152 = arith.cmpi ne, %convert_element_type3A_150, %cond3A_151 : i32
      scf.if %cond3A_152 {
        %add3A_153 = arith.constant 3 : i32
        %add3A_154 = arith.addi %add3A_54, %add3A_153 : i32
        %add3A_155 = arith.constant 2 : i32
        %add3A_156 = arith.addi %add3A_154, %add3A_155 : i32
        %mul3A_157 = arith.constant 80 : i32
        %mul3A_158 = arith.muli %add3A_156, %mul3A_157 : i32
        %dma_start3A_159 = tpu.memref_slice %arg7[%mul3A_158] : memref<10000xi32, #tpu.memory_space<vmem>> -> memref<80xi32, #tpu.memory_space<vmem>>
        %dma_start3A_160 = arith.constant 0 : i32
        %dma_start3A_161 = arith.constant 0 : i32
        %dma_start3A_162 = tpu.memref_slice %arg2[%dma_start3A_160, %dma_start3A_161] : memref<10000x128xf32, #tpu.memory_space<hbm>> -> memref<10000x128xf32, #tpu.memory_space<hbm>>
        tpu.enqueue_indirect_dma source(%dma_start3A_162 : memref<10000x128xf32, #tpu.memory_space<hbm>>) target(%arg11 : memref<80x128xf32, #tpu.memory_space<vmem>>) offsets(%dma_start3A_159 : memref<80xi32, #tpu.memory_space<vmem>>) semaphore(%arg15 : memref<!tpu.dma_semaphore, #tpu.memory_space<semaphore_mem>>)
      } else {
      }
    }
    %scan3A_24 = arith.constant 21 : i32
    %mul3A_25 = arith.constant 2 : i32
    %mul3A_26 = arith.muli %add3A, %mul3A_25 : i32
    %add3A_27 = arith.constant 1 : i32
    %add3A_28 = arith.addi %mul3A_26, %add3A_27 : i32
    "tpu.region"() ({
      %run_scoped3A_50 = tpu.sem_alloc : memref<!tpu.dma_semaphore, #tpu.memory_space<semaphore_mem>>
      %dma_start3A_51 = arith.constant 0 : i32
      %dma_start3A_52 = arith.constant 0 : i32
      %dma_start3A_53 = tpu.memref_slice %arg4[%add3A_28, %dma_start3A_51, %dma_start3A_52] : memref<64x63x80xi32, #tpu.memory_space<hbm>> -> memref<1x63x80xi32, #tpu.memory_space<hbm>>
      %dma_start3A_54 = tpu.memref_squeeze %dma_start3A_53 : memref<1x63x80xi32, #tpu.memory_space<hbm>> -> memref<63x80xi32, #tpu.memory_space<hbm>>
      %dma_start3A_55 = arith.constant 0 : i32
      %dma_start3A_56 = arith.constant 0 : i32
      %dma_start3A_57 = tpu.memref_slice %arg4[%add3A_28, %dma_start3A_55, %dma_start3A_56] : memref<64x63x80xi32, #tpu.memory_space<hbm>> -> memref<1x63x80xi32, #tpu.memory_space<hbm>>
      %dma_start3A_58 = tpu.memref_squeeze %dma_start3A_57 : memref<1x63x80xi32, #tpu.memory_space<hbm>> -> memref<63x80xi32, #tpu.memory_space<hbm>>
      tpu.enqueue_dma source(%dma_start3A_58 : memref<63x80xi32, #tpu.memory_space<hbm>>) target(%arg8 : memref<63x80xi32, #tpu.memory_space<vmem>>) target_semaphore(%run_scoped3A_50 : memref<!tpu.dma_semaphore, #tpu.memory_space<semaphore_mem>>)
      %dma_wait3A_59 = arith.constant 0 : i32
      %dma_wait3A_60 = arith.constant 0 : i32
      %dma_wait3A_61 = tpu.memref_slice %arg4[%add3A_28, %dma_wait3A_59, %dma_wait3A_60] : memref<64x63x80xi32, #tpu.memory_space<hbm>> -> memref<1x63x80xi32, #tpu.memory_space<hbm>>
      %dma_wait3A_62 = tpu.memref_squeeze %dma_wait3A_61 : memref<1x63x80xi32, #tpu.memory_space<hbm>> -> memref<63x80xi32, #tpu.memory_space<hbm>>
      %dma_wait3A_63 = arith.constant 0 : i32
      %dma_wait3A_64 = arith.constant 0 : i32
      %dma_wait3A_65 = tpu.memref_slice %arg4[%add3A_28, %dma_wait3A_63, %dma_wait3A_64] : memref<64x63x80xi32, #tpu.memory_space<hbm>> -> memref<1x63x80xi32, #tpu.memory_space<hbm>>
      %dma_wait3A_66 = tpu.memref_squeeze %dma_wait3A_65 : memref<1x63x80xi32, #tpu.memory_space<hbm>> -> memref<63x80xi32, #tpu.memory_space<hbm>>
      tpu.wait_dma2 semaphore(%run_scoped3A_50 : memref<!tpu.dma_semaphore, #tpu.memory_space<semaphore_mem>>) src(%dma_wait3A_66 : memref<63x80xi32, #tpu.memory_space<hbm>>) dst(%arg8 : memref<63x80xi32, #tpu.memory_space<vmem>>)
      tpu.yield
    }) : () -> ()
    %scan3A_29 = arith.constant 0 : i32
    %scan3A_30 = arith.constant 20 : i32
    %scan3A_31 = arith.addi %scan3A_29, %scan3A_30 : i32
    %scan3A_32 = arith.constant 1 : i32
    scf.for %scan3A_50 = %scan3A_29 to %scan3A_31 step %scan3A_32  : i32 {
      %mul3A_51 = arith.constant 3 : i32
      %mul3A_52 = arith.muli %scan3A_50, %mul3A_51 : i32
      %add3A_53 = arith.constant 63 : i32
      %add3A_54 = arith.addi %add3A_53, %mul3A_52 : i32
      %sub3A = arith.constant 63 : i32
      %sub3A_55 = arith.subi %add3A_54, %sub3A : i32
      %add3A_56 = arith.constant 0 : i32
      %add3A_57 = arith.addi %add3A_54, %add3A_56 : i32
      %mul3A_58 = arith.constant 80 : i32
      %mul3A_59 = arith.muli %add3A_57, %mul3A_58 : i32
      %dma_wait3A_60 = tpu.memref_slice %arg7[%mul3A_59] : memref<10000xi32, #tpu.memory_space<vmem>> -> memref<80xi32, #tpu.memory_space<vmem>>
      %dma_wait3A_61 = arith.constant 0 : i32
      %dma_wait3A_62 = arith.constant 0 : i32
      %dma_wait3A_63 = tpu.memref_slice %arg2[%dma_wait3A_61, %dma_wait3A_62] : memref<10000x128xf32, #tpu.memory_space<hbm>> -> memref<10000x128xf32, #tpu.memory_space<hbm>>
      tpu.wait_indirect_dma semaphore(%arg13 : memref<!tpu.dma_semaphore, #tpu.memory_space<semaphore_mem>>) src(%dma_wait3A_63 : memref<10000x128xf32, #tpu.memory_space<hbm>>) dst(%arg9 : memref<80x128xf32, #tpu.memory_space<vmem>>)
      %add3A_64 = arith.constant 0 : i32
      %add3A_65 = arith.addi %sub3A_55, %add3A_64 : i32
      %dma_start3A_66 = arith.constant 0 : i32
      %dma_start3A_67 = tpu.memref_slice %arg8[%add3A_65, %dma_start3A_66] : memref<63x80xi32, #tpu.memory_space<vmem>> -> memref<1x80xi32, #tpu.memory_space<vmem>>
      %dma_start3A_68 = tpu.memref_squeeze %dma_start3A_67 : memref<1x80xi32, #tpu.memory_space<vmem>> -> memref<80xi32, #tpu.memory_space<vmem>>
      %dma_start3A_69 = arith.constant 0 : i32
      %dma_start3A_70 = arith.constant 0 : i32
      %dma_start3A_71 = tpu.memref_slice %arg12[%dma_start3A_69, %dma_start3A_70] : memref<10032x128xf32, #tpu.memory_space<vmem_shared>> -> memref<10032x128xf32, #tpu.memory_space<vmem_shared>>
      tpu.enqueue_indirect_dma source(%arg9 : memref<80x128xf32, #tpu.memory_space<vmem>>) target(%dma_start3A_71 : memref<10032x128xf32, #tpu.memory_space<vmem_shared>>) offsets(%dma_start3A_68 : memref<80xi32, #tpu.memory_space<vmem>>) semaphore(%arg16 : memref<!tpu.dma_semaphore, #tpu.memory_space<semaphore_mem>>) {add = true}
      %add3A_72 = arith.constant 1 : i32
      %add3A_73 = arith.addi %add3A_54, %add3A_72 : i32
      %mul3A_74 = arith.constant 80 : i32
      %mul3A_75 = arith.muli %add3A_73, %mul3A_74 : i32
      %dma_wait3A_76 = tpu.memref_slice %arg7[%mul3A_75] : memref<10000xi32, #tpu.memory_space<vmem>> -> memref<80xi32, #tpu.memory_space<vmem>>
      %dma_wait3A_77 = arith.constant 0 : i32
      %dma_wait3A_78 = arith.constant 0 : i32
      %dma_wait3A_79 = tpu.memref_slice %arg2[%dma_wait3A_77, %dma_wait3A_78] : memref<10000x128xf32, #tpu.memory_space<hbm>> -> memref<10000x128xf32, #tpu.memory_space<hbm>>
      tpu.wait_indirect_dma semaphore(%arg14 : memref<!tpu.dma_semaphore, #tpu.memory_space<semaphore_mem>>) src(%dma_wait3A_79 : memref<10000x128xf32, #tpu.memory_space<hbm>>) dst(%arg10 : memref<80x128xf32, #tpu.memory_space<vmem>>)
      %add3A_80 = arith.constant 1 : i32
      %add3A_81 = arith.addi %sub3A_55, %add3A_80 : i32
      %dma_start3A_82 = arith.constant 0 : i32
      %dma_start3A_83 = tpu.memref_slice %arg8[%add3A_81, %dma_start3A_82] : memref<63x80xi32, #tpu.memory_space<vmem>> -> memref<1x80xi32, #tpu.memory_space<vmem>>
      %dma_start3A_84 = tpu.memref_squeeze %dma_start3A_83 : memref<1x80xi32, #tpu.memory_space<vmem>> -> memref<80xi32, #tpu.memory_space<vmem>>
      %dma_start3A_85 = arith.constant 0 : i32
      %dma_start3A_86 = arith.constant 0 : i32
      %dma_start3A_87 = tpu.memref_slice %arg12[%dma_start3A_85, %dma_start3A_86] : memref<10032x128xf32, #tpu.memory_space<vmem_shared>> -> memref<10032x128xf32, #tpu.memory_space<vmem_shared>>
      tpu.enqueue_indirect_dma source(%arg10 : memref<80x128xf32, #tpu.memory_space<vmem>>) target(%dma_start3A_87 : memref<10032x128xf32, #tpu.memory_space<vmem_shared>>) offsets(%dma_start3A_84 : memref<80xi32, #tpu.memory_space<vmem>>) semaphore(%arg17 : memref<!tpu.dma_semaphore, #tpu.memory_space<semaphore_mem>>) {add = true}
      %add3A_88 = arith.constant 2 : i32
      %add3A_89 = arith.addi %add3A_54, %add3A_88 : i32
      %mul3A_90 = arith.constant 80 : i32
      %mul3A_91 = arith.muli %add3A_89, %mul3A_90 : i32
      %dma_wait3A_92 = tpu.memref_slice %arg7[%mul3A_91] : memref<10000xi32, #tpu.memory_space<vmem>> -> memref<80xi32, #tpu.memory_space<vmem>>
      %dma_wait3A_93 = arith.constant 0 : i32
      %dma_wait3A_94 = arith.constant 0 : i32
      %dma_wait3A_95 = tpu.memref_slice %arg2[%dma_wait3A_93, %dma_wait3A_94] : memref<10000x128xf32, #tpu.memory_space<hbm>> -> memref<10000x128xf32, #tpu.memory_space<hbm>>
      tpu.wait_indirect_dma semaphore(%arg15 : memref<!tpu.dma_semaphore, #tpu.memory_space<semaphore_mem>>) src(%dma_wait3A_95 : memref<10000x128xf32, #tpu.memory_space<hbm>>) dst(%arg11 : memref<80x128xf32, #tpu.memory_space<vmem>>)
      %add3A_96 = arith.constant 2 : i32
      %add3A_97 = arith.addi %sub3A_55, %add3A_96 : i32
      %dma_start3A_98 = arith.constant 0 : i32
      %dma_start3A_99 = tpu.memref_slice %arg8[%add3A_97, %dma_start3A_98] : memref<63x80xi32, #tpu.memory_space<vmem>> -> memref<1x80xi32, #tpu.memory_space<vmem>>
      %dma_start3A_100 = tpu.memref_squeeze %dma_start3A_99 : memref<1x80xi32, #tpu.memory_space<vmem>> -> memref<80xi32, #tpu.memory_space<vmem>>
      %dma_start3A_101 = arith.constant 0 : i32
      %dma_start3A_102 = arith.constant 0 : i32
      %dma_start3A_103 = tpu.memref_slice %arg12[%dma_start3A_101, %dma_start3A_102] : memref<10032x128xf32, #tpu.memory_space<vmem_shared>> -> memref<10032x128xf32, #tpu.memory_space<vmem_shared>>
      tpu.enqueue_indirect_dma source(%arg11 : memref<80x128xf32, #tpu.memory_space<vmem>>) target(%dma_start3A_103 : memref<10032x128xf32, #tpu.memory_space<vmem_shared>>) offsets(%dma_start3A_100 : memref<80xi32, #tpu.memory_space<vmem>>) semaphore(%arg18 : memref<!tpu.dma_semaphore, #tpu.memory_space<semaphore_mem>>) {add = true}
      %add3A_104 = arith.constant 0 : i32
      %add3A_105 = arith.addi %sub3A_55, %add3A_104 : i32
      %dma_wait3A_106 = arith.constant 0 : i32
      %dma_wait3A_107 = tpu.memref_slice %arg8[%add3A_105, %dma_wait3A_106] : memref<63x80xi32, #tpu.memory_space<vmem>> -> memref<1x80xi32, #tpu.memory_space<vmem>>
      %dma_wait3A_108 = tpu.memref_squeeze %dma_wait3A_107 : memref<1x80xi32, #tpu.memory_space<vmem>> -> memref<80xi32, #tpu.memory_space<vmem>>
      %dma_wait3A_109 = arith.constant 0 : i32
      %dma_wait3A_110 = arith.constant 0 : i32
      %dma_wait3A_111 = tpu.memref_slice %arg12[%dma_wait3A_109, %dma_wait3A_110] : memref<10032x128xf32, #tpu.memory_space<vmem_shared>> -> memref<10032x128xf32, #tpu.memory_space<vmem_shared>>
      tpu.wait_indirect_dma semaphore(%arg16 : memref<!tpu.dma_semaphore, #tpu.memory_space<semaphore_mem>>) src(%arg9 : memref<80x128xf32, #tpu.memory_space<vmem>>) dst(%dma_wait3A_111 : memref<10032x128xf32, #tpu.memory_space<vmem_shared>>)
      %add3A_112 = arith.constant 3 : i32
      %add3A_113 = arith.addi %add3A_54, %add3A_112 : i32
      %add3A_114 = arith.constant 0 : i32
      %add3A_115 = arith.addi %add3A_113, %add3A_114 : i32
      %lt3A = arith.constant 125 : i32
      %lt3A_116 = arith.cmpi slt, %add3A_115, %lt3A : i32
      %convert_element_type3A_117 = arith.extui %lt3A_116 : i1 to i32
      %cond3A_118 = arith.constant 0 : i32
      %cond3A_119 = arith.cmpi ne, %convert_element_type3A_117, %cond3A_118 : i32
      scf.if %cond3A_119 {
        %add3A_154 = arith.constant 3 : i32
        %add3A_155 = arith.addi %add3A_54, %add3A_154 : i32
        %add3A_156 = arith.constant 0 : i32
        %add3A_157 = arith.addi %add3A_155, %add3A_156 : i32
        %mul3A_158 = arith.constant 80 : i32
        %mul3A_159 = arith.muli %add3A_157, %mul3A_158 : i32
        %dma_start3A_160 = tpu.memref_slice %arg7[%mul3A_159] : memref<10000xi32, #tpu.memory_space<vmem>> -> memref<80xi32, #tpu.memory_space<vmem>>
        %dma_start3A_161 = arith.constant 0 : i32
        %dma_start3A_162 = arith.constant 0 : i32
        %dma_start3A_163 = tpu.memref_slice %arg2[%dma_start3A_161, %dma_start3A_162] : memref<10000x128xf32, #tpu.memory_space<hbm>> -> memref<10000x128xf32, #tpu.memory_space<hbm>>
        tpu.enqueue_indirect_dma source(%dma_start3A_163 : memref<10000x128xf32, #tpu.memory_space<hbm>>) target(%arg9 : memref<80x128xf32, #tpu.memory_space<vmem>>) offsets(%dma_start3A_160 : memref<80xi32, #tpu.memory_space<vmem>>) semaphore(%arg13 : memref<!tpu.dma_semaphore, #tpu.memory_space<semaphore_mem>>)
      } else {
      }
      %add3A_120 = arith.constant 1 : i32
      %add3A_121 = arith.addi %sub3A_55, %add3A_120 : i32
      %dma_wait3A_122 = arith.constant 0 : i32
      %dma_wait3A_123 = tpu.memref_slice %arg8[%add3A_121, %dma_wait3A_122] : memref<63x80xi32, #tpu.memory_space<vmem>> -> memref<1x80xi32, #tpu.memory_space<vmem>>
      %dma_wait3A_124 = tpu.memref_squeeze %dma_wait3A_123 : memref<1x80xi32, #tpu.memory_space<vmem>> -> memref<80xi32, #tpu.memory_space<vmem>>
      %dma_wait3A_125 = arith.constant 0 : i32
      %dma_wait3A_126 = arith.constant 0 : i32
      %dma_wait3A_127 = tpu.memref_slice %arg12[%dma_wait3A_125, %dma_wait3A_126] : memref<10032x128xf32, #tpu.memory_space<vmem_shared>> -> memref<10032x128xf32, #tpu.memory_space<vmem_shared>>
      tpu.wait_indirect_dma semaphore(%arg17 : memref<!tpu.dma_semaphore, #tpu.memory_space<semaphore_mem>>) src(%arg10 : memref<80x128xf32, #tpu.memory_space<vmem>>) dst(%dma_wait3A_127 : memref<10032x128xf32, #tpu.memory_space<vmem_shared>>)
      %add3A_128 = arith.constant 3 : i32
      %add3A_129 = arith.addi %add3A_54, %add3A_128 : i32
      %add3A_130 = arith.constant 1 : i32
      %add3A_131 = arith.addi %add3A_129, %add3A_130 : i32
      %lt3A_132 = arith.constant 125 : i32
      %lt3A_133 = arith.cmpi slt, %add3A_131, %lt3A_132 : i32
      %convert_element_type3A_134 = arith.extui %lt3A_133 : i1 to i32
      %cond3A_135 = arith.constant 0 : i32
      %cond3A_136 = arith.cmpi ne, %convert_element_type3A_134, %cond3A_135 : i32
      scf.if %cond3A_136 {
        %add3A_154 = arith.constant 3 : i32
        %add3A_155 = arith.addi %add3A_54, %add3A_154 : i32
        %add3A_156 = arith.constant 1 : i32
        %add3A_157 = arith.addi %add3A_155, %add3A_156 : i32
        %mul3A_158 = arith.constant 80 : i32
        %mul3A_159 = arith.muli %add3A_157, %mul3A_158 : i32
        %dma_start3A_160 = tpu.memref_slice %arg7[%mul3A_159] : memref<10000xi32, #tpu.memory_space<vmem>> -> memref<80xi32, #tpu.memory_space<vmem>>
        %dma_start3A_161 = arith.constant 0 : i32
        %dma_start3A_162 = arith.constant 0 : i32
        %dma_start3A_163 = tpu.memref_slice %arg2[%dma_start3A_161, %dma_start3A_162] : memref<10000x128xf32, #tpu.memory_space<hbm>> -> memref<10000x128xf32, #tpu.memory_space<hbm>>
        tpu.enqueue_indirect_dma source(%dma_start3A_163 : memref<10000x128xf32, #tpu.memory_space<hbm>>) target(%arg10 : memref<80x128xf32, #tpu.memory_space<vmem>>) offsets(%dma_start3A_160 : memref<80xi32, #tpu.memory_space<vmem>>) semaphore(%arg14 : memref<!tpu.dma_semaphore, #tpu.memory_space<semaphore_mem>>)
      } else {
      }
      %add3A_137 = arith.constant 2 : i32
      %add3A_138 = arith.addi %sub3A_55, %add3A_137 : i32
      %dma_wait3A_139 = arith.constant 0 : i32
      %dma_wait3A_140 = tpu.memref_slice %arg8[%add3A_138, %dma_wait3A_139] : memref<63x80xi32, #tpu.memory_space<vmem>> -> memref<1x80xi32, #tpu.memory_space<vmem>>
      %dma_wait3A_141 = tpu.memref_squeeze %dma_wait3A_140 : memref<1x80xi32, #tpu.memory_space<vmem>> -> memref<80xi32, #tpu.memory_space<vmem>>
      %dma_wait3A_142 = arith.constant 0 : i32
      %dma_wait3A_143 = arith.constant 0 : i32
      %dma_wait3A_144 = tpu.memref_slice %arg12[%dma_wait3A_142, %dma_wait3A_143] : memref<10032x128xf32, #tpu.memory_space<vmem_shared>> -> memref<10032x128xf32, #tpu.memory_space<vmem_shared>>
      tpu.wait_indirect_dma semaphore(%arg18 : memref<!tpu.dma_semaphore, #tpu.memory_space<semaphore_mem>>) src(%arg11 : memref<80x128xf32, #tpu.memory_space<vmem>>) dst(%dma_wait3A_144 : memref<10032x128xf32, #tpu.memory_space<vmem_shared>>)
      %add3A_145 = arith.constant 3 : i32
      %add3A_146 = arith.addi %add3A_54, %add3A_145 : i32
      %add3A_147 = arith.constant 2 : i32
      %add3A_148 = arith.addi %add3A_146, %add3A_147 : i32
      %lt3A_149 = arith.constant 125 : i32
      %lt3A_150 = arith.cmpi slt, %add3A_148, %lt3A_149 : i32
      %convert_element_type3A_151 = arith.extui %lt3A_150 : i1 to i32
      %cond3A_152 = arith.constant 0 : i32
      %cond3A_153 = arith.cmpi ne, %convert_element_type3A_151, %cond3A_152 : i32
      scf.if %cond3A_153 {
        %add3A_154 = arith.constant 3 : i32
        %add3A_155 = arith.addi %add3A_54, %add3A_154 : i32
        %add3A_156 = arith.constant 2 : i32
        %add3A_157 = arith.addi %add3A_155, %add3A_156 : i32
        %mul3A_158 = arith.constant 80 : i32
        %mul3A_159 = arith.muli %add3A_157, %mul3A_158 : i32
        %dma_start3A_160 = tpu.memref_slice %arg7[%mul3A_159] : memref<10000xi32, #tpu.memory_space<vmem>> -> memref<80xi32, #tpu.memory_space<vmem>>
        %dma_start3A_161 = arith.constant 0 : i32
        %dma_start3A_162 = arith.constant 0 : i32
        %dma_start3A_163 = tpu.memref_slice %arg2[%dma_start3A_161, %dma_start3A_162] : memref<10000x128xf32, #tpu.memory_space<hbm>> -> memref<10000x128xf32, #tpu.memory_space<hbm>>
        tpu.enqueue_indirect_dma source(%dma_start3A_163 : memref<10000x128xf32, #tpu.memory_space<hbm>>) target(%arg11 : memref<80x128xf32, #tpu.memory_space<vmem>>) offsets(%dma_start3A_160 : memref<80xi32, #tpu.memory_space<vmem>>) semaphore(%arg15 : memref<!tpu.dma_semaphore, #tpu.memory_space<semaphore_mem>>)
      } else {
      }
    }
    %scan3A_33 = arith.constant 20 : i32
    %dma_wait3A = arith.constant 9840 : i32
    %dma_wait3A_34 = tpu.memref_slice %arg7[%dma_wait3A] : memref<10000xi32, #tpu.memory_space<vmem>> -> memref<80xi32, #tpu.memory_space<vmem>>
    %dma_wait3A_35 = arith.constant 0 : i32
    %dma_wait3A_36 = arith.constant 0 : i32
    %dma_wait3A_37 = tpu.memref_slice %arg2[%dma_wait3A_35, %dma_wait3A_36] : memref<10000x128xf32, #tpu.memory_space<hbm>> -> memref<10000x128xf32, #tpu.memory_space<hbm>>
    tpu.wait_indirect_dma semaphore(%arg13 : memref<!tpu.dma_semaphore, #tpu.memory_space<semaphore_mem>>) src(%dma_wait3A_37 : memref<10000x128xf32, #tpu.memory_space<hbm>>) dst(%arg9 : memref<80x128xf32, #tpu.memory_space<vmem>>)
    %run_scoped3A = arith.constant 60 : i32
    "tpu.region"() ({
      %run_scoped3A_50 = tpu.sem_alloc : memref<!tpu.dma_semaphore, #tpu.memory_space<semaphore_mem>>
      %dma_start3A_51 = arith.constant 0 : i32
      %dma_start3A_52 = tpu.memref_slice %arg8[%run_scoped3A, %dma_start3A_51] : memref<63x80xi32, #tpu.memory_space<vmem>> -> memref<1x80xi32, #tpu.memory_space<vmem>>
      %dma_start3A_53 = tpu.memref_squeeze %dma_start3A_52 : memref<1x80xi32, #tpu.memory_space<vmem>> -> memref<80xi32, #tpu.memory_space<vmem>>
      %dma_start3A_54 = arith.constant 0 : i32
      %dma_start3A_55 = arith.constant 0 : i32
      %dma_start3A_56 = tpu.memref_slice %arg12[%dma_start3A_54, %dma_start3A_55] : memref<10032x128xf32, #tpu.memory_space<vmem_shared>> -> memref<10032x128xf32, #tpu.memory_space<vmem_shared>>
      tpu.enqueue_indirect_dma source(%arg9 : memref<80x128xf32, #tpu.memory_space<vmem>>) target(%dma_start3A_56 : memref<10032x128xf32, #tpu.memory_space<vmem_shared>>) offsets(%dma_start3A_53 : memref<80xi32, #tpu.memory_space<vmem>>) semaphore(%run_scoped3A_50 : memref<!tpu.dma_semaphore, #tpu.memory_space<semaphore_mem>>) {add = true}
      %dma_wait3A_57 = arith.constant 0 : i32
      %dma_wait3A_58 = tpu.memref_slice %arg8[%run_scoped3A, %dma_wait3A_57] : memref<63x80xi32, #tpu.memory_space<vmem>> -> memref<1x80xi32, #tpu.memory_space<vmem>>
      %dma_wait3A_59 = tpu.memref_squeeze %dma_wait3A_58 : memref<1x80xi32, #tpu.memory_space<vmem>> -> memref<80xi32, #tpu.memory_space<vmem>>
      %dma_wait3A_60 = arith.constant 0 : i32
      %dma_wait3A_61 = arith.constant 0 : i32
      %dma_wait3A_62 = tpu.memref_slice %arg12[%dma_wait3A_60, %dma_wait3A_61] : memref<10032x128xf32, #tpu.memory_space<vmem_shared>> -> memref<10032x128xf32, #tpu.memory_space<vmem_shared>>
      tpu.wait_indirect_dma semaphore(%run_scoped3A_50 : memref<!tpu.dma_semaphore, #tpu.memory_space<semaphore_mem>>) src(%arg9 : memref<80x128xf32, #tpu.memory_space<vmem>>) dst(%dma_wait3A_62 : memref<10032x128xf32, #tpu.memory_space<vmem_shared>>)
      tpu.yield
    }) : () -> ()
    %dma_wait3A_38 = arith.constant 9920 : i32
    %dma_wait3A_39 = tpu.memref_slice %arg7[%dma_wait3A_38] : memref<10000xi32, #tpu.memory_space<vmem>> -> memref<80xi32, #tpu.memory_space<vmem>>
    %dma_wait3A_40 = arith.constant 0 : i32
    %dma_wait3A_41 = arith.constant 0 : i32
    %dma_wait3A_42 = tpu.memref_slice %arg2[%dma_wait3A_40, %dma_wait3A_41] : memref<10000x128xf32, #tpu.memory_space<hbm>> -> memref<10000x128xf32, #tpu.memory_space<hbm>>
    tpu.wait_indirect_dma semaphore(%arg14 : memref<!tpu.dma_semaphore, #tpu.memory_space<semaphore_mem>>) src(%dma_wait3A_42 : memref<10000x128xf32, #tpu.memory_space<hbm>>) dst(%arg10 : memref<80x128xf32, #tpu.memory_space<vmem>>)
    %run_scoped3A_43 = arith.constant 61 : i32
    "tpu.region"() ({
      %run_scoped3A_50 = tpu.sem_alloc : memref<!tpu.dma_semaphore, #tpu.memory_space<semaphore_mem>>
      %dma_start3A_51 = arith.constant 0 : i32
      %dma_start3A_52 = tpu.memref_slice %arg8[%run_scoped3A_43, %dma_start3A_51] : memref<63x80xi32, #tpu.memory_space<vmem>> -> memref<1x80xi32, #tpu.memory_space<vmem>>
      %dma_start3A_53 = tpu.memref_squeeze %dma_start3A_52 : memref<1x80xi32, #tpu.memory_space<vmem>> -> memref<80xi32, #tpu.memory_space<vmem>>
      %dma_start3A_54 = arith.constant 0 : i32
      %dma_start3A_55 = arith.constant 0 : i32
      %dma_start3A_56 = tpu.memref_slice %arg12[%dma_start3A_54, %dma_start3A_55] : memref<10032x128xf32, #tpu.memory_space<vmem_shared>> -> memref<10032x128xf32, #tpu.memory_space<vmem_shared>>
      tpu.enqueue_indirect_dma source(%arg10 : memref<80x128xf32, #tpu.memory_space<vmem>>) target(%dma_start3A_56 : memref<10032x128xf32, #tpu.memory_space<vmem_shared>>) offsets(%dma_start3A_53 : memref<80xi32, #tpu.memory_space<vmem>>) semaphore(%run_scoped3A_50 : memref<!tpu.dma_semaphore, #tpu.memory_space<semaphore_mem>>) {add = true}
      %dma_wait3A_57 = arith.constant 0 : i32
      %dma_wait3A_58 = tpu.memref_slice %arg8[%run_scoped3A_43, %dma_wait3A_57] : memref<63x80xi32, #tpu.memory_space<vmem>> -> memref<1x80xi32, #tpu.memory_space<vmem>>
      %dma_wait3A_59 = tpu.memref_squeeze %dma_wait3A_58 : memref<1x80xi32, #tpu.memory_space<vmem>> -> memref<80xi32, #tpu.memory_space<vmem>>
      %dma_wait3A_60 = arith.constant 0 : i32
      %dma_wait3A_61 = arith.constant 0 : i32
      %dma_wait3A_62 = tpu.memref_slice %arg12[%dma_wait3A_60, %dma_wait3A_61] : memref<10032x128xf32, #tpu.memory_space<vmem_shared>> -> memref<10032x128xf32, #tpu.memory_space<vmem_shared>>
      tpu.wait_indirect_dma semaphore(%run_scoped3A_50 : memref<!tpu.dma_semaphore, #tpu.memory_space<semaphore_mem>>) src(%arg10 : memref<80x128xf32, #tpu.memory_space<vmem>>) dst(%dma_wait3A_62 : memref<10032x128xf32, #tpu.memory_space<vmem_shared>>)
      tpu.yield
    }) : () -> ()
    %barrier3A_44 = arith.constant 0 : index
    tpu.barrier barrier_id(%barrier3A_44)
    "tpu.region"() ({
      %run_scoped3A_50 = tpu.sem_alloc : memref<!tpu.dma_semaphore, #tpu.memory_space<semaphore_mem>>
      %dma_start3A_51 = arith.constant 0 : i32
      %dma_start3A_52 = tpu.memref_slice %arg6[%arg0, %mul3A_2, %dma_start3A_51] : memref<2x10000x128xf32, #tpu.memory_space<hbm>> -> memref<1x624x128xf32, #tpu.memory_space<hbm>>
      %dma_start3A_53 = tpu.memref_squeeze %dma_start3A_52 : memref<1x624x128xf32, #tpu.memory_space<hbm>> -> memref<624x128xf32, #tpu.memory_space<hbm>>
      %dma_start3A_54 = arith.constant 0 : i32
      %dma_start3A_55 = tpu.memref_slice %arg12[%mul3A_2, %dma_start3A_54] : memref<10032x128xf32, #tpu.memory_space<vmem_shared>> -> memref<624x128xf32, #tpu.memory_space<vmem_shared>>
      tpu.enqueue_dma source(%dma_start3A_55 : memref<624x128xf32, #tpu.memory_space<vmem_shared>>) target(%dma_start3A_53 : memref<624x128xf32, #tpu.memory_space<hbm>>) target_semaphore(%run_scoped3A_50 : memref<!tpu.dma_semaphore, #tpu.memory_space<semaphore_mem>>)
      %dma_wait3A_56 = arith.constant 0 : i32
      %dma_wait3A_57 = tpu.memref_slice %arg6[%arg0, %mul3A_2, %dma_wait3A_56] : memref<2x10000x128xf32, #tpu.memory_space<hbm>> -> memref<1x624x128xf32, #tpu.memory_space<hbm>>
      %dma_wait3A_58 = tpu.memref_squeeze %dma_wait3A_57 : memref<1x624x128xf32, #tpu.memory_space<hbm>> -> memref<624x128xf32, #tpu.memory_space<hbm>>
      %dma_wait3A_59 = arith.constant 0 : i32
      %dma_wait3A_60 = tpu.memref_slice %arg12[%mul3A_2, %dma_wait3A_59] : memref<10032x128xf32, #tpu.memory_space<vmem_shared>> -> memref<624x128xf32, #tpu.memory_space<vmem_shared>>
      tpu.wait_dma2 semaphore(%run_scoped3A_50 : memref<!tpu.dma_semaphore, #tpu.memory_space<semaphore_mem>>) src(%dma_wait3A_60 : memref<624x128xf32, #tpu.memory_space<vmem_shared>>) dst(%dma_wait3A_58 : memref<624x128xf32, #tpu.memory_space<hbm>>)
      tpu.yield
    }) : () -> ()
    %eq3A_45 = arith.constant 15 : i32
    %eq3A_46 = arith.cmpi eq, %arg1, %eq3A_45 : i32
    %convert_element_type3A_47 = arith.extui %eq3A_46 : i1 to i32
    %cond3A_48 = arith.constant 0 : i32
    %cond3A_49 = arith.cmpi ne, %convert_element_type3A_47, %cond3A_48 : i32
    scf.if %cond3A_49 {
      "tpu.region"() ({
        %run_scoped3A_50 = tpu.sem_alloc : memref<!tpu.dma_semaphore, #tpu.memory_space<semaphore_mem>>
        %dma_start3A_51 = arith.constant 9984 : i32
        %dma_start3A_52 = arith.constant 0 : i32
        %dma_start3A_53 = tpu.memref_slice %arg6[%arg0, %dma_start3A_51, %dma_start3A_52] : memref<2x10000x128xf32, #tpu.memory_space<hbm>> -> memref<1x16x128xf32, #tpu.memory_space<hbm>>
        %dma_start3A_54 = tpu.memref_squeeze %dma_start3A_53 : memref<1x16x128xf32, #tpu.memory_space<hbm>> -> memref<16x128xf32, #tpu.memory_space<hbm>>
        %dma_start3A_55 = arith.constant 9984 : i32
        %dma_start3A_56 = arith.constant 0 : i32
        %dma_start3A_57 = tpu.memref_slice %arg12[%dma_start3A_55, %dma_start3A_56] : memref<10032x128xf32, #tpu.memory_space<vmem_shared>> -> memref<16x128xf32, #tpu.memory_space<vmem_shared>>
        tpu.enqueue_dma source(%dma_start3A_57 : memref<16x128xf32, #tpu.memory_space<vmem_shared>>) target(%dma_start3A_54 : memref<16x128xf32, #tpu.memory_space<hbm>>) target_semaphore(%run_scoped3A_50 : memref<!tpu.dma_semaphore, #tpu.memory_space<semaphore_mem>>)
        %dma_wait3A_58 = arith.constant 9984 : i32
        %dma_wait3A_59 = arith.constant 0 : i32
        %dma_wait3A_60 = tpu.memref_slice %arg6[%arg0, %dma_wait3A_58, %dma_wait3A_59] : memref<2x10000x128xf32, #tpu.memory_space<hbm>> -> memref<1x16x128xf32, #tpu.memory_space<hbm>>
        %dma_wait3A_61 = tpu.memref_squeeze %dma_wait3A_60 : memref<1x16x128xf32, #tpu.memory_space<hbm>> -> memref<16x128xf32, #tpu.memory_space<hbm>>
        %dma_wait3A_62 = arith.constant 9984 : i32
        %dma_wait3A_63 = arith.constant 0 : i32
        %dma_wait3A_64 = tpu.memref_slice %arg12[%dma_wait3A_62, %dma_wait3A_63] : memref<10032x128xf32, #tpu.memory_space<vmem_shared>> -> memref<16x128xf32, #tpu.memory_space<vmem_shared>>
        tpu.wait_dma2 semaphore(%run_scoped3A_50 : memref<!tpu.dma_semaphore, #tpu.memory_space<semaphore_mem>>) src(%dma_wait3A_64 : memref<16x128xf32, #tpu.memory_space<vmem_shared>>) dst(%dma_wait3A_61 : memref<16x128xf32, #tpu.memory_space<hbm>>)
        tpu.yield
      }) : () -> ()
    } else {
    }
    return
  }
}

module attributes {stable_mosaic.version = 14 : i64} {
  func.func @_mm1_body(%arg0: i32, %arg1: memref<1000x128xf32, #tpu.memory_space<vmem>>, %arg2: memref<128x128xf32, #tpu.memory_space<vmem>>, %arg3: memref<1000x1xf32, #tpu.memory_space<vmem>>, %arg4: memref<1000x128xf32, #tpu.memory_space<vmem>>, %arg5: memref<1000x1xf32, #tpu.memory_space<vmem>>) attributes {dimension_semantics = [#tpu.dimension_semantics<arbitrary>], iteration_bounds = array<i64: 10>, scalar_prefetch = 0 : i64, scratch_operands = 0 : i64, tpu.core_type = #tpu.core_type<tc>, window_params = [{transform_indices = @transform_0, window_bounds = array<i64: 1000, 128>}, {pipeline_mode = #tpu.pipeline_mode<synchronous>, transform_indices = @transform_1, window_bounds = array<i64: 128, 128>}, {transform_indices = @transform_2, window_bounds = array<i64: 1000, 1>}, {transform_indices = @transform_3, window_bounds = array<i64: 1000, 128>}, {transform_indices = @transform_4, window_bounds = array<i64: 1000, 1>}]} {
    %get3A = arith.constant 0 : index
    %get3A_0 = arith.constant 0 : index
    %get3A_1 = vector.load %arg3[%get3A, %get3A_0] : memref<1000x1xf32, #tpu.memory_space<vmem>>, vector<1000x1xf32>
    %rsqrt3A = math.rsqrt %get3A_1 : vector<1000x1xf32>
    %get3A_2 = arith.constant 0 : index
    %get3A_3 = arith.constant 0 : index
    %get3A_4 = vector.load %arg1[%get3A_2, %get3A_3] : memref<1000x128xf32, #tpu.memory_space<vmem>>, vector<1000x128xf32>
    %get3A_5 = arith.constant 0 : index
    %get3A_6 = arith.constant 0 : index
    %get3A_7 = vector.load %arg2[%get3A_5, %get3A_6] : memref<128x128xf32, #tpu.memory_space<vmem>>, vector<128x128xf32>
    %dot_general3A = arith.constant dense<0.000000e+00> : vector<1000x128xf32>
    %dot_general3A_8 = tpu.matmul %get3A_4, %get3A_7, %dot_general3A {dimension_numbers = #tpu.dot_dimension_numbers<[1], [0], [0], [1], [0, 0, 1, 1], [], []>, precision = #tpu.contract_precision<fp32>, transpose_lhs_hint = false} : vector<1000x128xf32>, vector<128x128xf32>, vector<1000x128xf32> -> vector<1000x128xf32>
    %mul3A = vector.broadcast %rsqrt3A : vector<1000x1xf32> to vector<1000x128xf32>
    %mul3A_9 = arith.mulf %mul3A, %dot_general3A_8 : vector<1000x128xf32>
    %swap3A = arith.constant 0 : index
    %swap3A_10 = arith.constant 0 : index
    %swap3A_11 = vector.load %arg4[%swap3A, %swap3A_10] : memref<1000x128xf32, #tpu.memory_space<vmem>>, vector<1000x128xf32>
    tpu.vector_store %arg4[%swap3A, %swap3A_10], %mul3A_9 {strides = array<i32>} : memref<1000x128xf32, #tpu.memory_space<vmem>>, vector<1000x128xf32>,
    %swap3A_12 = arith.constant 0 : index
    %swap3A_13 = arith.constant 0 : index
    %swap3A_14 = vector.load %arg5[%swap3A_12, %swap3A_13] : memref<1000x1xf32, #tpu.memory_space<vmem>>, vector<1000x1xf32>
    tpu.vector_store %arg5[%swap3A_12, %swap3A_13], %rsqrt3A {strides = array<i32>} : memref<1000x1xf32, #tpu.memory_space<vmem>>, vector<1000x1xf32>,
    return
  }
  func.func @transform_0(%arg0: i32) -> (i32, i32) {
    %c0_i32 = arith.constant 0 : i32
    %c0_i32_0 = arith.constant 0 : i32
    return %arg0, %c0_i32 : i32, i32
  }
  func.func @transform_1(%arg0: i32) -> (i32, i32) {
    %c0_i32 = arith.constant 0 : i32
    %c0_i32_0 = arith.constant 0 : i32
    %c0_i32_1 = arith.constant 0 : i32
    return %c0_i32, %c0_i32_0 : i32, i32
  }
  func.func @transform_2(%arg0: i32) -> (i32, i32) {
    %c0_i32 = arith.constant 0 : i32
    %c0_i32_0 = arith.constant 0 : i32
    return %arg0, %c0_i32 : i32, i32
  }
  func.func @transform_3(%arg0: i32) -> (i32, i32) {
    %c0_i32 = arith.constant 0 : i32
    %c0_i32_0 = arith.constant 0 : i32
    return %arg0, %c0_i32 : i32, i32
  }
  func.func @transform_4(%arg0: i32) -> (i32, i32) {
    %c0_i32 = arith.constant 0 : i32
    %c0_i32_0 = arith.constant 0 : i32
    return %arg0, %c0_i32 : i32, i32
  }
}

module attributes {stable_mosaic.version = 14 : i64} {
  func.func @_mm2_body(%arg0: i32, %arg1: memref<2x1000x128xf32, #tpu.memory_space<vmem>>, %arg2: memref<1000x128xf32, #tpu.memory_space<vmem>>, %arg3: memref<1000x1xf32, #tpu.memory_space<vmem>>, %arg4: memref<1x128xf32, #tpu.memory_space<vmem>>, %arg5: memref<128x128xf32, #tpu.memory_space<vmem>>, %arg6: memref<1000x128xf32, #tpu.memory_space<vmem>>) attributes {dimension_semantics = [#tpu.dimension_semantics<arbitrary>], iteration_bounds = array<i64: 10>, scalar_prefetch = 0 : i64, scratch_operands = 0 : i64, tpu.core_type = #tpu.core_type<tc>, window_params = [{transform_indices = @transform_0, window_bounds = array<i64: 2, 1000, 128>}, {transform_indices = @transform_1, window_bounds = array<i64: 1000, 128>}, {transform_indices = @transform_2, window_bounds = array<i64: 1000, 1>}, {pipeline_mode = #tpu.pipeline_mode<synchronous>, transform_indices = @transform_3, window_bounds = array<i64: 1, 128>}, {pipeline_mode = #tpu.pipeline_mode<synchronous>, transform_indices = @transform_4, window_bounds = array<i64: 128, 128>}, {transform_indices = @transform_5, window_bounds = array<i64: 1000, 128>}]} {
    %get3A = arith.constant 0 : index
    %get3A_0 = arith.constant 0 : index
    %get3A_1 = vector.load %arg3[%get3A, %get3A_0] : memref<1000x1xf32, #tpu.memory_space<vmem>>, vector<1000x1xf32>
    %get3A_2 = arith.constant 0 : index
    %get3A_3 = arith.constant 0 : index
    %get3A_4 = arith.constant 0 : index
    %get3A_5 = vector.load %arg1[%get3A_2, %get3A_3, %get3A_4] : memref<2x1000x128xf32, #tpu.memory_space<vmem>>, vector<1x1000x128xf32>
    %get3A_6 = vector.shape_cast %get3A_5 : vector<1x1000x128xf32> to vector<1000x128xf32>
    %get3A_7 = arith.constant 1 : index
    %get3A_8 = arith.constant 0 : index
    %get3A_9 = arith.constant 0 : index
    %get3A_10 = vector.load %arg1[%get3A_7, %get3A_8, %get3A_9] : memref<2x1000x128xf32, #tpu.memory_space<vmem>>, vector<1x1000x128xf32>
    %get3A_11 = vector.shape_cast %get3A_10 : vector<1x1000x128xf32> to vector<1000x128xf32>
    %add3A = arith.addf %get3A_6, %get3A_11 : vector<1000x128xf32>
    %get3A_12 = arith.constant 0 : index
    %get3A_13 = arith.constant 0 : index
    %get3A_14 = vector.load %arg2[%get3A_12, %get3A_13] : memref<1000x128xf32, #tpu.memory_space<vmem>>, vector<1000x128xf32>
    %add3A_15 = arith.addf %add3A, %get3A_14 : vector<1000x128xf32>
    %mul3A = vector.broadcast %get3A_1 : vector<1000x1xf32> to vector<1000x128xf32>
    %mul3A_16 = arith.mulf %mul3A, %add3A_15 : vector<1000x128xf32>
    %get3A_17 = arith.constant 0 : index
    %get3A_18 = arith.constant 0 : index
    %get3A_19 = vector.load %arg4[%get3A_17, %get3A_18] : memref<1x128xf32, #tpu.memory_space<vmem>>, vector<1x128xf32>
    %add3A_20 = vector.broadcast %get3A_19 : vector<1x128xf32> to vector<1000x128xf32>
    %add3A_21 = arith.addf %mul3A_16, %add3A_20 : vector<1000x128xf32>
    %max3A = arith.constant 0.000000e+00 : f32
    %max3A_22 = vector.broadcast %max3A : f32 to vector<1000x128xf32>
    %max3A_23 = arith.maximumf %add3A_21, %max3A_22 : vector<1000x128xf32>
    %get3A_24 = arith.constant 0 : index
    %get3A_25 = arith.constant 0 : index
    %get3A_26 = vector.load %arg5[%get3A_24, %get3A_25] : memref<128x128xf32, #tpu.memory_space<vmem>>, vector<128x128xf32>
    %dot_general3A = arith.constant dense<0.000000e+00> : vector<1000x128xf32>
    %dot_general3A_27 = tpu.matmul %max3A_23, %get3A_26, %dot_general3A {dimension_numbers = #tpu.dot_dimension_numbers<[1], [0], [0], [1], [0, 0, 1, 1], [], []>, precision = #tpu.contract_precision<fp32>, transpose_lhs_hint = false} : vector<1000x128xf32>, vector<128x128xf32>, vector<1000x128xf32> -> vector<1000x128xf32>
    %mul3A_28 = vector.broadcast %get3A_1 : vector<1000x1xf32> to vector<1000x128xf32>
    %mul3A_29 = arith.mulf %mul3A_28, %dot_general3A_27 : vector<1000x128xf32>
    %swap3A = arith.constant 0 : index
    %swap3A_30 = arith.constant 0 : index
    %swap3A_31 = vector.load %arg6[%swap3A, %swap3A_30] : memref<1000x128xf32, #tpu.memory_space<vmem>>, vector<1000x128xf32>
    tpu.vector_store %arg6[%swap3A, %swap3A_30], %mul3A_29 {strides = array<i32>} : memref<1000x128xf32, #tpu.memory_space<vmem>>, vector<1000x128xf32>,
    return
  }
  func.func @transform_0(%arg0: i32) -> (i32, i32, i32) {
    %c0_i32 = arith.constant 0 : i32
    %c0_i32_0 = arith.constant 0 : i32
    %c0_i32_1 = arith.constant 0 : i32
    return %c0_i32, %arg0, %c0_i32_0 : i32, i32, i32
  }
  func.func @transform_1(%arg0: i32) -> (i32, i32) {
    %c0_i32 = arith.constant 0 : i32
    %c0_i32_0 = arith.constant 0 : i32
    return %arg0, %c0_i32 : i32, i32
  }
  func.func @transform_2(%arg0: i32) -> (i32, i32) {
    %c0_i32 = arith.constant 0 : i32
    %c0_i32_0 = arith.constant 0 : i32
    return %arg0, %c0_i32 : i32, i32
  }
  func.func @transform_3(%arg0: i32) -> (i32, i32) {
    %c0_i32 = arith.constant 0 : i32
    %c0_i32_0 = arith.constant 0 : i32
    %c0_i32_1 = arith.constant 0 : i32
    return %c0_i32, %c0_i32_0 : i32, i32
  }
  func.func @transform_4(%arg0: i32) -> (i32, i32) {
    %c0_i32 = arith.constant 0 : i32
    %c0_i32_0 = arith.constant 0 : i32
    %c0_i32_1 = arith.constant 0 : i32
    return %c0_i32, %c0_i32_0 : i32, i32
  }
  func.func @transform_5(%arg0: i32) -> (i32, i32) {
    %c0_i32 = arith.constant 0 : i32
    %c0_i32_0 = arith.constant 0 : i32
    return %arg0, %c0_i32 : i32, i32
  }
}

module attributes {stable_mosaic.version = 14 : i64} {
  func.func @_out_body(%arg0: i32, %arg1: memref<2x1000x128xf32, #tpu.memory_space<vmem>>, %arg2: memref<1000x128xf32, #tpu.memory_space<vmem>>, %arg3: memref<1000x1xf32, #tpu.memory_space<vmem>>, %arg4: memref<1x128xf32, #tpu.memory_space<vmem>>, %arg5: memref<1000x128xf32, #tpu.memory_space<vmem>>) attributes {dimension_semantics = [#tpu.dimension_semantics<arbitrary>], iteration_bounds = array<i64: 10>, scalar_prefetch = 0 : i64, scratch_operands = 0 : i64, tpu.core_type = #tpu.core_type<tc>, window_params = [{transform_indices = @transform_0, window_bounds = array<i64: 2, 1000, 128>}, {transform_indices = @transform_1, window_bounds = array<i64: 1000, 128>}, {transform_indices = @transform_2, window_bounds = array<i64: 1000, 1>}, {pipeline_mode = #tpu.pipeline_mode<synchronous>, transform_indices = @transform_3, window_bounds = array<i64: 1, 128>}, {transform_indices = @transform_4, window_bounds = array<i64: 1000, 128>}]} {
    %get3A = arith.constant 0 : index
    %get3A_0 = arith.constant 0 : index
    %get3A_1 = vector.load %arg3[%get3A, %get3A_0] : memref<1000x1xf32, #tpu.memory_space<vmem>>, vector<1000x1xf32>
    %get3A_2 = arith.constant 0 : index
    %get3A_3 = arith.constant 0 : index
    %get3A_4 = arith.constant 0 : index
    %get3A_5 = vector.load %arg1[%get3A_2, %get3A_3, %get3A_4] : memref<2x1000x128xf32, #tpu.memory_space<vmem>>, vector<1x1000x128xf32>
    %get3A_6 = vector.shape_cast %get3A_5 : vector<1x1000x128xf32> to vector<1000x128xf32>
    %get3A_7 = arith.constant 1 : index
    %get3A_8 = arith.constant 0 : index
    %get3A_9 = arith.constant 0 : index
    %get3A_10 = vector.load %arg1[%get3A_7, %get3A_8, %get3A_9] : memref<2x1000x128xf32, #tpu.memory_space<vmem>>, vector<1x1000x128xf32>
    %get3A_11 = vector.shape_cast %get3A_10 : vector<1x1000x128xf32> to vector<1000x128xf32>
    %add3A = arith.addf %get3A_6, %get3A_11 : vector<1000x128xf32>
    %get3A_12 = arith.constant 0 : index
    %get3A_13 = arith.constant 0 : index
    %get3A_14 = vector.load %arg2[%get3A_12, %get3A_13] : memref<1000x128xf32, #tpu.memory_space<vmem>>, vector<1000x128xf32>
    %add3A_15 = arith.addf %add3A, %get3A_14 : vector<1000x128xf32>
    %mul3A = vector.broadcast %get3A_1 : vector<1000x1xf32> to vector<1000x128xf32>
    %mul3A_16 = arith.mulf %mul3A, %add3A_15 : vector<1000x128xf32>
    %get3A_17 = arith.constant 0 : index
    %get3A_18 = arith.constant 0 : index
    %get3A_19 = vector.load %arg4[%get3A_17, %get3A_18] : memref<1x128xf32, #tpu.memory_space<vmem>>, vector<1x128xf32>
    %add3A_20 = vector.broadcast %get3A_19 : vector<1x128xf32> to vector<1000x128xf32>
    %add3A_21 = arith.addf %mul3A_16, %add3A_20 : vector<1000x128xf32>
    %reduce_max3A = arith.constant dense<0xFF800000> : vector<1000xf32>
    %reduce_max3A_22 = vector.multi_reduction <maximumf>, %add3A_21, %reduce_max3A [1] : vector<1000x128xf32> to vector<1000xf32>
    %broadcast_in_dim3A = vector.shape_cast %reduce_max3A_22 : vector<1000xf32> to vector<1000x1xf32>
    %sub3A = vector.broadcast %broadcast_in_dim3A : vector<1000x1xf32> to vector<1000x128xf32>
    %sub3A_23 = arith.subf %add3A_21, %sub3A : vector<1000x128xf32>
    %exp3A = math.exp %sub3A_23 : vector<1000x128xf32>
    %reduce_sum3A = arith.constant dense<0.000000e+00> : vector<1000xf32>
    %reduce_sum3A_24 = vector.multi_reduction <add>, %exp3A, %reduce_sum3A [1] : vector<1000x128xf32> to vector<1000xf32>
    %broadcast_in_dim3A_25 = vector.shape_cast %reduce_sum3A_24 : vector<1000xf32> to vector<1000x1xf32>
    %log3A = math.log %broadcast_in_dim3A_25 : vector<1000x1xf32>
    %add3A_26 = arith.addf %log3A, %broadcast_in_dim3A : vector<1000x1xf32>
    %sub3A_27 = vector.broadcast %add3A_26 : vector<1000x1xf32> to vector<1000x128xf32>
    %sub3A_28 = arith.subf %add3A_21, %sub3A_27 : vector<1000x128xf32>
    %swap3A = arith.constant 0 : index
    %swap3A_29 = arith.constant 0 : index
    %swap3A_30 = vector.load %arg5[%swap3A, %swap3A_29] : memref<1000x128xf32, #tpu.memory_space<vmem>>, vector<1000x128xf32>
    tpu.vector_store %arg5[%swap3A, %swap3A_29], %sub3A_28 {strides = array<i32>} : memref<1000x128xf32, #tpu.memory_space<vmem>>, vector<1000x128xf32>,
    return
  }
  func.func @transform_0(%arg0: i32) -> (i32, i32, i32) {
    %c0_i32 = arith.constant 0 : i32
    %c0_i32_0 = arith.constant 0 : i32
    %c0_i32_1 = arith.constant 0 : i32
    return %c0_i32, %arg0, %c0_i32_0 : i32, i32, i32
  }
  func.func @transform_1(%arg0: i32) -> (i32, i32) {
    %c0_i32 = arith.constant 0 : i32
    %c0_i32_0 = arith.constant 0 : i32
    return %arg0, %c0_i32 : i32, i32
  }
  func.func @transform_2(%arg0: i32) -> (i32, i32) {
    %c0_i32 = arith.constant 0 : i32
    %c0_i32_0 = arith.constant 0 : i32
    return %arg0, %c0_i32 : i32, i32
  }
  func.func @transform_3(%arg0: i32) -> (i32, i32) {
    %c0_i32 = arith.constant 0 : i32
    %c0_i32_0 = arith.constant 0 : i32
    %c0_i32_1 = arith.constant 0 : i32
    return %c0_i32, %c0_i32_0 : i32, i32
  }
  func.func @transform_4(%arg0: i32) -> (i32, i32) {
    %c0_i32 = arith.constant 0 : i32
    %c0_i32_0 = arith.constant 0 : i32
    return %arg0, %c0_i32 : i32, i32
  }
}

</mosaic_0001>

<sc_bundles>
// kernel: kernel.11.cloned.1.call-start
scs
__scs_entry_jumppad:
0x0: {  	(pc) =	sbr.rel $0x88, $3  }
0x1: {  	(tag) =	ssettag $0x0;
	lr =	simm.s32 $0x1  }
0x2: {  	[smem:$0x3F9B] =	sst lr;
	_ =	strace $0xD0000000  }
0x3: {  	_ = 	snop  }
0x4: {  	_ = 	snop  }
0x5: {  	_ = 	snop  }
0x6: {  	_ = 	snop  }
0x7: {  	_ = 	snop  }
__scs_overlays_trampoline_lowered:
0x8: {  	[smem:$0x3FAA] =	sst s0  }
0x9: {  	[smem:$0x3FAB] =	sst s1  }
0xa: {  	[smem:$0x3FAC] =	sst s2  }
0xb: {  	[smem:$0x3FAD] =	sst s3  }
0xc: {  	[smem:$0x3FAE] =	sst s4  }
0xd: {  	[smem:$0x3FAF] =	sst s5  }
0xe: {  	[smem:$0x3FB0] =	sst s6  }
0xf: {  	[smem:$0x3FB1] =	sst s7  }
0x10: {  	[smem:$0x3FB2] =	sst s8  }
0x11: {  	[smem:$0x3FB3] =	sst s9;
	s0 =	simm.s32 @!p0 $0x0  }
0x12: {  	s1 =	sld [smem:$0x3F99];
	s0 =	simm.s32 @p0 $0x1  }
0x13: {  	[smem:$0x3FB4] =	sst s0;
	s0 =	simm.s32 @!p1 $0x0  }
0x14: {  	s2 =	sld [smem:$0x3F98];
	s0 =	simm.s32 @p1 $0x1  }
0x15: {  	[smem:$0x3FB5] =	sst s0;
	s0 =	simm.s32 @!p2 $0x0  }
0x16: {  	s3 =	sld [smem:$0x3FDB];
	s0 =	simm.s32 @p2 $0x1  }
0x17: {  	s4 =	simm.s32 $0x1BF5;
	[smem:$0x3FB7] =	sst s0  }
0x18: {  	s0 =	sld [smem:$0x3F9A];
	_ =	swait.ge [sflag:s4], $0x0  }
0x19: {  	s7 =	sld [smem:$0x3F9B]  }
0x1a: {  	s8 =	sadd.s32 $0xFFFFE003, lr  }
0x1b: {  	s9 =	sadd.s32 $0xFFFFFEF7, lr;
	s5 =	simm.s32 $0xFFFFFFFF;
	p2 =	slt.u32 s8, $0xFFFFF086  }
0x1c: {  	p1 =	slt.u32 s9, $0xF7A;
	s5 =	simm.s32 @!p2 $0x0  }
0x1d: {  	s5 =	simm.s32 @p1 $0x1;
	p0 =	seq.s32 s7, s2  }
0x1e: {  	s7 =	smul.u32 @!p0 $0xF7A, s2;
	p2 =	seq.s32 @!p0 s5, $0x0  }
0x1f: {  	s9 =	smul.u32 $0xF7A, s1;
	s8 =	simm.s32 @!p0 $0x1BF5;
	p2 =	por !p2, p0  }
0x20: {  	[sflag:s8] =	ssyncset.s32 @!p0 $0xFFFFF086;
	s6 =	sadd.s32 @!p0 s3, s7;
	s7 =	simm.s32 @!p0 $0x108  }
0x21: {  	s3 =	sadd.s32 s3, s9;
	s6 =	sadd.s32 @!p0 $0x88, s6;
	s7 =	simm.s32 @p2 $0x1082  }
0x22: {  	[simem:s7], [sflag:s8] =	dma.local @!p0 [hbm:s6], $0xF7A  }
0x23: {  	s9 =	sor.u32 $0xD0000000, s2;
	s6 =	simm.s32 $0x108;
	_ =	swait.ge @!p0 [sflag:s8], $0x0  }
0x24: {  	s3 =	sadd.s32 $0x88, s3;
	s6 =	simm.s32 @!p1 $0x1082;
	[sflag:s4] =	ssyncset.s32 $0xFFFFF086  }
0x25: {  	[simem:s6], [sflag:s4] =	dma.local [hbm:s3], $0xF7A  }
0x26: {  	[smem:$0x3F9B] =	sst s1;
	(tag) =	ssettag s2;
	_ =	strace s9  }
0x27: {  	s1 =	sld [smem:$0x3FAB]  }
0x28: {  	s2 =	sld [smem:$0x3FAC]  }
0x29: {  	s4 =	sld [smem:$0x3FAE]  }
0x2a: {  	p0 =	seq.s32 s5, $0x0;
	s5 =	sld [smem:$0x3FAF]  }
0x2b: {  	s6 =	sld [smem:$0x3FB0]  }
0x2c: {  	s7 =	sld [smem:$0x3FB1]  }
0x2d: {  	s3 =	simm.s32 $0x108;
	s8 =	sld [smem:$0x3FB2]  }
0x2e: {  	s3 =	simm.s32 @!p0 $0x1082;
	s9 =	sld [smem:$0x3FB3]  }
0x2f: {  	lr =	sadd.s32 s0, s3;
	s0 =	sld [smem:$0x3FAA]  }
0x30: {  	s3 =	sld [smem:$0x3FAD]  }
0x31: {  	[smem:$0x3FB6] =	sst s10  }
0x32: {  	s10 =	sld [smem:$0x3FB4];
	_ =	sdelay $0x3  }
0x33: {  	p0 =	seq.s32 s10, $0x1;
	s10 =	sld [smem:$0x3FB6];
	_ =	sdelay $0x3  }
0x34: {  	[smem:$0x3FB6] =	sst s10  }
0x35: {  	s10 =	sld [smem:$0x3FB5];
	_ =	sdelay $0x3  }
0x36: {  	p1 =	seq.s32 s10, $0x1;
	s10 =	sld [smem:$0x3FB6];
	_ =	sdelay $0x3  }
0x37: {  	[smem:$0x3FB6] =	sst s10  }
0x38: {  	s10 =	sld [smem:$0x3FB7]  }
0x39: {  	_ = 	snop;
	(pc) =	sbr.ind lr, $3  }
0x3a: {  	_ = 	snop  }
0x3b: {  	_ = 	snop  }
0x3c: {  	p2 =	seq.s32 s10, $0x1;
	s10 =	sld [smem:$0x3FB6]  }
0x3d: {  	_ =	shalt  }
0x3e: {  	_ =	shalt  }
0x3f: {  	_ =	shalt  }
0x40: {  	_ =	shalt  }
0x41: {  	_ =	shalt  }
0x42: {  	_ =	shalt  }
0x43: {  	_ =	shalt  }
0x44: {  	_ =	shalt  }
0x45: {  	_ =	shalt  }
0x46: {  	_ =	shalt  }
0x47: {  	_ =	shalt  }
0x48: {  	_ =	shalt  }
0x49: {  	_ =	shalt  }
0x4a: {  	_ =	shalt  }
0x4b: {  	_ =	shalt  }
0x4c: {  	_ =	shalt  }
0x4d: {  	_ =	shalt  }
0x4e: {  	_ =	shalt  }
0x4f: {  	_ =	shalt  }
0x50: {  	_ =	shalt  }
0x51: {  	_ =	shalt  }
0x52: {  	_ =	shalt  }
0x53: {  	_ =	shalt  }
0x54: {  	_ =	shalt  }
0x55: {  	_ =	shalt  }
0x56: {  	_ =	shalt  }
0x57: {  	_ =	shalt  }
0x58: {  	_ =	shalt  }
0x59: {  	_ =	shalt  }
0x5a: {  	_ =	shalt  }
0x5b: {  	_ =	shalt  }
0x5c: {  	_ =	shalt  }
0x5d: {  	_ =	shalt  }
0x5e: {  	_ =	shalt  }
0x5f: {  	_ =	shalt  }
0x60: {  	_ =	shalt  }
0x61: {  	_ =	shalt  }
0x62: {  	_ =	shalt  }
0x63: {  	_ =	shalt  }
0x64: {  	_ =	shalt  }
0x65: {  	_ =	shalt  }
0x66: {  	_ =	shalt  }
0x67: {  	_ =	shalt  }
0x68: {  	_ =	shalt  }
0x69: {  	_ =	shalt  }
0x6a: {  	_ =	shalt  }
0x6b: {  	_ =	shalt  }
0x6c: {  	_ =	shalt  }
0x6d: {  	_ =	shalt  }
0x6e: {  	_ =	shalt  }
0x6f: {  	_ =	shalt  }
0x70: {  	_ =	shalt  }
0x71: {  	_ =	shalt  }
0x72: {  	_ =	shalt  }
0x73: {  	_ =	shalt  }
0x74: {  	_ =	shalt  }
0x75: {  	_ =	shalt  }
0x76: {  	_ =	shalt  }
0x77: {  	_ =	shalt  }
0x78: {  	_ =	shalt  }
0x79: {  	_ =	shalt  }
0x7a: {  	_ =	shalt  }
0x7b: {  	_ =	shalt  }
0x7c: {  	_ =	shalt  }
0x7d: {  	_ =	shalt  }
0x7e: {  	_ =	shalt  }
0x7f: {  	_ =	shalt  }
0x80: {  	_ =	shalt  }
0x81: {  	_ =	shalt  }
0x82: {  	_ =	shalt  }
0x83: {  	_ =	shalt  }
0x84: {  	_ =	shalt  }
0x85: {  	_ =	shalt  }
0x86: {  	_ =	shalt  }
0x87: {  	_ =	shalt  }
.Lfunc_end0:
.L_simem_size_0:
called_computation.1_lowered:
.L_overlay_start_0:
0x88: {  	s2 =	sld [smem:$0x3FD9]  }
0x89: {  	s3 =	sld [smem:$0x3FFE];
	_ =	sdelay $0x1  }
0x8a: {  	s1 =	srdreg.scid  }
0x8b: {  	s0 =	sand.u32 $0x1, s1  }
0x8c: {  	s17 =	sshll.u32 s0, $0xA;
	s2 =	sadd.s32 s3, s2  }
0x8d: {  	s2 =	sadd.s32 s2, s17  }
0x8e: {  	[smem:$0x3FC2] =	sst s2  }
0x8f: {  	_ = 	snop  }
0x90: {  	s2 =	sld [smem:$0x3FD0];
	(tm) =	ssettm $0x1  }
0x91: {  	s18 =	sld [smem:$0x3FFB];
	_ =	sdelay $0x3  }
0x92: {  	_ =	strace s18  }
0x93: {  	s3 =	sld [smem:$0x3FFC];
	_ =	sdelay $0x3  }
0x94: {  	_ =	strace s3  }
0x95: {  	s3 =	sld [smem:$0x3FFD];
	_ =	sdelay $0x3  }
0x96: {  	_ =	strace s3  }
0x97: {  	_ =	strace $0x8FFFFFFF  }
0x98: {  	s19 =	sld [smem:$0x3FDB];
	_ =	sdelay $0x1  }
0x99: {  	s4 =	simm.s32 $_scs_section_size  }
0x9a: {  	s5 =	simm.s32 $_size__tile_overlayer_lowered;
	s6 =	simm.s32 $_tile_overlayer_lowered  }
0x9b: {  	s22 =	simm.s32 $0x1BFF;
	s21 =	sshll.u32 s6, $0x1;
	s3 =	sadd.s32 s4, s19  }
0x9c: {  	s7 =	simm.s32 $0x0;
	s20 =	sshll.u32 s5, $0x1;
	s5 =	sadd.s32 s21, s3  }
0x9d: {  	[timem:s7], [sflag:s22] =	dma.local [hbm:s5], s20  }
0x9e: {  	_ =	swait.ge [sflag:s22], s20  }
0x9f: {  	s4 =	ssub.s32 $0x0, s20;
	[sflag:s22] =	ssyncset.done $0x0  }
0xa0: {  	[sflag:s22] =	ssyncadd.s32 s4;
	_ =	sdelay $0x1  }
0xa1: {  	s23 =	simm.s32 $0x1B8B  }
0xa2: {  	_ =	swait.ge [sflag:s23], $0x1  }
0xa3: {  	[sflag:s23] =	ssyncset.done $0x0  }
0xa4: {  	s25 =	simm.s32 $0x1B8E;
	s24 =	sld [smem:$0x3FFE];
	[sflag:s23] =	ssyncadd.s32 $0xFFFFFFFF  }
0xa5: {  	s26 =	simm.s32 $execute0_lowered;
	[smem:$0x3FD2] =	sst s25  }
0xa6: {  	s5 =	sshll.u32 s26, $0x1;
	_ =	strace $0x80000049;
	[dreg:$0x1] =	wrdreg $0xFFFFFFFF  }
0xa7: {  	s28 =	simm.s32 $_size_execute0_lowered;
	s3 =	sadd.s32 s3, s5;
	[dreg:$0x0] =	wrdreg $0x0  }
0xa8: {  	s5 =	sshll.u32 s28, $0x1;
	[dreg:$0x2] =	wrdreg s3  }
0xa9: {  	[dreg:$0x3] =	wrdreg s5  }
0xaa: {  	[dreg:$0x4] =	wrdreg $0xC0  }
0xab: {  	_ =	task [dreg:s7], $0x5FFFF  }
0xac: {  	[dreg:$0x1] =	wrdreg $0xFFFFFFFF  }
0xad: {  	[dreg:$0x0] =	wrdreg $0x60  }
0xae: {  	[dreg:$0x2] =	wrdreg s2  }
0xaf: {  	[dreg:$0x3] =	wrdreg s24  }
0xb0: {  	[dreg:$0x4] =	wrdreg $0xBF800  }
0xb1: {  	[dreg:$0x5] =	wrdreg $0x9  }
0xb2: {  	_ =	task.clear_ibuf [dreg:s7], $0x6FFFF;
	_ =	strace $0x90000049  }
0xb3: {  	s29 =	simm.s32 $0x9;
	_ =	strace $0x8000004B  }
0xb4: {  	_ =	swait.ge [sflag:s29], $0x1  }
0xb5: {  	[sflag:s29] =	ssyncadd.s32 $0xFFFFFFFF  }
0xb6: {  	_ =	strace $0x9000004B  }
0xb7: {  	_ =	sfence  }
0xb8: {  	s30 =	sld [smem:$0x0];
	_ =	sdelay $0x2  }
0xb9: {  	s31 =	sshll.u32 s1, $0xD;
	s1 =	sshrl.u32 s1, $0x2  }
0xba: {  	s3 =	sand.u32 $0x4000, s31;
	s1 =	sadd.s32 s1, s30  }
0xbb: {  	s0 =	sor.u32 s3, s0;
	s1 =	sshll.u32 s1, $0x11  }
0xbc: {  	s0 =	sor.u32 s1, s0  }
0xbd: {  	s0 =	sadd.s32 $0x8F2B, s0  }
0xbe: {  	[sflag:s0] =	ssyncadd.remote.s32 $0x1  }
0xbf: {  	_ =	sfence.sel $0xFFFF  }
0xc0: {  	[dreg:$0x0] =	wrdreg $0xFFFFFFFF;
	(pc) =	sbr.abs _section_cstart, $3  }
0xc1: {  	[dreg:$0x1] =	wrdreg $0xFFFFFFFF  }
0xc2: {  	_ =	task.clear_ibuf [dreg:s7], $0x2FFFF;
	_ =	strace $0x9FFFFFFF  }
0xc3: {  	(tm) =	ssettm $0x7FFFFFFF  }
tec
execute0_lowered:
.L_overlay_start_1:
0x0: {  	(tag) =	ssettag $0x1  }
0x1: {  	s1 =	rddreg [dreg:$0x0]  }
0x2: {  	s0 =	srdreg.scid;
	s8 =	rddreg [dreg:$0x1]  }
0x3: {  	s15 =	stileid.u32;
	s3 =	rddreg [dreg:$0x2];
	s16 =	simm.s32 $0x2780  }
0x4: {  	s20 =	simm.s32 $0x50;
	s21 =	simm.s32 $0x4780;
	s28 =	simm.s32 $0x3  }
0x5: {  	s29 =	simm.s32 $0x4;
	s30 =	simm.s32 $0x5;
	s31 =	simm.s32 $0x6  }
0x6: {  	s0 =	sand.u32 $0x1, s0;
	s6 =	sshll.u32 s15, $0x7;
	s9 =	smul.u32 $0x13800, s15  }
0x7: {  	s10 =	smul.u32 $0x4E000, s15;
	s12 =	sadd.s32 $0x44200, s8;
	s19 =	sadd.s32 $0x138000, s3  }
0x8: {  	p0 =	sne.s32 s15, $0xF;
	s26 =	sshll.u32 s15, $0x6;
	s2 =	sshll.u32 s0, $0x4  }
0x9: {  	s6 =	sand.u32 $0x380, s6;
	s7 =	ssub.s32 $0x2, s0;
	s0 =	smul.u32 $0x138800, s0  }
0xa: {  	s17 =	sor.u32 $0x1C07, s26;
	s19 =	sshrl.u32 @!p0 s19, $0x3;
	s26 =	simm.s32 $0x2  }
0xb: {  	s2 =	sor.u32 s15, s2;
	s22 =	sshrl.u32 s9, $0x3;
	s23 =	sshrl.u32 s7, $0x1  }
0xc: {  	s24 =	sshrl.u32 s10, $0x2;
	s15 =	simm.s32 $0x7;
	s4 =	sshrl.u32 s2, $0x3  }
0xd: {  	s2 =	sshll.u32 s2, $0xB;
	s11 =	sadd.s32 s22, s8;
	s13 =	ssub.s32 s7, s23  }
0xe: {  	s14 =	sadd.s32 s24, s3;
	s9 =	sadd.s32 s9, s0;
	s0 =	sshrl.u32 s0, $0x3  }
0xf: {  	s22 =	simm.s32 $0x6F80;
	s24 =	simm.s32 $0x9780;
	s5 =	smul.u32 $0x13C00, s4  }
0x10: {  	s4 =	simm.s32 $0x0;
	s2 =	sadd.s32 s2, s8;
	s7 =	sadd.s32 $0x1CE00, s11  }
0x11: {  	s25 =	sshrl.u32 s9, $0x3;
	s0 =	sadd.s32 s12, s0;
	s18 =	sshrl.u32 s14, $0x3  }
0x12: {  	[smem:$0x7FF] =	sst s4;
	s9 =	sadd.s32 $0xD200, s2;
	s5 =	sor.u32 s6, s5  }
0x13: {  	s10 =	sadd.s32 s12, s25;
	s11 =	sadd.s32 $0x27000, s0;
	s5 =	sshrl.u32 s5, $0x3  }
0x14: {  	s12 =	smax.u32 s13, $0x1;
	s25 =	simm.s32 $0x1;
	s5 =	sadd.s32 s5, s8  }
0x15: {  	s13 =	simm.s32 $0x0;
	_ =	strace $0x8000004A;
	s5 =	sadd.s32 $0x3000, s5  }
0x16: {  	s6 =	sadd.s32 $0xCE00, s2;
	s8 =	sadd.s32 $0x43E00, s8;
	[dreg:$0x4] =	wrdreg s5  }
.LBB2_1:
0x17: {  	s0 =	rddreg [dreg:$0x4];
	s2 =	simm.s32 $0x80;
	s5 =	simm.s32 $0x400  }
0x18: {  	[tilespmem:s4], [sflag:$0x7] =	stream.strided.gather [hbm4b:s0+s2], $0x2780, s5, s2, $0x38;
	[tilespmem:$0x1F900] =	vst v63  }
0x19: {  	_ =	swait.ge [sflag:s15], $0x2780  }
0x1a: {  	[sflag:s15] =	ssyncset.done $0x0  }
0x1b: {  	[sflag:s15] =	ssyncadd.s32 $0xFFFFD880  }
0x1c: {  	[tilespmem:s16], [sflag:$0x7] =	stream.linear.gather [hbm4b:s6+s4], $0x1F80, $0x38;
	[tilespmem:$0x1F900] =	vst v63  }
0x1d: {  	_ =	swait.ge [sflag:s15], $0x1F80  }
0x1e: {  	[sflag:s15] =	ssyncset.done $0x0  }
0x1f: {  	[sflag:s15] =	ssyncadd.s32 $0xFFFFE080  }
0x20: {  	[spmem:s18], [sflag:s17] =	dma.local [hbm:s7], $0x2700  }
0x21: {  	_ =	swait.ge [sflag:s15], $0x2700  }
0x22: {  	[sflag:s15] =	ssyncset.done $0x0  }
0x23: {  	s2 =	simm.s32 @!p0 $0x7;
	[sflag:s15] =	ssyncadd.s32 $0xFFFFD900  }
0x24: {  	[spmem:s19], [sflag:s17] =	dma.local @!p0 [hbm:s8], $0x300  }
0x25: {  	_ =	swait.ge @!p0 [sflag:s2], $0x300  }
0x26: {  	[sflag:s2] =	ssyncset.done @!p0 $0x0  }
0x27: {  	[sflag:s2] =	ssyncadd.s32 @!p0 $0xFFFFFD00  }
0x28: {  	[bflag:$0x0] =	sbarrier.arrive $0xFFFF  }
0x29: {  	[tilespmem:s21], [sflag:$0x1] =	stream.indirect.gather [hbm4b:s1+s20], $0x80, s4, s20, $0xb8;
	[tilespmem:$0x1F900] =	vst v63  }
0x2a: {  	_ = 	snop  }
0x2b: {  	[tilespmem:s22], [sflag:$0x2] =	stream.indirect.gather [hbm4b:s1+s20], $0x80, s20, s20, $0xb8;
	[tilespmem:$0x1F900] =	vst v63  }
0x2c: {  	s14 =	simm.s32 $0xA0  }
0x2d: {  	[tilespmem:s24], [sflag:$0x3] =	stream.indirect.gather [hbm4b:s1+s20], $0x80, s14, s20, $0xb8;
	[tilespmem:$0x1F900] =	vst v63  }
0x2e: {  	_ =	swait.ge [sflag:s25], $0x2800  }
0x2f: {  	[sflag:s25] =	ssyncset.done $0x0  }
0x30: {  	s23 =	simm.s32 $0x2780;
	[sflag:s25] =	ssyncadd.s32 $0xFFFFD800  }
0x31: {  	[spmem:s3] =	stream.indirect.scatter.add.f32 [tilespmem:s21], [sflag:$0x4], $0x80, s23, s20, $0xb8;
	[tilespmem:$0x1F900] =	vst v63  }
0x32: {  	_ =	swait.ge [sflag:s26], $0x2800  }
0x33: {  	[sflag:s26] =	ssyncset.done $0x0  }
0x34: {  	s0 =	simm.s32 $0x2800;
	[sflag:s26] =	ssyncadd.s32 $0xFFFFD800  }
0x35: {  	[spmem:s3] =	stream.indirect.scatter.add.f32 [tilespmem:s22], [sflag:$0x5], $0x80, s0, s20, $0xb8;
	[tilespmem:$0x1F900] =	vst v63  }
0x36: {  	_ =	swait.ge [sflag:s28], $0x2800  }
0x37: {  	[sflag:s28] =	ssyncset.done $0x0  }
0x38: {  	s5 =	simm.s32 $0x2880;
	[sflag:s28] =	ssyncadd.s32 $0xFFFFD800  }
0x39: {  	[spmem:s3] =	stream.indirect.scatter.add.f32 [tilespmem:s24], [sflag:$0x6], $0x80, s5, s20, $0xb8;
	[tilespmem:$0x1F900] =	vst v63  }
0x3a: {  	_ =	swait.ge [sflag:s29], $0x2800  }
0x3b: {  	[sflag:s29] =	ssyncset.done $0x0  }
0x3c: {  	s14 =	simm.s32 $0xF0;
	[sflag:s29] =	ssyncadd.s32 $0xFFFFD800  }
0x3d: {  	[tilespmem:s21], [sflag:$0x1] =	stream.indirect.gather [hbm4b:s1+s20], $0x80, s14, s20, $0xb8;
	[tilespmem:$0x1F900] =	vst v63  }
0x3e: {  	_ =	swait.ge [sflag:s30], $0x2800  }
0x3f: {  	[sflag:s30] =	ssyncset.done $0x0  }
0x40: {  	s23 =	simm.s32 $0x140;
	[sflag:s30] =	ssyncadd.s32 $0xFFFFD800  }
0x41: {  	[tilespmem:s22], [sflag:$0x2] =	stream.indirect.gather [hbm4b:s1+s20], $0x80, s23, s20, $0xb8;
	[tilespmem:$0x1F900] =	vst v63  }
0x42: {  	_ =	swait.ge [sflag:s31], $0x2800  }
0x43: {  	s2 =	simm.s32 $0x280;
	[sflag:s31] =	ssyncset.done $0x0  }
0x44: {  	s14 =	simm.s32 $0x190;
	s23 =	simm.s32 $0x600;
	[sflag:s31] =	ssyncadd.s32 $0xFFFFD800  }
.LBB2_2:
0x45: {  	[tilespmem:s24], [sflag:$0x3] =	stream.indirect.gather [hbm4b:s1+s20], $0x80, s14, s20, $0xb8;
	[tilespmem:$0x1F900] =	vst v63  }
0x46: {  	s0 =	smov.u32 s23;
	s14 =	smov.u32 s2  }
0x47: {  	p1 =	sne.s32 s23, $0x7800;
	s23 =	sadd.s32 $0x600, s23;
	_ =	swait.ge [sflag:s25], $0x2800  }
0x48: {  	s0 =	sshra.s32 s0, $0x2;
	[sflag:s25] =	ssyncset.done $0x0  }
0x49: {  	s5 =	sadd.s32 $0x2780, s0;
	[sflag:s25] =	ssyncadd.s32 $0xFFFFD800  }
0x4a: {  	[spmem:s3] =	stream.indirect.scatter.add.f32 [tilespmem:s21], [sflag:$0x4], $0x80, s5, s20, $0xb8;
	[tilespmem:$0x1F900] =	vst v63  }
0x4b: {  	_ =	swait.ge [sflag:s26], $0x2800  }
0x4c: {  	[sflag:s26] =	ssyncset.done $0x0  }
0x4d: {  	s5 =	sadd.s32 $0x2800, s0;
	[sflag:s26] =	ssyncadd.s32 $0xFFFFD800  }
0x4e: {  	[spmem:s3] =	stream.indirect.scatter.add.f32 [tilespmem:s22], [sflag:$0x5], $0x80, s5, s20, $0xb8;
	[tilespmem:$0x1F900] =	vst v63  }
0x4f: {  	_ =	swait.ge [sflag:s28], $0x2800  }
0x50: {  	[sflag:s28] =	ssyncset.done $0x0  }
0x51: {  	s0 =	sadd.s32 $0x2880, s0;
	[sflag:s28] =	ssyncadd.s32 $0xFFFFD800  }
0x52: {  	[spmem:s3] =	stream.indirect.scatter.add.f32 [tilespmem:s24], [sflag:$0x6], $0x80, s0, s20, $0xb8;
	[tilespmem:$0x1F900] =	vst v63  }
0x53: {  	_ =	swait.ge [sflag:s29], $0x2800  }
0x54: {  	[sflag:s29] =	ssyncset.done $0x0  }
0x55: {  	s0 =	sadd.s32 $0xFFFFFF60, s2;
	[sflag:s29] =	ssyncadd.s32 $0xFFFFD800  }
0x56: {  	[tilespmem:s21], [sflag:$0x1] =	stream.indirect.gather [hbm4b:s1+s20], $0x80, s0, s20, $0xb8;
	[tilespmem:$0x1F900] =	vst v63  }
0x57: {  	_ =	swait.ge [sflag:s30], $0x2800  }
0x58: {  	[sflag:s30] =	ssyncset.done $0x0  }
.Ltmp0:
0x59: {  	s0 =	sadd.s32 $0xFFFFFFB0, s2;
	[sflag:s30] =	ssyncadd.s32 $0xFFFFD800;
	(pc) =	sbr.rel @p1 .LBB2_2-.Ltmp0, $4  }
0x5a: {  	[tilespmem:s22], [sflag:$0x2] =	stream.indirect.gather [hbm4b:s1+s20], $0x80, s0, s20, $0xb8;
	[tilespmem:$0x1F900] =	vst v63  }
0x5b: {  	_ =	swait.ge [sflag:s31], $0x2800  }
0x5c: {  	[sflag:s31] =	ssyncset.done $0x0  }
0x5d: {  	s2 =	sadd.s32 $0xF0, s2;
	[sflag:s31] =	ssyncadd.s32 $0xFFFFD800  }
0x5e: {  	[tilespmem:s24], [sflag:$0x3] =	stream.indirect.gather [hbm4b:s1+s20], $0x80, s14, s20, $0xb8;
	[tilespmem:$0x1F900] =	vst v63  }
0x5f: {  	s0 =	simm.s32 $0x0  }
0x60: {  	[tilespmem:s16], [sflag:$0x7] =	stream.linear.gather [hbm4b:s9+s0], $0x1F80, $0x38;
	[tilespmem:$0x1F900] =	vst v63  }
0x61: {  	_ =	swait.ge [sflag:s15], $0x1F80  }
0x62: {  	[sflag:s15] =	ssyncset.done $0x0  }
0x63: {  	[sflag:s15] =	ssyncadd.s32 $0xFFFFE080  }
0x64: {  	_ =	swait.ge [sflag:s25], $0x2800  }
0x65: {  	[sflag:s25] =	ssyncset.done $0x0  }
0x66: {  	s23 =	simm.s32 $0x2780;
	[sflag:s25] =	ssyncadd.s32 $0xFFFFD800  }
0x67: {  	[spmem:s3] =	stream.indirect.scatter.add.f32 [tilespmem:s21], [sflag:$0x4], $0x80, s23, s20, $0xb8;
	[tilespmem:$0x1F900] =	vst v63  }
0x68: {  	_ =	swait.ge [sflag:s26], $0x2800  }
0x69: {  	[sflag:s26] =	ssyncset.done $0x0  }
0x6a: {  	s2 =	simm.s32 $0x2800;
	[sflag:s26] =	ssyncadd.s32 $0xFFFFD800  }
0x6b: {  	[spmem:s3] =	stream.indirect.scatter.add.f32 [tilespmem:s22], [sflag:$0x5], $0x80, s2, s20, $0xb8;
	[tilespmem:$0x1F900] =	vst v63  }
0x6c: {  	_ =	swait.ge [sflag:s28], $0x2800  }
0x6d: {  	[sflag:s28] =	ssyncset.done $0x0  }
0x6e: {  	s5 =	simm.s32 $0x2880;
	[sflag:s28] =	ssyncadd.s32 $0xFFFFD800  }
0x6f: {  	[spmem:s3] =	stream.indirect.scatter.add.f32 [tilespmem:s24], [sflag:$0x6], $0x80, s5, s20, $0xb8;
	[tilespmem:$0x1F900] =	vst v63  }
0x70: {  	_ =	swait.ge [sflag:s29], $0x2800  }
0x71: {  	[sflag:s29] =	ssyncset.done $0x0  }
0x72: {  	s14 =	simm.s32 $0x14A0;
	[sflag:s29] =	ssyncadd.s32 $0xFFFFD800  }
0x73: {  	[tilespmem:s21], [sflag:$0x1] =	stream.indirect.gather [hbm4b:s1+s20], $0x80, s14, s20, $0xb8;
	[tilespmem:$0x1F900] =	vst v63  }
0x74: {  	_ =	swait.ge [sflag:s30], $0x2800  }
0x75: {  	[sflag:s30] =	ssyncset.done $0x0  }
0x76: {  	s23 =	simm.s32 $0x14F0;
	[sflag:s30] =	ssyncadd.s32 $0xFFFFD800  }
0x77: {  	[tilespmem:s22], [sflag:$0x2] =	stream.indirect.gather [hbm4b:s1+s20], $0x80, s23, s20, $0xb8;
	[tilespmem:$0x1F900] =	vst v63  }
0x78: {  	_ =	swait.ge [sflag:s31], $0x2800  }
0x79: {  	s2 =	simm.s32 $0x1630;
	[sflag:s31] =	ssyncset.done $0x0  }
0x7a: {  	s14 =	simm.s32 $0x1540;
	s23 =	simm.s32 $0x600;
	[sflag:s31] =	ssyncadd.s32 $0xFFFFD800  }
.LBB2_4:
0x7b: {  	[tilespmem:s24], [sflag:$0x3] =	stream.indirect.gather [hbm4b:s1+s20], $0x80, s14, s20, $0xb8;
	[tilespmem:$0x1F900] =	vst v63  }
0x7c: {  	s0 =	smov.u32 s23;
	s14 =	smov.u32 s2  }
0x7d: {  	p1 =	sne.s32 s23, $0x6C00;
	s23 =	sadd.s32 $0x600, s23;
	_ =	swait.ge [sflag:s25], $0x2800  }
0x7e: {  	s0 =	sshra.s32 s0, $0x2;
	[sflag:s25] =	ssyncset.done $0x0  }
0x7f: {  	s5 =	sadd.s32 $0x2780, s0;
	[sflag:s25] =	ssyncadd.s32 $0xFFFFD800  }
0x80: {  	[spmem:s3] =	stream.indirect.scatter.add.f32 [tilespmem:s21], [sflag:$0x4], $0x80, s5, s20, $0xb8;
	[tilespmem:$0x1F900] =	vst v63  }
0x81: {  	_ =	swait.ge [sflag:s26], $0x2800  }
0x82: {  	[sflag:s26] =	ssyncset.done $0x0  }
0x83: {  	s5 =	sadd.s32 $0x2800, s0;
	[sflag:s26] =	ssyncadd.s32 $0xFFFFD800  }
0x84: {  	[spmem:s3] =	stream.indirect.scatter.add.f32 [tilespmem:s22], [sflag:$0x5], $0x80, s5, s20, $0xb8;
	[tilespmem:$0x1F900] =	vst v63  }
0x85: {  	_ =	swait.ge [sflag:s28], $0x2800  }
0x86: {  	[sflag:s28] =	ssyncset.done $0x0  }
0x87: {  	s0 =	sadd.s32 $0x2880, s0;
	[sflag:s28] =	ssyncadd.s32 $0xFFFFD800  }
0x88: {  	[spmem:s3] =	stream.indirect.scatter.add.f32 [tilespmem:s24], [sflag:$0x6], $0x80, s0, s20, $0xb8;
	[tilespmem:$0x1F900] =	vst v63  }
0x89: {  	_ =	swait.ge [sflag:s29], $0x2800  }
0x8a: {  	[sflag:s29] =	ssyncset.done $0x0  }
0x8b: {  	s0 =	sadd.s32 $0xFFFFFF60, s2;
	[sflag:s29] =	ssyncadd.s32 $0xFFFFD800  }
0x8c: {  	[tilespmem:s21], [sflag:$0x1] =	stream.indirect.gather [hbm4b:s1+s20], $0x80, s0, s20, $0xb8;
	[tilespmem:$0x1F900] =	vst v63  }
0x8d: {  	_ =	swait.ge [sflag:s30], $0x2800  }
0x8e: {  	[sflag:s30] =	ssyncset.done $0x0  }
.Ltmp1:
0x8f: {  	s0 =	sadd.s32 $0xFFFFFFB0, s2;
	[sflag:s30] =	ssyncadd.s32 $0xFFFFD800;
	(pc) =	sbr.rel @p1 .LBB2_4-.Ltmp1, $4  }
0x90: {  	[tilespmem:s22], [sflag:$0x2] =	stream.indirect.gather [hbm4b:s1+s20], $0x80, s0, s20, $0xb8;
	[tilespmem:$0x1F900] =	vst v63  }
0x91: {  	_ =	swait.ge [sflag:s31], $0x2800  }
0x92: {  	[sflag:s31] =	ssyncset.done $0x0  }
0x93: {  	s2 =	sadd.s32 $0xF0, s2;
	[sflag:s31] =	ssyncadd.s32 $0xFFFFD800  }
0x94: {  	[tilespmem:s24], [sflag:$0x3] =	stream.indirect.gather [hbm4b:s1+s20], $0x80, s14, s20, $0xb8;
	[tilespmem:$0x1F900] =	vst v63  }
0x95: {  	_ =	swait.ge [sflag:s25], $0x2800  }
0x96: {  	[sflag:s25] =	ssyncset.done $0x0  }
0x97: {  	s0 =	simm.s32 $0x4400;
	[sflag:s25] =	ssyncadd.s32 $0xFFFFD800  }
0x98: {  	[spmem:s3] =	stream.indirect.scatter.add.f32 [tilespmem:s21], [sflag:$0x4], $0x80, s0, s20, $0xb8;
	[tilespmem:$0x1F900] =	vst v63  }
0x99: {  	_ =	swait.ge [sflag:s26], $0x2800  }
0x9a: {  	[sflag:s26] =	ssyncset.done $0x0  }
0x9b: {  	s14 =	simm.s32 $0x4480;
	[sflag:s26] =	ssyncadd.s32 $0xFFFFD800  }
0x9c: {  	[spmem:s3] =	stream.indirect.scatter.add.f32 [tilespmem:s22], [sflag:$0x5], $0x80, s14, s20, $0xb8;
	[tilespmem:$0x1F900] =	vst v63  }
0x9d: {  	_ =	swait.ge [sflag:s28], $0x2800  }
0x9e: {  	[sflag:s28] =	ssyncset.done $0x0  }
0x9f: {  	s23 =	simm.s32 $0x4500;
	[sflag:s28] =	ssyncadd.s32 $0xFFFFD800  }
0xa0: {  	[spmem:s3] =	stream.indirect.scatter.add.f32 [tilespmem:s24], [sflag:$0x6], $0x80, s23, s20, $0xb8;
	[tilespmem:$0x1F900] =	vst v63  }
0xa1: {  	_ =	swait.ge [sflag:s29], $0x2800  }
0xa2: {  	[sflag:s29] =	ssyncset.done $0x0  }
0xa3: {  	s2 =	simm.s32 $0x2670;
	[sflag:s29] =	ssyncadd.s32 $0xFFFFD800  }
0xa4: {  	[tilespmem:s21], [sflag:$0x1] =	stream.indirect.gather [hbm4b:s1+s20], $0x80, s2, s20, $0xb8;
	[tilespmem:$0x1F900] =	vst v63  }
0xa5: {  	_ =	swait.ge [sflag:s30], $0x2800  }
0xa6: {  	[sflag:s30] =	ssyncset.done $0x0  }
0xa7: {  	s5 =	simm.s32 $0x26C0;
	[sflag:s30] =	ssyncadd.s32 $0xFFFFD800  }
0xa8: {  	[tilespmem:s22], [sflag:$0x2] =	stream.indirect.gather [hbm4b:s1+s20], $0x80, s5, s20, $0xb8;
	[tilespmem:$0x1F900] =	vst v63  }
0xa9: {  	_ =	swait.ge [sflag:s31], $0x2800  }
0xaa: {  	[sflag:s31] =	ssyncset.done $0x0  }
0xab: {  	[sflag:s31] =	ssyncadd.s32 $0xFFFFD800  }
0xac: {  	_ =	swait.ge [sflag:s25], $0x2800  }
0xad: {  	[sflag:s25] =	ssyncset.done $0x0  }
0xae: {  	s14 =	simm.s32 $0x4580;
	[sflag:s25] =	ssyncadd.s32 $0xFFFFD800  }
0xaf: {  	[spmem:s3] =	stream.indirect.scatter.add.f32 [tilespmem:s21], [sflag:$0x7], $0x80, s14, s20, $0xb8;
	[tilespmem:$0x1F900] =	vst v63  }
0xb0: {  	_ =	swait.ge [sflag:s15], $0x2800  }
0xb1: {  	[sflag:s15] =	ssyncset.done $0x0  }
0xb2: {  	[sflag:s15] =	ssyncadd.s32 $0xFFFFD800  }
0xb3: {  	_ =	swait.ge [sflag:s26], $0x2800  }
0xb4: {  	[sflag:s26] =	ssyncset.done $0x0  }
0xb5: {  	s23 =	simm.s32 $0x4600;
	[sflag:s26] =	ssyncadd.s32 $0xFFFFD800  }
0xb6: {  	[spmem:s3] =	stream.indirect.scatter.add.f32 [tilespmem:s22], [sflag:$0x7], $0x80, s23, s20, $0xb8;
	[tilespmem:$0x1F900] =	vst v63  }
0xb7: {  	_ =	swait.ge [sflag:s15], $0x2800  }
0xb8: {  	[sflag:s15] =	ssyncset.done $0x0  }
0xb9: {  	[sflag:s15] =	ssyncadd.s32 $0xFFFFD800  }
0xba: {  	[bflag:$0x0] =	sbarrier.arrive $0xFFFF  }
0xbb: {  	[hbm:s10], [sflag:s17] =	dma.local [spmem:s18], $0x2700  }
0xbc: {  	s13 =	sadd.s32 $0x1, s13;
	_ =	swait.ge [sflag:s15], $0x2700  }
0xbd: {  	p1 =	sne.s32 s13, s12;
	[sflag:s15] =	ssyncset.done $0x0  }
.Ltmp2:
0xbe: {  	s0 =	simm.s32 @!p0 $0x7;
	[sflag:s15] =	ssyncadd.s32 $0xFFFFD900;
	(pc) =	sbr.rel @p1 .LBB2_1-.Ltmp2, $4  }
0xbf: {  	[hbm:s11], [sflag:s17] =	dma.local @!p0 [spmem:s19], $0x100  }
0xc0: {  	_ =	swait.ge @!p0 [sflag:s0], $0x100  }
0xc1: {  	[sflag:s0] =	ssyncset.done @!p0 $0x0  }
0xc2: {  	[sflag:s0] =	ssyncadd.s32 @!p0 $0xFFFFFF00  }
0xc3: {  	_ =	sfence.sel $0x180000  }
0xc4: {  	[bflag:$0x0] =	sbarrier.arrive $0xFFFF  }
0xc5: {  	_ =	strace $0x9000004A  }
0xc6: {  	s0 =	stileid.u32;
	[bflag:$0x2] =	sbarrier.arrive $0xFFFF  }
0xc7: {  	p0 =	sne.s32 s0, $0x0;
	s0 =	rddreg [dreg:$0x3]  }
0xc8: {  	s0 =	sadd.s32 @!p0 $0x100000, s0  }
0xc9: {  	[sflag:s0] =	ssyncadd.tile.s32 @!p0 $0x1;
	_ =	shalt  }
.Lfunc_end2:
_tile_overlayer_lowered:
.L_overlay_start_2:
0xca: {  	(tag) =	ssettag $0x2  }
0xcb: {  	s0 =	rddreg [dreg:$0x0];
	s2 =	stileid.u32  }
0xcc: {  	s1 =	rddreg [dreg:$0x1];
	p0 =	sne.s32 s2, $0x0  }
0xcd: {  	s3 =	rddreg [dreg:$0x2];
	[bflag:$0x3] =	sbarrier.arrive $0xFFFF;
	s2 =	simm.s32 @!p0 $0x1C07  }
0xce: {  	[timem:s3], [sflag:s2] =	dma.local @!p0 [hbm:s0], s1  }
0xcf: {  	s0 =	simm.s32 @!p0 $0x7  }
0xd0: {  	_ =	swait.ge @!p0 [sflag:s0], s1  }
0xd1: {  	s1 =	ssub.s32 @!p0 $0x0, s1;
	[sflag:s0] =	ssyncset.done @!p0 $0x0  }
0xd2: {  	[sflag:s0] =	ssyncadd.s32 @!p0 s1  }
0xd3: {  	[bflag:$0x3] =	sbarrier.arrive $0xFFFF  }
0xd4: {  	_ =	shalt  }

// kernel: kernel.14.cloned.1.call-start
scs
__scs_entry_jumppad:
0x0: {  	(pc) =	sbr.rel $0x88, $3  }
0x1: {  	(tag) =	ssettag $0x0;
	lr =	simm.s32 $0x1  }
0x2: {  	[smem:$0x3F9B] =	sst lr;
	_ =	strace $0xD0000000  }
0x3: {  	_ = 	snop  }
0x4: {  	_ = 	snop  }
0x5: {  	_ = 	snop  }
0x6: {  	_ = 	snop  }
0x7: {  	_ = 	snop  }
__scs_overlays_trampoline_lowered:
0x8: {  	[smem:$0x3FAA] =	sst s0  }
0x9: {  	[smem:$0x3FAB] =	sst s1  }
0xa: {  	[smem:$0x3FAC] =	sst s2  }
0xb: {  	[smem:$0x3FAD] =	sst s3  }
0xc: {  	[smem:$0x3FAE] =	sst s4  }
0xd: {  	[smem:$0x3FAF] =	sst s5  }
0xe: {  	[smem:$0x3FB0] =	sst s6  }
0xf: {  	[smem:$0x3FB1] =	sst s7  }
0x10: {  	[smem:$0x3FB2] =	sst s8  }
0x11: {  	[smem:$0x3FB3] =	sst s9;
	s0 =	simm.s32 @!p0 $0x0  }
0x12: {  	s1 =	sld [smem:$0x3F99];
	s0 =	simm.s32 @p0 $0x1  }
0x13: {  	[smem:$0x3FB4] =	sst s0;
	s0 =	simm.s32 @!p1 $0x0  }
0x14: {  	s2 =	sld [smem:$0x3F98];
	s0 =	simm.s32 @p1 $0x1  }
0x15: {  	[smem:$0x3FB5] =	sst s0;
	s0 =	simm.s32 @!p2 $0x0  }
0x16: {  	s3 =	sld [smem:$0x3FDB];
	s0 =	simm.s32 @p2 $0x1  }
0x17: {  	s4 =	simm.s32 $0x1BF5;
	[smem:$0x3FB7] =	sst s0  }
0x18: {  	s0 =	sld [smem:$0x3F9A];
	_ =	swait.ge [sflag:s4], $0x0  }
0x19: {  	s7 =	sld [smem:$0x3F9B]  }
0x1a: {  	s8 =	sadd.s32 $0xFFFFE003, lr  }
0x1b: {  	s9 =	sadd.s32 $0xFFFFFEF7, lr;
	s5 =	simm.s32 $0xFFFFFFFF;
	p2 =	slt.u32 s8, $0xFFFFF086  }
0x1c: {  	p1 =	slt.u32 s9, $0xF7A;
	s5 =	simm.s32 @!p2 $0x0  }
0x1d: {  	s5 =	simm.s32 @p1 $0x1;
	p0 =	seq.s32 s7, s2  }
0x1e: {  	s7 =	smul.u32 @!p0 $0xF7A, s2;
	p2 =	seq.s32 @!p0 s5, $0x0  }
0x1f: {  	s9 =	smul.u32 $0xF7A, s1;
	s8 =	simm.s32 @!p0 $0x1BF5;
	p2 =	por !p2, p0  }
0x20: {  	[sflag:s8] =	ssyncset.s32 @!p0 $0xFFFFF086;
	s6 =	sadd.s32 @!p0 s3, s7;
	s7 =	simm.s32 @!p0 $0x108  }
0x21: {  	s3 =	sadd.s32 s3, s9;
	s6 =	sadd.s32 @!p0 $0x88, s6;
	s7 =	simm.s32 @p2 $0x1082  }
0x22: {  	[simem:s7], [sflag:s8] =	dma.local @!p0 [hbm:s6], $0xF7A  }
0x23: {  	s9 =	sor.u32 $0xD0000000, s2;
	s6 =	simm.s32 $0x108;
	_ =	swait.ge @!p0 [sflag:s8], $0x0  }
0x24: {  	s3 =	sadd.s32 $0x88, s3;
	s6 =	simm.s32 @!p1 $0x1082;
	[sflag:s4] =	ssyncset.s32 $0xFFFFF086  }
0x25: {  	[simem:s6], [sflag:s4] =	dma.local [hbm:s3], $0xF7A  }
0x26: {  	[smem:$0x3F9B] =	sst s1;
	(tag) =	ssettag s2;
	_ =	strace s9  }
0x27: {  	s1 =	sld [smem:$0x3FAB]  }
0x28: {  	s2 =	sld [smem:$0x3FAC]  }
0x29: {  	s4 =	sld [smem:$0x3FAE]  }
0x2a: {  	p0 =	seq.s32 s5, $0x0;
	s5 =	sld [smem:$0x3FAF]  }
0x2b: {  	s6 =	sld [smem:$0x3FB0]  }
0x2c: {  	s7 =	sld [smem:$0x3FB1]  }
0x2d: {  	s3 =	simm.s32 $0x108;
	s8 =	sld [smem:$0x3FB2]  }
0x2e: {  	s3 =	simm.s32 @!p0 $0x1082;
	s9 =	sld [smem:$0x3FB3]  }
0x2f: {  	lr =	sadd.s32 s0, s3;
	s0 =	sld [smem:$0x3FAA]  }
0x30: {  	s3 =	sld [smem:$0x3FAD]  }
0x31: {  	[smem:$0x3FB6] =	sst s10  }
0x32: {  	s10 =	sld [smem:$0x3FB4];
	_ =	sdelay $0x3  }
0x33: {  	p0 =	seq.s32 s10, $0x1;
	s10 =	sld [smem:$0x3FB6];
	_ =	sdelay $0x3  }
0x34: {  	[smem:$0x3FB6] =	sst s10  }
0x35: {  	s10 =	sld [smem:$0x3FB5];
	_ =	sdelay $0x3  }
0x36: {  	p1 =	seq.s32 s10, $0x1;
	s10 =	sld [smem:$0x3FB6];
	_ =	sdelay $0x3  }
0x37: {  	[smem:$0x3FB6] =	sst s10  }
0x38: {  	s10 =	sld [smem:$0x3FB7]  }
0x39: {  	_ = 	snop;
	(pc) =	sbr.ind lr, $3  }
0x3a: {  	_ = 	snop  }
0x3b: {  	_ = 	snop  }
0x3c: {  	p2 =	seq.s32 s10, $0x1;
	s10 =	sld [smem:$0x3FB6]  }
0x3d: {  	_ =	shalt  }
0x3e: {  	_ =	shalt  }
0x3f: {  	_ =	shalt  }
0x40: {  	_ =	shalt  }
0x41: {  	_ =	shalt  }
0x42: {  	_ =	shalt  }
0x43: {  	_ =	shalt  }
0x44: {  	_ =	shalt  }
0x45: {  	_ =	shalt  }
0x46: {  	_ =	shalt  }
0x47: {  	_ =	shalt  }
0x48: {  	_ =	shalt  }
0x49: {  	_ =	shalt  }
0x4a: {  	_ =	shalt  }
0x4b: {  	_ =	shalt  }
0x4c: {  	_ =	shalt  }
0x4d: {  	_ =	shalt  }
0x4e: {  	_ =	shalt  }
0x4f: {  	_ =	shalt  }
0x50: {  	_ =	shalt  }
0x51: {  	_ =	shalt  }
0x52: {  	_ =	shalt  }
0x53: {  	_ =	shalt  }
0x54: {  	_ =	shalt  }
0x55: {  	_ =	shalt  }
0x56: {  	_ =	shalt  }
0x57: {  	_ =	shalt  }
0x58: {  	_ =	shalt  }
0x59: {  	_ =	shalt  }
0x5a: {  	_ =	shalt  }
0x5b: {  	_ =	shalt  }
0x5c: {  	_ =	shalt  }
0x5d: {  	_ =	shalt  }
0x5e: {  	_ =	shalt  }
0x5f: {  	_ =	shalt  }
0x60: {  	_ =	shalt  }
0x61: {  	_ =	shalt  }
0x62: {  	_ =	shalt  }
0x63: {  	_ =	shalt  }
0x64: {  	_ =	shalt  }
0x65: {  	_ =	shalt  }
0x66: {  	_ =	shalt  }
0x67: {  	_ =	shalt  }
0x68: {  	_ =	shalt  }
0x69: {  	_ =	shalt  }
0x6a: {  	_ =	shalt  }
0x6b: {  	_ =	shalt  }
0x6c: {  	_ =	shalt  }
0x6d: {  	_ =	shalt  }
0x6e: {  	_ =	shalt  }
0x6f: {  	_ =	shalt  }
0x70: {  	_ =	shalt  }
0x71: {  	_ =	shalt  }
0x72: {  	_ =	shalt  }
0x73: {  	_ =	shalt  }
0x74: {  	_ =	shalt  }
0x75: {  	_ =	shalt  }
0x76: {  	_ =	shalt  }
0x77: {  	_ =	shalt  }
0x78: {  	_ =	shalt  }
0x79: {  	_ =	shalt  }
0x7a: {  	_ =	shalt  }
0x7b: {  	_ =	shalt  }
0x7c: {  	_ =	shalt  }
0x7d: {  	_ =	shalt  }
0x7e: {  	_ =	shalt  }
0x7f: {  	_ =	shalt  }
0x80: {  	_ =	shalt  }
0x81: {  	_ =	shalt  }
0x82: {  	_ =	shalt  }
0x83: {  	_ =	shalt  }
0x84: {  	_ =	shalt  }
0x85: {  	_ =	shalt  }
0x86: {  	_ =	shalt  }
0x87: {  	_ =	shalt  }
.Lfunc_end0:
.L_simem_size_0:
called_computation.2_lowered:
.L_overlay_start_0:
0x88: {  	s2 =	sld [smem:$0x3FD9]  }
0x89: {  	s3 =	sld [smem:$0x3FFE];
	_ =	sdelay $0x1  }
0x8a: {  	s1 =	srdreg.scid  }
0x8b: {  	s0 =	sand.u32 $0x1, s1  }
0x8c: {  	s17 =	sshll.u32 s0, $0xA;
	s2 =	sadd.s32 s3, s2  }
0x8d: {  	s2 =	sadd.s32 s2, s17  }
0x8e: {  	[smem:$0x3FC2] =	sst s2  }
0x8f: {  	_ = 	snop  }
0x90: {  	s2 =	sld [smem:$0x3FD0];
	(tm) =	ssettm $0x1  }
0x91: {  	s18 =	sld [smem:$0x3FFB];
	_ =	sdelay $0x3  }
0x92: {  	_ =	strace s18  }
0x93: {  	s3 =	sld [smem:$0x3FFC];
	_ =	sdelay $0x3  }
0x94: {  	_ =	strace s3  }
0x95: {  	s3 =	sld [smem:$0x3FFD];
	_ =	sdelay $0x3  }
0x96: {  	_ =	strace s3  }
0x97: {  	_ =	strace $0x8FFFFFFF  }
0x98: {  	s19 =	sld [smem:$0x3FDB];
	_ =	sdelay $0x1  }
0x99: {  	s4 =	simm.s32 $_scs_section_size  }
0x9a: {  	s5 =	simm.s32 $_size__tile_overlayer_lowered;
	s6 =	simm.s32 $_tile_overlayer_lowered  }
0x9b: {  	s22 =	simm.s32 $0x1BFF;
	s21 =	sshll.u32 s6, $0x1;
	s3 =	sadd.s32 s4, s19  }
0x9c: {  	s7 =	simm.s32 $0x0;
	s20 =	sshll.u32 s5, $0x1;
	s5 =	sadd.s32 s21, s3  }
0x9d: {  	[timem:s7], [sflag:s22] =	dma.local [hbm:s5], s20  }
0x9e: {  	_ =	swait.ge [sflag:s22], s20  }
0x9f: {  	s4 =	ssub.s32 $0x0, s20;
	[sflag:s22] =	ssyncset.done $0x0  }
0xa0: {  	[sflag:s22] =	ssyncadd.s32 s4;
	_ =	sdelay $0x1  }
0xa1: {  	s23 =	simm.s32 $0x1B8B  }
0xa2: {  	_ =	swait.ge [sflag:s23], $0x1  }
0xa3: {  	[sflag:s23] =	ssyncset.done $0x0  }
0xa4: {  	s25 =	simm.s32 $0x1B8E;
	s24 =	sld [smem:$0x3FFE];
	[sflag:s23] =	ssyncadd.s32 $0xFFFFFFFF  }
0xa5: {  	s26 =	simm.s32 $execute0_lowered;
	[smem:$0x3FD2] =	sst s25  }
0xa6: {  	s5 =	sshll.u32 s26, $0x1;
	_ =	strace $0x8000004C;
	[dreg:$0x1] =	wrdreg $0xFFFFFFFF  }
0xa7: {  	s28 =	simm.s32 $_size_execute0_lowered;
	s3 =	sadd.s32 s3, s5;
	[dreg:$0x0] =	wrdreg $0x0  }
0xa8: {  	s5 =	sshll.u32 s28, $0x1;
	[dreg:$0x2] =	wrdreg s3  }
0xa9: {  	[dreg:$0x3] =	wrdreg s5  }
0xaa: {  	[dreg:$0x4] =	wrdreg $0xC0  }
0xab: {  	_ =	task [dreg:s7], $0x5FFFF  }
0xac: {  	[dreg:$0x1] =	wrdreg $0xFFFFFFFF  }
0xad: {  	[dreg:$0x0] =	wrdreg $0x60  }
0xae: {  	[dreg:$0x2] =	wrdreg s2  }
0xaf: {  	[dreg:$0x3] =	wrdreg s24  }
0xb0: {  	[dreg:$0x4] =	wrdreg $0xBF800  }
0xb1: {  	[dreg:$0x5] =	wrdreg $0x9  }
0xb2: {  	_ =	task.clear_ibuf [dreg:s7], $0x6FFFF;
	_ =	strace $0x9000004C  }
0xb3: {  	s29 =	simm.s32 $0x9;
	_ =	strace $0x8000004E  }
0xb4: {  	_ =	swait.ge [sflag:s29], $0x1  }
0xb5: {  	[sflag:s29] =	ssyncadd.s32 $0xFFFFFFFF  }
0xb6: {  	_ =	strace $0x9000004E  }
0xb7: {  	_ =	sfence  }
0xb8: {  	s30 =	sld [smem:$0x0];
	_ =	sdelay $0x2  }
0xb9: {  	s31 =	sshll.u32 s1, $0xD;
	s1 =	sshrl.u32 s1, $0x2  }
0xba: {  	s3 =	sand.u32 $0x4000, s31;
	s1 =	sadd.s32 s1, s30  }
0xbb: {  	s0 =	sor.u32 s3, s0;
	s1 =	sshll.u32 s1, $0x11  }
0xbc: {  	s0 =	sor.u32 s1, s0  }
0xbd: {  	s0 =	sadd.s32 $0x8F2B, s0  }
0xbe: {  	[sflag:s0] =	ssyncadd.remote.s32 $0x1  }
0xbf: {  	_ =	sfence.sel $0xFFFF  }
0xc0: {  	[dreg:$0x0] =	wrdreg $0xFFFFFFFF;
	(pc) =	sbr.abs _section_cstart, $3  }
0xc1: {  	[dreg:$0x1] =	wrdreg $0xFFFFFFFF  }
0xc2: {  	_ =	task.clear_ibuf [dreg:s7], $0x2FFFF;
	_ =	strace $0x9FFFFFFF  }
0xc3: {  	(tm) =	ssettm $0x7FFFFFFF  }
tec
execute0_lowered:
.L_overlay_start_1:
0x0: {  	(tag) =	ssettag $0x1  }
0x1: {  	s1 =	rddreg [dreg:$0x0]  }
0x2: {  	s0 =	srdreg.scid;
	s8 =	rddreg [dreg:$0x1]  }
0x3: {  	s15 =	stileid.u32;
	s3 =	rddreg [dreg:$0x2];
	s16 =	simm.s32 $0x2780  }
0x4: {  	s20 =	simm.s32 $0x50;
	s21 =	simm.s32 $0x4780;
	s28 =	simm.s32 $0x3  }
0x5: {  	s29 =	simm.s32 $0x4;
	s30 =	simm.s32 $0x5;
	s31 =	simm.s32 $0x6  }
0x6: {  	s0 =	sand.u32 $0x1, s0;
	s6 =	sshll.u32 s15, $0x7;
	s9 =	smul.u32 $0x13800, s15  }
0x7: {  	s10 =	smul.u32 $0x4E000, s15;
	s12 =	sadd.s32 $0x44200, s8;
	s19 =	sadd.s32 $0x138000, s3  }
0x8: {  	p0 =	sne.s32 s15, $0xF;
	s26 =	sshll.u32 s15, $0x6;
	s2 =	sshll.u32 s0, $0x4  }
0x9: {  	s6 =	sand.u32 $0x380, s6;
	s7 =	ssub.s32 $0x2, s0;
	s0 =	smul.u32 $0x138800, s0  }
0xa: {  	s17 =	sor.u32 $0x1C07, s26;
	s19 =	sshrl.u32 @!p0 s19, $0x3;
	s26 =	simm.s32 $0x2  }
0xb: {  	s2 =	sor.u32 s15, s2;
	s22 =	sshrl.u32 s9, $0x3;
	s23 =	sshrl.u32 s7, $0x1  }
0xc: {  	s24 =	sshrl.u32 s10, $0x2;
	s15 =	simm.s32 $0x7;
	s4 =	sshrl.u32 s2, $0x3  }
0xd: {  	s2 =	sshll.u32 s2, $0xB;
	s11 =	sadd.s32 s22, s8;
	s13 =	ssub.s32 s7, s23  }
0xe: {  	s14 =	sadd.s32 s24, s3;
	s9 =	sadd.s32 s9, s0;
	s0 =	sshrl.u32 s0, $0x3  }
0xf: {  	s22 =	simm.s32 $0x6F80;
	s24 =	simm.s32 $0x9780;
	s5 =	smul.u32 $0x13C00, s4  }
0x10: {  	s4 =	simm.s32 $0x0;
	s2 =	sadd.s32 s2, s8;
	s7 =	sadd.s32 $0x1CE00, s11  }
0x11: {  	s25 =	sshrl.u32 s9, $0x3;
	s0 =	sadd.s32 s12, s0;
	s18 =	sshrl.u32 s14, $0x3  }
0x12: {  	[smem:$0x7FF] =	sst s4;
	s9 =	sadd.s32 $0xD200, s2;
	s5 =	sor.u32 s6, s5  }
0x13: {  	s10 =	sadd.s32 s12, s25;
	s11 =	sadd.s32 $0x27000, s0;
	s5 =	sshrl.u32 s5, $0x3  }
0x14: {  	s12 =	smax.u32 s13, $0x1;
	s25 =	simm.s32 $0x1;
	s5 =	sadd.s32 s5, s8  }
0x15: {  	s13 =	simm.s32 $0x0;
	_ =	strace $0x8000004D;
	s5 =	sadd.s32 $0x3000, s5  }
0x16: {  	s6 =	sadd.s32 $0xCE00, s2;
	s8 =	sadd.s32 $0x43E00, s8;
	[dreg:$0x4] =	wrdreg s5  }
.LBB2_1:
0x17: {  	s0 =	rddreg [dreg:$0x4];
	s2 =	simm.s32 $0x80;
	s5 =	simm.s32 $0x400  }
0x18: {  	[tilespmem:s4], [sflag:$0x7] =	stream.strided.gather [hbm4b:s0+s2], $0x2780, s5, s2, $0x38;
	[tilespmem:$0x1F900] =	vst v63  }
0x19: {  	_ =	swait.ge [sflag:s15], $0x2780  }
0x1a: {  	[sflag:s15] =	ssyncset.done $0x0  }
0x1b: {  	[sflag:s15] =	ssyncadd.s32 $0xFFFFD880  }
0x1c: {  	[tilespmem:s16], [sflag:$0x7] =	stream.linear.gather [hbm4b:s6+s4], $0x1F80, $0x38;
	[tilespmem:$0x1F900] =	vst v63  }
0x1d: {  	_ =	swait.ge [sflag:s15], $0x1F80  }
0x1e: {  	[sflag:s15] =	ssyncset.done $0x0  }
0x1f: {  	[sflag:s15] =	ssyncadd.s32 $0xFFFFE080  }
0x20: {  	[spmem:s18], [sflag:s17] =	dma.local [hbm:s7], $0x2700  }
0x21: {  	_ =	swait.ge [sflag:s15], $0x2700  }
0x22: {  	[sflag:s15] =	ssyncset.done $0x0  }
0x23: {  	s2 =	simm.s32 @!p0 $0x7;
	[sflag:s15] =	ssyncadd.s32 $0xFFFFD900  }
0x24: {  	[spmem:s19], [sflag:s17] =	dma.local @!p0 [hbm:s8], $0x300  }
0x25: {  	_ =	swait.ge @!p0 [sflag:s2], $0x300  }
0x26: {  	[sflag:s2] =	ssyncset.done @!p0 $0x0  }
0x27: {  	[sflag:s2] =	ssyncadd.s32 @!p0 $0xFFFFFD00  }
0x28: {  	[bflag:$0x0] =	sbarrier.arrive $0xFFFF  }
0x29: {  	[tilespmem:s21], [sflag:$0x1] =	stream.indirect.gather [hbm4b:s1+s20], $0x80, s4, s20, $0xb8;
	[tilespmem:$0x1F900] =	vst v63  }
0x2a: {  	_ = 	snop  }
0x2b: {  	[tilespmem:s22], [sflag:$0x2] =	stream.indirect.gather [hbm4b:s1+s20], $0x80, s20, s20, $0xb8;
	[tilespmem:$0x1F900] =	vst v63  }
0x2c: {  	s14 =	simm.s32 $0xA0  }
0x2d: {  	[tilespmem:s24], [sflag:$0x3] =	stream.indirect.gather [hbm4b:s1+s20], $0x80, s14, s20, $0xb8;
	[tilespmem:$0x1F900] =	vst v63  }
0x2e: {  	_ =	swait.ge [sflag:s25], $0x2800  }
0x2f: {  	[sflag:s25] =	ssyncset.done $0x0  }
0x30: {  	s23 =	simm.s32 $0x2780;
	[sflag:s25] =	ssyncadd.s32 $0xFFFFD800  }
0x31: {  	[spmem:s3] =	stream.indirect.scatter.add.f32 [tilespmem:s21], [sflag:$0x4], $0x80, s23, s20, $0xb8;
	[tilespmem:$0x1F900] =	vst v63  }
0x32: {  	_ =	swait.ge [sflag:s26], $0x2800  }
0x33: {  	[sflag:s26] =	ssyncset.done $0x0  }
0x34: {  	s0 =	simm.s32 $0x2800;
	[sflag:s26] =	ssyncadd.s32 $0xFFFFD800  }
0x35: {  	[spmem:s3] =	stream.indirect.scatter.add.f32 [tilespmem:s22], [sflag:$0x5], $0x80, s0, s20, $0xb8;
	[tilespmem:$0x1F900] =	vst v63  }
0x36: {  	_ =	swait.ge [sflag:s28], $0x2800  }
0x37: {  	[sflag:s28] =	ssyncset.done $0x0  }
0x38: {  	s5 =	simm.s32 $0x2880;
	[sflag:s28] =	ssyncadd.s32 $0xFFFFD800  }
0x39: {  	[spmem:s3] =	stream.indirect.scatter.add.f32 [tilespmem:s24], [sflag:$0x6], $0x80, s5, s20, $0xb8;
	[tilespmem:$0x1F900] =	vst v63  }
0x3a: {  	_ =	swait.ge [sflag:s29], $0x2800  }
0x3b: {  	[sflag:s29] =	ssyncset.done $0x0  }
0x3c: {  	s14 =	simm.s32 $0xF0;
	[sflag:s29] =	ssyncadd.s32 $0xFFFFD800  }
0x3d: {  	[tilespmem:s21], [sflag:$0x1] =	stream.indirect.gather [hbm4b:s1+s20], $0x80, s14, s20, $0xb8;
	[tilespmem:$0x1F900] =	vst v63  }
0x3e: {  	_ =	swait.ge [sflag:s30], $0x2800  }
0x3f: {  	[sflag:s30] =	ssyncset.done $0x0  }
0x40: {  	s23 =	simm.s32 $0x140;
	[sflag:s30] =	ssyncadd.s32 $0xFFFFD800  }
0x41: {  	[tilespmem:s22], [sflag:$0x2] =	stream.indirect.gather [hbm4b:s1+s20], $0x80, s23, s20, $0xb8;
	[tilespmem:$0x1F900] =	vst v63  }
0x42: {  	_ =	swait.ge [sflag:s31], $0x2800  }
0x43: {  	s2 =	simm.s32 $0x280;
	[sflag:s31] =	ssyncset.done $0x0  }
0x44: {  	s14 =	simm.s32 $0x190;
	s23 =	simm.s32 $0x600;
	[sflag:s31] =	ssyncadd.s32 $0xFFFFD800  }
.LBB2_2:
0x45: {  	[tilespmem:s24], [sflag:$0x3] =	stream.indirect.gather [hbm4b:s1+s20], $0x80, s14, s20, $0xb8;
	[tilespmem:$0x1F900] =	vst v63  }
0x46: {  	s0 =	smov.u32 s23;
	s14 =	smov.u32 s2  }
0x47: {  	p1 =	sne.s32 s23, $0x7800;
	s23 =	sadd.s32 $0x600, s23;
	_ =	swait.ge [sflag:s25], $0x2800  }
0x48: {  	s0 =	sshra.s32 s0, $0x2;
	[sflag:s25] =	ssyncset.done $0x0  }
0x49: {  	s5 =	sadd.s32 $0x2780, s0;
	[sflag:s25] =	ssyncadd.s32 $0xFFFFD800  }
0x4a: {  	[spmem:s3] =	stream.indirect.scatter.add.f32 [tilespmem:s21], [sflag:$0x4], $0x80, s5, s20, $0xb8;
	[tilespmem:$0x1F900] =	vst v63  }
0x4b: {  	_ =	swait.ge [sflag:s26], $0x2800  }
0x4c: {  	[sflag:s26] =	ssyncset.done $0x0  }
0x4d: {  	s5 =	sadd.s32 $0x2800, s0;
	[sflag:s26] =	ssyncadd.s32 $0xFFFFD800  }
0x4e: {  	[spmem:s3] =	stream.indirect.scatter.add.f32 [tilespmem:s22], [sflag:$0x5], $0x80, s5, s20, $0xb8;
	[tilespmem:$0x1F900] =	vst v63  }
0x4f: {  	_ =	swait.ge [sflag:s28], $0x2800  }
0x50: {  	[sflag:s28] =	ssyncset.done $0x0  }
0x51: {  	s0 =	sadd.s32 $0x2880, s0;
	[sflag:s28] =	ssyncadd.s32 $0xFFFFD800  }
0x52: {  	[spmem:s3] =	stream.indirect.scatter.add.f32 [tilespmem:s24], [sflag:$0x6], $0x80, s0, s20, $0xb8;
	[tilespmem:$0x1F900] =	vst v63  }
0x53: {  	_ =	swait.ge [sflag:s29], $0x2800  }
0x54: {  	[sflag:s29] =	ssyncset.done $0x0  }
0x55: {  	s0 =	sadd.s32 $0xFFFFFF60, s2;
	[sflag:s29] =	ssyncadd.s32 $0xFFFFD800  }
0x56: {  	[tilespmem:s21], [sflag:$0x1] =	stream.indirect.gather [hbm4b:s1+s20], $0x80, s0, s20, $0xb8;
	[tilespmem:$0x1F900] =	vst v63  }
0x57: {  	_ =	swait.ge [sflag:s30], $0x2800  }
0x58: {  	[sflag:s30] =	ssyncset.done $0x0  }
.Ltmp0:
0x59: {  	s0 =	sadd.s32 $0xFFFFFFB0, s2;
	[sflag:s30] =	ssyncadd.s32 $0xFFFFD800;
	(pc) =	sbr.rel @p1 .LBB2_2-.Ltmp0, $4  }
0x5a: {  	[tilespmem:s22], [sflag:$0x2] =	stream.indirect.gather [hbm4b:s1+s20], $0x80, s0, s20, $0xb8;
	[tilespmem:$0x1F900] =	vst v63  }
0x5b: {  	_ =	swait.ge [sflag:s31], $0x2800  }
0x5c: {  	[sflag:s31] =	ssyncset.done $0x0  }
0x5d: {  	s2 =	sadd.s32 $0xF0, s2;
	[sflag:s31] =	ssyncadd.s32 $0xFFFFD800  }
0x5e: {  	[tilespmem:s24], [sflag:$0x3] =	stream.indirect.gather [hbm4b:s1+s20], $0x80, s14, s20, $0xb8;
	[tilespmem:$0x1F900] =	vst v63  }
0x5f: {  	s0 =	simm.s32 $0x0  }
0x60: {  	[tilespmem:s16], [sflag:$0x7] =	stream.linear.gather [hbm4b:s9+s0], $0x1F80, $0x38;
	[tilespmem:$0x1F900] =	vst v63  }
0x61: {  	_ =	swait.ge [sflag:s15], $0x1F80  }
0x62: {  	[sflag:s15] =	ssyncset.done $0x0  }
0x63: {  	[sflag:s15] =	ssyncadd.s32 $0xFFFFE080  }
0x64: {  	_ =	swait.ge [sflag:s25], $0x2800  }
0x65: {  	[sflag:s25] =	ssyncset.done $0x0  }
0x66: {  	s23 =	simm.s32 $0x2780;
	[sflag:s25] =	ssyncadd.s32 $0xFFFFD800  }
0x67: {  	[spmem:s3] =	stream.indirect.scatter.add.f32 [tilespmem:s21], [sflag:$0x4], $0x80, s23, s20, $0xb8;
	[tilespmem:$0x1F900] =	vst v63  }
0x68: {  	_ =	swait.ge [sflag:s26], $0x2800  }
0x69: {  	[sflag:s26] =	ssyncset.done $0x0  }
0x6a: {  	s2 =	simm.s32 $0x2800;
	[sflag:s26] =	ssyncadd.s32 $0xFFFFD800  }
0x6b: {  	[spmem:s3] =	stream.indirect.scatter.add.f32 [tilespmem:s22], [sflag:$0x5], $0x80, s2, s20, $0xb8;
	[tilespmem:$0x1F900] =	vst v63  }
0x6c: {  	_ =	swait.ge [sflag:s28], $0x2800  }
0x6d: {  	[sflag:s28] =	ssyncset.done $0x0  }
0x6e: {  	s5 =	simm.s32 $0x2880;
	[sflag:s28] =	ssyncadd.s32 $0xFFFFD800  }
0x6f: {  	[spmem:s3] =	stream.indirect.scatter.add.f32 [tilespmem:s24], [sflag:$0x6], $0x80, s5, s20, $0xb8;
	[tilespmem:$0x1F900] =	vst v63  }
0x70: {  	_ =	swait.ge [sflag:s29], $0x2800  }
0x71: {  	[sflag:s29] =	ssyncset.done $0x0  }
0x72: {  	s14 =	simm.s32 $0x14A0;
	[sflag:s29] =	ssyncadd.s32 $0xFFFFD800  }
0x73: {  	[tilespmem:s21], [sflag:$0x1] =	stream.indirect.gather [hbm4b:s1+s20], $0x80, s14, s20, $0xb8;
	[tilespmem:$0x1F900] =	vst v63  }
0x74: {  	_ =	swait.ge [sflag:s30], $0x2800  }
0x75: {  	[sflag:s30] =	ssyncset.done $0x0  }
0x76: {  	s23 =	simm.s32 $0x14F0;
	[sflag:s30] =	ssyncadd.s32 $0xFFFFD800  }
0x77: {  	[tilespmem:s22], [sflag:$0x2] =	stream.indirect.gather [hbm4b:s1+s20], $0x80, s23, s20, $0xb8;
	[tilespmem:$0x1F900] =	vst v63  }
0x78: {  	_ =	swait.ge [sflag:s31], $0x2800  }
0x79: {  	s2 =	simm.s32 $0x1630;
	[sflag:s31] =	ssyncset.done $0x0  }
0x7a: {  	s14 =	simm.s32 $0x1540;
	s23 =	simm.s32 $0x600;
	[sflag:s31] =	ssyncadd.s32 $0xFFFFD800  }
.LBB2_4:
0x7b: {  	[tilespmem:s24], [sflag:$0x3] =	stream.indirect.gather [hbm4b:s1+s20], $0x80, s14, s20, $0xb8;
	[tilespmem:$0x1F900] =	vst v63  }
0x7c: {  	s0 =	smov.u32 s23;
	s14 =	smov.u32 s2  }
0x7d: {  	p1 =	sne.s32 s23, $0x6C00;
	s23 =	sadd.s32 $0x600, s23;
	_ =	swait.ge [sflag:s25], $0x2800  }
0x7e: {  	s0 =	sshra.s32 s0, $0x2;
	[sflag:s25] =	ssyncset.done $0x0  }
0x7f: {  	s5 =	sadd.s32 $0x2780, s0;
	[sflag:s25] =	ssyncadd.s32 $0xFFFFD800  }
0x80: {  	[spmem:s3] =	stream.indirect.scatter.add.f32 [tilespmem:s21], [sflag:$0x4], $0x80, s5, s20, $0xb8;
	[tilespmem:$0x1F900] =	vst v63  }
0x81: {  	_ =	swait.ge [sflag:s26], $0x2800  }
0x82: {  	[sflag:s26] =	ssyncset.done $0x0  }
0x83: {  	s5 =	sadd.s32 $0x2800, s0;
	[sflag:s26] =	ssyncadd.s32 $0xFFFFD800  }
0x84: {  	[spmem:s3] =	stream.indirect.scatter.add.f32 [tilespmem:s22], [sflag:$0x5], $0x80, s5, s20, $0xb8;
	[tilespmem:$0x1F900] =	vst v63  }
0x85: {  	_ =	swait.ge [sflag:s28], $0x2800  }
0x86: {  	[sflag:s28] =	ssyncset.done $0x0  }
0x87: {  	s0 =	sadd.s32 $0x2880, s0;
	[sflag:s28] =	ssyncadd.s32 $0xFFFFD800  }
0x88: {  	[spmem:s3] =	stream.indirect.scatter.add.f32 [tilespmem:s24], [sflag:$0x6], $0x80, s0, s20, $0xb8;
	[tilespmem:$0x1F900] =	vst v63  }
0x89: {  	_ =	swait.ge [sflag:s29], $0x2800  }
0x8a: {  	[sflag:s29] =	ssyncset.done $0x0  }
0x8b: {  	s0 =	sadd.s32 $0xFFFFFF60, s2;
	[sflag:s29] =	ssyncadd.s32 $0xFFFFD800  }
0x8c: {  	[tilespmem:s21], [sflag:$0x1] =	stream.indirect.gather [hbm4b:s1+s20], $0x80, s0, s20, $0xb8;
	[tilespmem:$0x1F900] =	vst v63  }
0x8d: {  	_ =	swait.ge [sflag:s30], $0x2800  }
0x8e: {  	[sflag:s30] =	ssyncset.done $0x0  }
.Ltmp1:
0x8f: {  	s0 =	sadd.s32 $0xFFFFFFB0, s2;
	[sflag:s30] =	ssyncadd.s32 $0xFFFFD800;
	(pc) =	sbr.rel @p1 .LBB2_4-.Ltmp1, $4  }
0x90: {  	[tilespmem:s22], [sflag:$0x2] =	stream.indirect.gather [hbm4b:s1+s20], $0x80, s0, s20, $0xb8;
	[tilespmem:$0x1F900] =	vst v63  }
0x91: {  	_ =	swait.ge [sflag:s31], $0x2800  }
0x92: {  	[sflag:s31] =	ssyncset.done $0x0  }
0x93: {  	s2 =	sadd.s32 $0xF0, s2;
	[sflag:s31] =	ssyncadd.s32 $0xFFFFD800  }
0x94: {  	[tilespmem:s24], [sflag:$0x3] =	stream.indirect.gather [hbm4b:s1+s20], $0x80, s14, s20, $0xb8;
	[tilespmem:$0x1F900] =	vst v63  }
0x95: {  	_ =	swait.ge [sflag:s25], $0x2800  }
0x96: {  	[sflag:s25] =	ssyncset.done $0x0  }
0x97: {  	s0 =	simm.s32 $0x4400;
	[sflag:s25] =	ssyncadd.s32 $0xFFFFD800  }
0x98: {  	[spmem:s3] =	stream.indirect.scatter.add.f32 [tilespmem:s21], [sflag:$0x4], $0x80, s0, s20, $0xb8;
	[tilespmem:$0x1F900] =	vst v63  }
0x99: {  	_ =	swait.ge [sflag:s26], $0x2800  }
0x9a: {  	[sflag:s26] =	ssyncset.done $0x0  }
0x9b: {  	s14 =	simm.s32 $0x4480;
	[sflag:s26] =	ssyncadd.s32 $0xFFFFD800  }
0x9c: {  	[spmem:s3] =	stream.indirect.scatter.add.f32 [tilespmem:s22], [sflag:$0x5], $0x80, s14, s20, $0xb8;
	[tilespmem:$0x1F900] =	vst v63  }
0x9d: {  	_ =	swait.ge [sflag:s28], $0x2800  }
0x9e: {  	[sflag:s28] =	ssyncset.done $0x0  }
0x9f: {  	s23 =	simm.s32 $0x4500;
	[sflag:s28] =	ssyncadd.s32 $0xFFFFD800  }
0xa0: {  	[spmem:s3] =	stream.indirect.scatter.add.f32 [tilespmem:s24], [sflag:$0x6], $0x80, s23, s20, $0xb8;
	[tilespmem:$0x1F900] =	vst v63  }
0xa1: {  	_ =	swait.ge [sflag:s29], $0x2800  }
0xa2: {  	[sflag:s29] =	ssyncset.done $0x0  }
0xa3: {  	s2 =	simm.s32 $0x2670;
	[sflag:s29] =	ssyncadd.s32 $0xFFFFD800  }
0xa4: {  	[tilespmem:s21], [sflag:$0x1] =	stream.indirect.gather [hbm4b:s1+s20], $0x80, s2, s20, $0xb8;
	[tilespmem:$0x1F900] =	vst v63  }
0xa5: {  	_ =	swait.ge [sflag:s30], $0x2800  }
0xa6: {  	[sflag:s30] =	ssyncset.done $0x0  }
0xa7: {  	s5 =	simm.s32 $0x26C0;
	[sflag:s30] =	ssyncadd.s32 $0xFFFFD800  }
0xa8: {  	[tilespmem:s22], [sflag:$0x2] =	stream.indirect.gather [hbm4b:s1+s20], $0x80, s5, s20, $0xb8;
	[tilespmem:$0x1F900] =	vst v63  }
0xa9: {  	_ =	swait.ge [sflag:s31], $0x2800  }
0xaa: {  	[sflag:s31] =	ssyncset.done $0x0  }
0xab: {  	[sflag:s31] =	ssyncadd.s32 $0xFFFFD800  }
0xac: {  	_ =	swait.ge [sflag:s25], $0x2800  }
0xad: {  	[sflag:s25] =	ssyncset.done $0x0  }
0xae: {  	s14 =	simm.s32 $0x4580;
	[sflag:s25] =	ssyncadd.s32 $0xFFFFD800  }
0xaf: {  	[spmem:s3] =	stream.indirect.scatter.add.f32 [tilespmem:s21], [sflag:$0x7], $0x80, s14, s20, $0xb8;
	[tilespmem:$0x1F900] =	vst v63  }
0xb0: {  	_ =	swait.ge [sflag:s15], $0x2800  }
0xb1: {  	[sflag:s15] =	ssyncset.done $0x0  }
0xb2: {  	[sflag:s15] =	ssyncadd.s32 $0xFFFFD800  }
0xb3: {  	_ =	swait.ge [sflag:s26], $0x2800  }
0xb4: {  	[sflag:s26] =	ssyncset.done $0x0  }
0xb5: {  	s23 =	simm.s32 $0x4600;
	[sflag:s26] =	ssyncadd.s32 $0xFFFFD800  }
0xb6: {  	[spmem:s3] =	stream.indirect.scatter.add.f32 [tilespmem:s22], [sflag:$0x7], $0x80, s23, s20, $0xb8;
	[tilespmem:$0x1F900] =	vst v63  }
0xb7: {  	_ =	swait.ge [sflag:s15], $0x2800  }
0xb8: {  	[sflag:s15] =	ssyncset.done $0x0  }
0xb9: {  	[sflag:s15] =	ssyncadd.s32 $0xFFFFD800  }
0xba: {  	[bflag:$0x0] =	sbarrier.arrive $0xFFFF  }
0xbb: {  	[hbm:s10], [sflag:s17] =	dma.local [spmem:s18], $0x2700  }
0xbc: {  	s13 =	sadd.s32 $0x1, s13;
	_ =	swait.ge [sflag:s15], $0x2700  }
0xbd: {  	p1 =	sne.s32 s13, s12;
	[sflag:s15] =	ssyncset.done $0x0  }
.Ltmp2:
0xbe: {  	s0 =	simm.s32 @!p0 $0x7;
	[sflag:s15] =	ssyncadd.s32 $0xFFFFD900;
	(pc) =	sbr.rel @p1 .LBB2_1-.Ltmp2, $4  }
0xbf: {  	[hbm:s11], [sflag:s17] =	dma.local @!p0 [spmem:s19], $0x100  }
0xc0: {  	_ =	swait.ge @!p0 [sflag:s0], $0x100  }
0xc1: {  	[sflag:s0] =	ssyncset.done @!p0 $0x0  }
0xc2: {  	[sflag:s0] =	ssyncadd.s32 @!p0 $0xFFFFFF00  }
0xc3: {  	_ =	sfence.sel $0x180000  }
0xc4: {  	[bflag:$0x0] =	sbarrier.arrive $0xFFFF  }
0xc5: {  	_ =	strace $0x9000004D  }
0xc6: {  	s0 =	stileid.u32;
	[bflag:$0x2] =	sbarrier.arrive $0xFFFF  }
0xc7: {  	p0 =	sne.s32 s0, $0x0;
	s0 =	rddreg [dreg:$0x3]  }
0xc8: {  	s0 =	sadd.s32 @!p0 $0x100000, s0  }
0xc9: {  	[sflag:s0] =	ssyncadd.tile.s32 @!p0 $0x1;
	_ =	shalt  }
.Lfunc_end2:
_tile_overlayer_lowered:
.L_overlay_start_2:
0xca: {  	(tag) =	ssettag $0x2  }
0xcb: {  	s0 =	rddreg [dreg:$0x0];
	s2 =	stileid.u32  }
0xcc: {  	s1 =	rddreg [dreg:$0x1];
	p0 =	sne.s32 s2, $0x0  }
0xcd: {  	s3 =	rddreg [dreg:$0x2];
	[bflag:$0x3] =	sbarrier.arrive $0xFFFF;
	s2 =	simm.s32 @!p0 $0x1C07  }
0xce: {  	[timem:s3], [sflag:s2] =	dma.local @!p0 [hbm:s0], s1  }
0xcf: {  	s0 =	simm.s32 @!p0 $0x7  }
0xd0: {  	_ =	swait.ge @!p0 [sflag:s0], s1  }
0xd1: {  	s1 =	ssub.s32 @!p0 $0x0, s1;
	[sflag:s0] =	ssyncset.done @!p0 $0x0  }
0xd2: {  	[sflag:s0] =	ssyncadd.s32 @!p0 s1  }
0xd3: {  	[bflag:$0x3] =	sbarrier.arrive $0xFFFF  }
0xd4: {  	_ =	shalt  }

// kernel: kernel.8.cloned.1.call-start
scs
__scs_entry_jumppad:
0x0: {  	(pc) =	sbr.rel $0x88, $3  }
0x1: {  	(tag) =	ssettag $0x0;
	lr =	simm.s32 $0x1  }
0x2: {  	[smem:$0x3F9B] =	sst lr;
	_ =	strace $0xD0000000  }
0x3: {  	_ = 	snop  }
0x4: {  	_ = 	snop  }
0x5: {  	_ = 	snop  }
0x6: {  	_ = 	snop  }
0x7: {  	_ = 	snop  }
__scs_overlays_trampoline_lowered:
0x8: {  	[smem:$0x3FAA] =	sst s0  }
0x9: {  	[smem:$0x3FAB] =	sst s1  }
0xa: {  	[smem:$0x3FAC] =	sst s2  }
0xb: {  	[smem:$0x3FAD] =	sst s3  }
0xc: {  	[smem:$0x3FAE] =	sst s4  }
0xd: {  	[smem:$0x3FAF] =	sst s5  }
0xe: {  	[smem:$0x3FB0] =	sst s6  }
0xf: {  	[smem:$0x3FB1] =	sst s7  }
0x10: {  	[smem:$0x3FB2] =	sst s8  }
0x11: {  	[smem:$0x3FB3] =	sst s9;
	s0 =	simm.s32 @!p0 $0x0  }
0x12: {  	s1 =	sld [smem:$0x3F99];
	s0 =	simm.s32 @p0 $0x1  }
0x13: {  	[smem:$0x3FB4] =	sst s0;
	s0 =	simm.s32 @!p1 $0x0  }
0x14: {  	s2 =	sld [smem:$0x3F98];
	s0 =	simm.s32 @p1 $0x1  }
0x15: {  	[smem:$0x3FB5] =	sst s0;
	s0 =	simm.s32 @!p2 $0x0  }
0x16: {  	s3 =	sld [smem:$0x3FDB];
	s0 =	simm.s32 @p2 $0x1  }
0x17: {  	s4 =	simm.s32 $0x1BF5;
	[smem:$0x3FB7] =	sst s0  }
0x18: {  	s0 =	sld [smem:$0x3F9A];
	_ =	swait.ge [sflag:s4], $0x0  }
0x19: {  	s7 =	sld [smem:$0x3F9B]  }
0x1a: {  	s8 =	sadd.s32 $0xFFFFE003, lr  }
0x1b: {  	s9 =	sadd.s32 $0xFFFFFEF7, lr;
	s5 =	simm.s32 $0xFFFFFFFF;
	p2 =	slt.u32 s8, $0xFFFFF086  }
0x1c: {  	p1 =	slt.u32 s9, $0xF7A;
	s5 =	simm.s32 @!p2 $0x0  }
0x1d: {  	s5 =	simm.s32 @p1 $0x1;
	p0 =	seq.s32 s7, s2  }
0x1e: {  	s7 =	smul.u32 @!p0 $0xF7A, s2;
	p2 =	seq.s32 @!p0 s5, $0x0  }
0x1f: {  	s9 =	smul.u32 $0xF7A, s1;
	s8 =	simm.s32 @!p0 $0x1BF5;
	p2 =	por !p2, p0  }
0x20: {  	[sflag:s8] =	ssyncset.s32 @!p0 $0xFFFFF086;
	s6 =	sadd.s32 @!p0 s3, s7;
	s7 =	simm.s32 @!p0 $0x108  }
0x21: {  	s3 =	sadd.s32 s3, s9;
	s6 =	sadd.s32 @!p0 $0x88, s6;
	s7 =	simm.s32 @p2 $0x1082  }
0x22: {  	[simem:s7], [sflag:s8] =	dma.local @!p0 [hbm:s6], $0xF7A  }
0x23: {  	s9 =	sor.u32 $0xD0000000, s2;
	s6 =	simm.s32 $0x108;
	_ =	swait.ge @!p0 [sflag:s8], $0x0  }
0x24: {  	s3 =	sadd.s32 $0x88, s3;
	s6 =	simm.s32 @!p1 $0x1082;
	[sflag:s4] =	ssyncset.s32 $0xFFFFF086  }
0x25: {  	[simem:s6], [sflag:s4] =	dma.local [hbm:s3], $0xF7A  }
0x26: {  	[smem:$0x3F9B] =	sst s1;
	(tag) =	ssettag s2;
	_ =	strace s9  }
0x27: {  	s1 =	sld [smem:$0x3FAB]  }
0x28: {  	s2 =	sld [smem:$0x3FAC]  }
0x29: {  	s4 =	sld [smem:$0x3FAE]  }
0x2a: {  	p0 =	seq.s32 s5, $0x0;
	s5 =	sld [smem:$0x3FAF]  }
0x2b: {  	s6 =	sld [smem:$0x3FB0]  }
0x2c: {  	s7 =	sld [smem:$0x3FB1]  }
0x2d: {  	s3 =	simm.s32 $0x108;
	s8 =	sld [smem:$0x3FB2]  }
0x2e: {  	s3 =	simm.s32 @!p0 $0x1082;
	s9 =	sld [smem:$0x3FB3]  }
0x2f: {  	lr =	sadd.s32 s0, s3;
	s0 =	sld [smem:$0x3FAA]  }
0x30: {  	s3 =	sld [smem:$0x3FAD]  }
0x31: {  	[smem:$0x3FB6] =	sst s10  }
0x32: {  	s10 =	sld [smem:$0x3FB4];
	_ =	sdelay $0x3  }
0x33: {  	p0 =	seq.s32 s10, $0x1;
	s10 =	sld [smem:$0x3FB6];
	_ =	sdelay $0x3  }
0x34: {  	[smem:$0x3FB6] =	sst s10  }
0x35: {  	s10 =	sld [smem:$0x3FB5];
	_ =	sdelay $0x3  }
0x36: {  	p1 =	seq.s32 s10, $0x1;
	s10 =	sld [smem:$0x3FB6];
	_ =	sdelay $0x3  }
0x37: {  	[smem:$0x3FB6] =	sst s10  }
0x38: {  	s10 =	sld [smem:$0x3FB7]  }
0x39: {  	_ = 	snop;
	(pc) =	sbr.ind lr, $3  }
0x3a: {  	_ = 	snop  }
0x3b: {  	_ = 	snop  }
0x3c: {  	p2 =	seq.s32 s10, $0x1;
	s10 =	sld [smem:$0x3FB6]  }
0x3d: {  	_ =	shalt  }
0x3e: {  	_ =	shalt  }
0x3f: {  	_ =	shalt  }
0x40: {  	_ =	shalt  }
0x41: {  	_ =	shalt  }
0x42: {  	_ =	shalt  }
0x43: {  	_ =	shalt  }
0x44: {  	_ =	shalt  }
0x45: {  	_ =	shalt  }
0x46: {  	_ =	shalt  }
0x47: {  	_ =	shalt  }
0x48: {  	_ =	shalt  }
0x49: {  	_ =	shalt  }
0x4a: {  	_ =	shalt  }
0x4b: {  	_ =	shalt  }
0x4c: {  	_ =	shalt  }
0x4d: {  	_ =	shalt  }
0x4e: {  	_ =	shalt  }
0x4f: {  	_ =	shalt  }
0x50: {  	_ =	shalt  }
0x51: {  	_ =	shalt  }
0x52: {  	_ =	shalt  }
0x53: {  	_ =	shalt  }
0x54: {  	_ =	shalt  }
0x55: {  	_ =	shalt  }
0x56: {  	_ =	shalt  }
0x57: {  	_ =	shalt  }
0x58: {  	_ =	shalt  }
0x59: {  	_ =	shalt  }
0x5a: {  	_ =	shalt  }
0x5b: {  	_ =	shalt  }
0x5c: {  	_ =	shalt  }
0x5d: {  	_ =	shalt  }
0x5e: {  	_ =	shalt  }
0x5f: {  	_ =	shalt  }
0x60: {  	_ =	shalt  }
0x61: {  	_ =	shalt  }
0x62: {  	_ =	shalt  }
0x63: {  	_ =	shalt  }
0x64: {  	_ =	shalt  }
0x65: {  	_ =	shalt  }
0x66: {  	_ =	shalt  }
0x67: {  	_ =	shalt  }
0x68: {  	_ =	shalt  }
0x69: {  	_ =	shalt  }
0x6a: {  	_ =	shalt  }
0x6b: {  	_ =	shalt  }
0x6c: {  	_ =	shalt  }
0x6d: {  	_ =	shalt  }
0x6e: {  	_ =	shalt  }
0x6f: {  	_ =	shalt  }
0x70: {  	_ =	shalt  }
0x71: {  	_ =	shalt  }
0x72: {  	_ =	shalt  }
0x73: {  	_ =	shalt  }
0x74: {  	_ =	shalt  }
0x75: {  	_ =	shalt  }
0x76: {  	_ =	shalt  }
0x77: {  	_ =	shalt  }
0x78: {  	_ =	shalt  }
0x79: {  	_ =	shalt  }
0x7a: {  	_ =	shalt  }
0x7b: {  	_ =	shalt  }
0x7c: {  	_ =	shalt  }
0x7d: {  	_ =	shalt  }
0x7e: {  	_ =	shalt  }
0x7f: {  	_ =	shalt  }
0x80: {  	_ =	shalt  }
0x81: {  	_ =	shalt  }
0x82: {  	_ =	shalt  }
0x83: {  	_ =	shalt  }
0x84: {  	_ =	shalt  }
0x85: {  	_ =	shalt  }
0x86: {  	_ =	shalt  }
0x87: {  	_ =	shalt  }
.Lfunc_end0:
.L_simem_size_0:
called_computation_lowered:
.L_overlay_start_0:
0x88: {  	s2 =	sld [smem:$0x3FD9]  }
0x89: {  	s3 =	sld [smem:$0x3FFE];
	_ =	sdelay $0x1  }
0x8a: {  	s1 =	srdreg.scid  }
0x8b: {  	s0 =	sand.u32 $0x1, s1  }
0x8c: {  	s17 =	sshll.u32 s0, $0xA;
	s2 =	sadd.s32 s3, s2  }
0x8d: {  	s2 =	sadd.s32 s2, s17  }
0x8e: {  	[smem:$0x3FC2] =	sst s2  }
0x8f: {  	_ = 	snop  }
0x90: {  	s2 =	sld [smem:$0x3FD0];
	(tm) =	ssettm $0x1  }
0x91: {  	s18 =	sld [smem:$0x3FFB];
	_ =	sdelay $0x3  }
0x92: {  	_ =	strace s18  }
0x93: {  	s3 =	sld [smem:$0x3FFC];
	_ =	sdelay $0x3  }
0x94: {  	_ =	strace s3  }
0x95: {  	s3 =	sld [smem:$0x3FFD];
	_ =	sdelay $0x3  }
0x96: {  	_ =	strace s3  }
0x97: {  	_ =	strace $0x8FFFFFFF  }
0x98: {  	s19 =	sld [smem:$0x3FDB];
	_ =	sdelay $0x1  }
0x99: {  	s4 =	simm.s32 $_scs_section_size  }
0x9a: {  	s5 =	simm.s32 $_size__tile_overlayer_lowered;
	s6 =	simm.s32 $_tile_overlayer_lowered  }
0x9b: {  	s22 =	simm.s32 $0x1BFF;
	s21 =	sshll.u32 s6, $0x1;
	s3 =	sadd.s32 s4, s19  }
0x9c: {  	s7 =	simm.s32 $0x0;
	s20 =	sshll.u32 s5, $0x1;
	s5 =	sadd.s32 s21, s3  }
0x9d: {  	[timem:s7], [sflag:s22] =	dma.local [hbm:s5], s20  }
0x9e: {  	_ =	swait.ge [sflag:s22], s20  }
0x9f: {  	s4 =	ssub.s32 $0x0, s20;
	[sflag:s22] =	ssyncset.done $0x0  }
0xa0: {  	[sflag:s22] =	ssyncadd.s32 s4;
	_ =	sdelay $0x1  }
0xa1: {  	s23 =	simm.s32 $0x1B8B  }
0xa2: {  	_ =	swait.ge [sflag:s23], $0x1  }
0xa3: {  	[sflag:s23] =	ssyncset.done $0x0  }
0xa4: {  	s25 =	simm.s32 $0x1B8E;
	s24 =	sld [smem:$0x3FFE];
	[sflag:s23] =	ssyncadd.s32 $0xFFFFFFFF  }
0xa5: {  	s26 =	simm.s32 $execute0_lowered;
	[smem:$0x3FD2] =	sst s25  }
0xa6: {  	s5 =	sshll.u32 s26, $0x1;
	_ =	strace $0x80000046;
	[dreg:$0x1] =	wrdreg $0xFFFFFFFF  }
0xa7: {  	s28 =	simm.s32 $_size_execute0_lowered;
	s3 =	sadd.s32 s3, s5;
	[dreg:$0x0] =	wrdreg $0x0  }
0xa8: {  	s5 =	sshll.u32 s28, $0x1;
	[dreg:$0x2] =	wrdreg s3  }
0xa9: {  	[dreg:$0x3] =	wrdreg s5  }
0xaa: {  	[dreg:$0x4] =	wrdreg $0xC0  }
0xab: {  	_ =	task [dreg:s7], $0x5FFFF  }
0xac: {  	[dreg:$0x1] =	wrdreg $0xFFFFFFFF  }
0xad: {  	[dreg:$0x0] =	wrdreg $0x60  }
0xae: {  	[dreg:$0x2] =	wrdreg s2  }
0xaf: {  	[dreg:$0x3] =	wrdreg s24  }
0xb0: {  	[dreg:$0x4] =	wrdreg $0x50800  }
0xb1: {  	[dreg:$0x5] =	wrdreg $0x9  }
0xb2: {  	_ =	task.clear_ibuf [dreg:s7], $0x6FFFF;
	_ =	strace $0x90000046  }
0xb3: {  	s29 =	simm.s32 $0x9;
	_ =	strace $0x80000048  }
0xb4: {  	_ =	swait.ge [sflag:s29], $0x1  }
0xb5: {  	[sflag:s29] =	ssyncadd.s32 $0xFFFFFFFF  }
0xb6: {  	_ =	strace $0x90000048  }
0xb7: {  	_ =	sfence  }
0xb8: {  	s30 =	sld [smem:$0x0];
	_ =	sdelay $0x2  }
0xb9: {  	s31 =	sshll.u32 s1, $0xD;
	s1 =	sshrl.u32 s1, $0x2  }
0xba: {  	s3 =	sand.u32 $0x4000, s31;
	s1 =	sadd.s32 s1, s30  }
0xbb: {  	s0 =	sor.u32 s3, s0;
	s1 =	sshll.u32 s1, $0x11  }
0xbc: {  	s0 =	sor.u32 s1, s0  }
0xbd: {  	s0 =	sadd.s32 $0x8F2B, s0  }
0xbe: {  	[sflag:s0] =	ssyncadd.remote.s32 $0x1  }
0xbf: {  	_ =	sfence.sel $0xFFFF  }
0xc0: {  	[dreg:$0x0] =	wrdreg $0xFFFFFFFF;
	(pc) =	sbr.abs _section_cstart, $3  }
0xc1: {  	[dreg:$0x1] =	wrdreg $0xFFFFFFFF  }
0xc2: {  	_ =	task.clear_ibuf [dreg:s7], $0x2FFFF;
	_ =	strace $0x9FFFFFFF  }
0xc3: {  	(tm) =	ssettm $0x7FFFFFFF  }
tec
execute0_lowered:
.L_overlay_start_1:
0x0: {  	(tag) =	ssettag $0x1  }
0x1: {  	s4 =	rddreg [dreg:$0x0]  }
0x2: {  	s5 =	rddreg [dreg:$0x1]  }
0x3: {  	s1 =	rddreg [dreg:$0x2]  }
0x4: {  	s2 =	srdreg.scid;
	s0 =	rddreg [dreg:$0x3]  }
0x5: {  	s11 =	stileid.u32;
	s12 =	simm.s32 $0x2000;
	s13 =	simm.s32 $0x3000  }
0x6: {  	s14 =	simm.s32 $0x4000;
	s15 =	simm.s32 $0x2;
	s17 =	simm.s32 $0x50  }
0x7: {  	s18 =	simm.s32 $0x5000;
	s19 =	simm.s32 $0x0;
	s3 =	sand.u32 $0x1, s2  }
0x8: {  	s2 =	simm.s32 $0x0;
	p0 =	sne.s32 s11, $0x0;
	s6 =	sshll.u32 s3, $0x4  }
0x9: {  	[smem:$0x7FF] =	sst s2;
	s8 =	ssub.s32 $0x2, s3;
	s7 =	sor.u32 s11, s6  }
0xa: {  	s3 =	sadd.s32 $0x2000, s5;
	s16 =	sshrl.u32 @!p0 s1, $0x3;
	s7 =	smul.u32 $0xA00, s7  }
0xb: {  	_ =	strace $0x80000047;
	s5 =	sadd.s32 s6, s5;
	s31 =	sshrl.u32 s8, $0x1  }
0xc: {  	s11 =	simm.s32 $0x1000;
	s6 =	ssub.s32 s8, s31;
	s4 =	sadd.s32 s4, s7  }
0xd: {  	s5 =	sadd.s32 $0x2600, s5;
	s6 =	smax.u32 s6, $0x1;
	s7 =	sadd.s32 $0x200, s4  }
0xe: {  	v0 =	vimm.f32 $1.000000000e+00;
	s8 =	sadd.s32 $0x400, s4;
	s9 =	sadd.s32 $0x600, s4;
	s10 =	sadd.s32 $0x800, s4  }
.LBB2_1:
0xf: {  	[tilespmem:s2], [sflag:$0x2] =	stream.linear.gather [hbm4b:s4+s2], $0xC80, $0x38;
	[tilespmem:$0x52F8] =	vst v63  }
0x10: {  	_ = 	snop  }
0x11: {  	[tilespmem:s11], [sflag:$0x2] =	stream.linear.gather [hbm4b:s7+s2], $0xC80, $0x38;
	[tilespmem:$0x52F8] =	vst v63  }
0x12: {  	_ = 	snop  }
0x13: {  	[tilespmem:s12], [sflag:$0x2] =	stream.linear.gather [hbm4b:s8+s2], $0xC80, $0x38;
	[tilespmem:$0x52F8] =	vst v63  }
0x14: {  	_ = 	snop  }
0x15: {  	[tilespmem:s13], [sflag:$0x2] =	stream.linear.gather [hbm4b:s9+s2], $0xC80, $0x38;
	[tilespmem:$0x52F8] =	vst v63  }
0x16: {  	_ = 	snop  }
0x17: {  	[tilespmem:s14], [sflag:$0x2] =	stream.linear.gather [hbm4b:s10+s2], $0xC80, $0x38;
	[tilespmem:$0x52F8] =	vst v63  }
0x18: {  	_ =	swait.ge [sflag:s15], $0x3E80  }
0x19: {  	[sflag:s15] =	ssyncset.done $0x0  }
0x1a: {  	[sflag:s15] =	ssyncadd.s32 $0xFFFFC180  }
0x1b: {  	[tilespmem:$0x5000] =	vst v0  }
0x1c: {  	[tilespmem:$0x5010] =	vst v0  }
0x1d: {  	[tilespmem:$0x5020] =	vst v0  }
0x1e: {  	[tilespmem:$0x5030] =	vst v0  }
0x1f: {  	s20 =	simm.s32 @!p0 $0x1C01;
	[tilespmem:$0x5040] =	vst v0  }
0x20: {  	[spmem:s16], [sflag:s20] =	dma.local @!p0 [hbm:s3], $0x4F0  }
0x21: {  	s20 =	simm.s32 @!p0 $0x1  }
0x22: {  	_ =	swait.ge @!p0 [sflag:s20], $0x4F0  }
0x23: {  	[sflag:s20] =	ssyncset.done @!p0 $0x0  }
0x24: {  	[sflag:s20] =	ssyncadd.s32 @!p0 $0xFFFFFB10  }
0x25: {  	s31 =	simm.s32 $0x0;
	[bflag:$0x0] =	sbarrier.arrive $0xFFFF  }
0x26: {  	[spmem:s1] =	stream.indirect.scatter.add.f32 [tilespmem:s18], [sflag:$0x2], $0x1, s31, s17, $0xb8;
	[tilespmem:$0x52F8] =	vst v63  }
0x27: {  	_ =	swait.ge [sflag:s15], $0x50  }
0x28: {  	s20 =	simm.s32 $0x200;
	[sflag:s15] =	ssyncset.done $0x0  }
.LBB2_2:
0x29: {  	s21 =	sshra.s32 s20, $0x2;
	[sflag:s15] =	ssyncadd.s32 $0xFFFFFFB0;
	p1 =	sne.s32 s20, $0x3000  }
0x2a: {  	[spmem:s1] =	stream.indirect.scatter.add.f32 [tilespmem:s18], [sflag:$0x2], $0x1, s21, s17, $0xb8;
	[tilespmem:$0x52F8] =	vst v63  }
.Ltmp0:
0x2b: {  	_ = 	snop;
	(pc) =	sbr.rel @p1 .LBB2_2-.Ltmp0, $4  }
0x2c: {  	_ = 	snop  }
0x2d: {  	s20 =	sadd.s32 $0x200, s20  }
0x2e: {  	_ =	swait.ge [sflag:s15], $0x50  }
0x2f: {  	[sflag:s15] =	ssyncset.done $0x0  }
0x30: {  	[sflag:s15] =	ssyncadd.s32 $0xFFFFFFB0;
	s20 =	simm.s32 $0x1000  }
0x31: {  	[spmem:s1] =	stream.indirect.scatter.add.f32 [tilespmem:s18], [sflag:$0x2], $0x1, s20, s17, $0xb8;
	[tilespmem:$0x52F8] =	vst v63  }
0x32: {  	s20 =	simm.s32 $0x200;
	_ =	swait.ge [sflag:s15], $0x50  }
.LBB2_4:
0x33: {  	s21 =	sshra.s32 s20, $0x2;
	[sflag:s15] =	ssyncset.done $0x0;
	p1 =	sne.s32 s20, $0x3000  }
.Ltmp1:
0x34: {  	s21 =	sadd.s32 $0x1000, s21;
	[sflag:s15] =	ssyncadd.s32 $0xFFFFFFB0;
	(pc) =	sbr.rel @p1 .LBB2_4-.Ltmp1, $3  }
0x35: {  	[spmem:s1] =	stream.indirect.scatter.add.f32 [tilespmem:s18], [sflag:$0x2], $0x1, s21, s17, $0xb8;
	[tilespmem:$0x52F8] =	vst v63  }
0x36: {  	s20 =	sadd.s32 $0x200, s20;
	_ =	sdelay $0x1  }
0x37: {  	_ =	swait.ge [sflag:s15], $0x50  }
0x38: {  	[sflag:s15] =	ssyncset.done $0x0  }
0x39: {  	s20 =	simm.s32 $0x2000;
	[sflag:s15] =	ssyncadd.s32 $0xFFFFFFB0  }
0x3a: {  	[spmem:s1] =	stream.indirect.scatter.add.f32 [tilespmem:s18], [sflag:$0x2], $0x1, s20, s17, $0xb8;
	[tilespmem:$0x52F8] =	vst v63  }
0x3b: {  	s20 =	simm.s32 $0x200;
	_ =	swait.ge [sflag:s15], $0x50  }
.LBB2_6:
0x3c: {  	s21 =	sshra.s32 s20, $0x2;
	[sflag:s15] =	ssyncset.done $0x0;
	p1 =	sne.s32 s20, $0x3000  }
.Ltmp2:
0x3d: {  	s21 =	sadd.s32 $0x2000, s21;
	[sflag:s15] =	ssyncadd.s32 $0xFFFFFFB0;
	(pc) =	sbr.rel @p1 .LBB2_6-.Ltmp2, $3  }
0x3e: {  	[spmem:s1] =	stream.indirect.scatter.add.f32 [tilespmem:s18], [sflag:$0x2], $0x1, s21, s17, $0xb8;
	[tilespmem:$0x52F8] =	vst v63  }
0x3f: {  	s20 =	sadd.s32 $0x200, s20;
	_ =	sdelay $0x1  }
0x40: {  	_ =	swait.ge [sflag:s15], $0x50  }
0x41: {  	[sflag:s15] =	ssyncset.done $0x0  }
0x42: {  	s20 =	simm.s32 $0x3000;
	[sflag:s15] =	ssyncadd.s32 $0xFFFFFFB0  }
0x43: {  	[spmem:s1] =	stream.indirect.scatter.add.f32 [tilespmem:s18], [sflag:$0x2], $0x1, s20, s17, $0xb8;
	[tilespmem:$0x52F8] =	vst v63  }
0x44: {  	s20 =	simm.s32 $0x200;
	_ =	swait.ge [sflag:s15], $0x50  }
.LBB2_8:
0x45: {  	s21 =	sshra.s32 s20, $0x2;
	[sflag:s15] =	ssyncset.done $0x0;
	p1 =	sne.s32 s20, $0x3000  }
.Ltmp3:
0x46: {  	s21 =	sadd.s32 $0x3000, s21;
	[sflag:s15] =	ssyncadd.s32 $0xFFFFFFB0;
	(pc) =	sbr.rel @p1 .LBB2_8-.Ltmp3, $3  }
0x47: {  	[spmem:s1] =	stream.indirect.scatter.add.f32 [tilespmem:s18], [sflag:$0x2], $0x1, s21, s17, $0xb8;
	[tilespmem:$0x52F8] =	vst v63  }
0x48: {  	s20 =	sadd.s32 $0x200, s20;
	_ =	sdelay $0x1  }
0x49: {  	_ =	swait.ge [sflag:s15], $0x50  }
0x4a: {  	[sflag:s15] =	ssyncset.done $0x0  }
0x4b: {  	s20 =	simm.s32 $0x4000;
	[sflag:s15] =	ssyncadd.s32 $0xFFFFFFB0  }
0x4c: {  	[spmem:s1] =	stream.indirect.scatter.add.f32 [tilespmem:s18], [sflag:$0x2], $0x1, s20, s17, $0xb8;
	[tilespmem:$0x52F8] =	vst v63  }
0x4d: {  	s20 =	simm.s32 $0x200;
	_ =	swait.ge [sflag:s15], $0x50  }
.LBB2_10:
0x4e: {  	s21 =	sshra.s32 s20, $0x2;
	[sflag:s15] =	ssyncset.done $0x0;
	p1 =	sne.s32 s20, $0x3000  }
.Ltmp4:
0x4f: {  	s21 =	sadd.s32 $0x4000, s21;
	[sflag:s15] =	ssyncadd.s32 $0xFFFFFFB0;
	(pc) =	sbr.rel @p1 .LBB2_10-.Ltmp4, $3  }
0x50: {  	[spmem:s1] =	stream.indirect.scatter.add.f32 [tilespmem:s18], [sflag:$0x2], $0x1, s21, s17, $0xb8;
	[tilespmem:$0x52F8] =	vst v63  }
0x51: {  	s20 =	sadd.s32 $0x200, s20;
	_ =	sdelay $0x1  }
0x52: {  	_ =	swait.ge [sflag:s15], $0x50  }
0x53: {  	[sflag:s15] =	ssyncset.done $0x0;
	s20 =	simm.s32 @!p0 $0x1;
	s21 =	simm.s32 @!p0 $0x20  }
0x54: {  	s22 =	simm.s32 @!p0 $0x10;
	s19 =	sadd.s32 $0x1, s19;
	[sflag:s15] =	ssyncadd.s32 $0xFFFFFFB0  }
0x55: {  	s23 =	simm.s32 @!p0 $0x1C02;
	p1 =	sne.s32 s19, s6;
	[bflag:$0x0] =	sbarrier.arrive $0xFFFF  }
0x56: {  	[hbm:s5@s21], [sflag:s23] =	dma.strided @!p0 [spmem:s16@s22], $0x4F0, s20, $0x10   }
.Ltmp5:
0x57: {  	_ = 	snop;
	(pc) =	sbr.rel @p1 .LBB2_1-.Ltmp5, $4  }
0x58: {  	s20 =	simm.s32 @!p0 $0x2  }
0x59: {  	_ =	swait.ge @!p0 [sflag:s20], $0x4F0  }
0x5a: {  	[sflag:s20] =	ssyncset.done @!p0 $0x0  }
0x5b: {  	[sflag:s20] =	ssyncadd.s32 @!p0 $0xFFFFFB10  }
0x5c: {  	_ =	sfence.sel $0x180000  }
0x5d: {  	[bflag:$0x0] =	sbarrier.arrive $0xFFFF  }
0x5e: {  	_ =	strace $0x90000047  }
0x5f: {  	s0 =	sadd.s32 @!p0 $0x100000, s0;
	[bflag:$0x2] =	sbarrier.arrive $0xFFFF  }
0x60: {  	[sflag:s0] =	ssyncadd.tile.s32 @!p0 $0x1;
	_ =	shalt  }
.Lfunc_end2:
_tile_overlayer_lowered:
.L_overlay_start_2:
0x61: {  	(tag) =	ssettag $0x2  }
0x62: {  	s0 =	rddreg [dreg:$0x0];
	s2 =	stileid.u32  }
0x63: {  	s1 =	rddreg [dreg:$0x1];
	p0 =	sne.s32 s2, $0x0  }
0x64: {  	s3 =	rddreg [dreg:$0x2];
	[bflag:$0x3] =	sbarrier.arrive $0xFFFF;
	s2 =	simm.s32 @!p0 $0x1C02  }
0x65: {  	[timem:s3], [sflag:s2] =	dma.local @!p0 [hbm:s0], s1  }
0x66: {  	s0 =	simm.s32 @!p0 $0x2  }
0x67: {  	_ =	swait.ge @!p0 [sflag:s0], s1  }
0x68: {  	s1 =	ssub.s32 @!p0 $0x0, s1;
	[sflag:s0] =	ssyncset.done @!p0 $0x0  }
0x69: {  	[sflag:s0] =	ssyncadd.s32 @!p0 s1  }
0x6a: {  	[bflag:$0x3] =	sbarrier.arrive $0xFFFF  }
0x6b: {  	_ =	shalt  }

</sc_bundles>
